<compile_context>
chip_gen: v7x
topology: tpu7x:2x2x1
jax: 0.10.2.dev20260603
libtpu: 0.0.44.dev20260713+nightly
codegen_flags: <defaults>
</compile_context>

<pallas_src>
import functools

import jax
import jax.numpy as jnp
from jax import lax
from jax.experimental import pallas as pl
from jax.experimental.pallas import tpu as pltpu
from jax.experimental.pallas import tpu_sc as plsc

TOKEN_BLOCK = 1024
E_FIXED = 64
TOPK = 8


def _probs_kernel(h_ref, w_ref, probs_ref):
    h = h_ref[...]
    w = w_ref[...]
    logits = jax.lax.dot_general(
        h, w, (((1,), (1,)), ((), ())), preferred_element_type=jnp.float32
    )
    e = jnp.exp(logits)
    z = jnp.sum(e, axis=-1, keepdims=True)
    probs_ref[...] = e * (1.0 / z)


def _tc_probs(flat, weight):
    T, H = flat.shape
    E = weight.shape[0]
    tb = min(TOKEN_BLOCK, T)
    return pl.pallas_call(
        _probs_kernel,
        grid=(T // tb,),
        in_specs=[
            pl.BlockSpec((tb, H), lambda i: (i, 0)),
            pl.BlockSpec((E, H), lambda i: (0, 0)),
        ],
        out_specs=pl.BlockSpec((tb, E), lambda i: (i, 0)),
        out_shape=jax.ShapeDtypeStruct((T, E), jnp.float32),
        compiler_params=pltpu.CompilerParams(
            dimension_semantics=("parallel",)
        ),
    )(flat, weight)


def _sc_topk_body(probs_hbm, vals_hbm, idx_hbm, chunk_v, vals_v, idx_v):
    E = E_FIXED
    nw = 32
    T = probs_hbm.shape[0] // E
    rows = T // nw
    wid = lax.axis_index("s") * 2 + lax.axis_index("c")
    base = wid * rows

    pltpu.sync_copy(probs_hbm.at[pl.ds(base * E, rows * E)], chunk_v)

    lane = lax.iota(jnp.int32, 16)
    neg1 = jnp.full((16,), -1.0, jnp.float32)

    def group_body(g, carry):
        row_idx = g * 16 + lane
        elem_base = row_idx * E
        r = [neg1] * TOPK
        for e in range(E):
            x = plsc.load_gather(chunk_v, [elem_base + e])
            xb = plsc.bitcast(x, jnp.int32)
            cur = plsc.bitcast(
                (xb & jnp.int32(-E)) | jnp.int32(E - 1 - e), jnp.float32
            )
            for j in range(TOPK):
                hi = jnp.maximum(r[j], cur)
                cur = jnp.minimum(r[j], cur)
                r[j] = hi
        vals = []
        idxs = []
        for j in range(TOPK):
            tb_ = plsc.bitcast(r[j], jnp.int32)
            idxs.append(jnp.int32(E - 1) - (tb_ & jnp.int32(E - 1)))
            vals.append(plsc.bitcast(tb_ & jnp.int32(-E), jnp.float32))
        s = vals[0]
        for j in range(1, TOPK):
            s = s + vals[j]
        inv = 1.0 / s
        out_base = row_idx * TOPK
        for j in range(TOPK):
            plsc.store_scatter(vals_v, [out_base + j], vals[j] * inv)
            plsc.store_scatter(idx_v, [out_base + j], idxs[j])
        return carry

    lax.fori_loop(0, rows // 16, group_body, 0)

    pltpu.sync_copy(vals_v, vals_hbm.at[pl.ds(base * TOPK, rows * TOPK)])
    pltpu.sync_copy(idx_v, idx_hbm.at[pl.ds(base * TOPK, rows * TOPK)])


def _sc_topk(probs):
    T, E = probs.shape
    rows = T // 32
    mesh = plsc.VectorSubcoreMesh(core_axis_name="c", subcore_axis_name="s")
    fn = pl.kernel(
        _sc_topk_body,
        mesh=mesh,
        out_type=[
            jax.ShapeDtypeStruct((T * TOPK,), jnp.float32),
            jax.ShapeDtypeStruct((T * TOPK,), jnp.int32),
        ],
        scratch_types=[
            pltpu.VMEM((rows * E,), jnp.float32),
            pltpu.VMEM((rows * TOPK,), jnp.float32),
            pltpu.VMEM((rows * TOPK,), jnp.int32),
        ],
        compiler_params=pltpu.CompilerParams(needs_layout_passes=False),
    )
    return fn(probs.reshape(T * E))


def kernel(hidden_states, weight):
    B, S, H = hidden_states.shape
    E = weight.shape[0]
    T = B * S
    flat = hidden_states.reshape(T, H)
    probs = _tc_probs(flat, weight)
    vals, idxs = _sc_topk(probs)
    return (
        probs.reshape(B, S, E),
        vals.reshape(B, S, TOPK),
        idxs.reshape(B, S, TOPK),
    )

# --- scband reference (transcript-rebuilt; emitter-appended) ---
"""Pipeline reference for scband-fake-flex-olmo-router-11793980194914 (READ-ONLY COPY).

The authoritative reference and input builder live on the scoring server;
editing this copy changes nothing except your own understanding.
"""

import jax, jax.numpy as jnp
import numpy as np

B, S, H, E, TOP_K = 4, 4096, 4096, 64, 8

def setup_inputs(seed: int = 0) -> dict:
    key = jax.random.key(seed)
    k1, k2 = jax.random.split(key)
    hidden_states = jax.random.normal(k1, (B, S, H), dtype=jnp.float32)
    weight = jax.random.normal(k2, (E, H), dtype=jnp.float32) * 0.02
    return {"hidden_states": hidden_states, "weight": weight}

def reference(hidden_states, weight):
    batch_size, sequence_length, hidden_dim = hidden_states.shape
    num_experts = weight.shape[0]
    effective_top_k = min(TOP_K, num_experts)
    flat_hidden = hidden_states.reshape(-1, hidden_dim)
    router_logits = flat_hidden @ weight.T
    router_probs = jax.nn.softmax(router_logits.astype(jnp.float32), axis=-1)
    top_values, top_indices = jax.lax.top_k(router_probs, effective_top_k)
    # norm_topk_prob = True
    top_values = top_values / jnp.sum(top_values, axis=-1, keepdims=True)
    router_probs_out = router_probs.reshape(batch_size, sequence_length, num_experts)
    top_values_out = top_values.reshape(batch_size, sequence_length, effective_top_k).astype(router_probs.dtype)
    top_indices_out = top_indices.reshape(batch_size, sequence_length, effective_top_k)
    return (router_probs_out, top_values_out, top_indices_out)

if __name__ == "__main__":
    import jax
    _d = setup_inputs()
    print(jax.jit(kernel)(*tuple(_d.values())))

</pallas_src>

<mosaic_0001>
#map = affine_map<(d0, d1) -> (0)>
module attributes {stable_mosaic.version = 14 : i64} {
  func.func @_sc_topk_body(%arg0: i32, %arg1: i32, %arg2: memref<1048576xf32, #tpu.memory_space<hbm>>, %arg3: memref<131072xf32, #tpu.memory_space<hbm>>, %arg4: memref<131072xi32, #tpu.memory_space<hbm>>, %arg5: memref<32768xf32, #tpu.memory_space<vmem>>, %arg6: memref<4096xf32, #tpu.memory_space<vmem>>, %arg7: memref<4096xi32, #tpu.memory_space<vmem>>) attributes {dimension_semantics = [#tpu.dimension_semantics<core_parallel>, #tpu.dimension_semantics<subcore_parallel>], iteration_bounds = array<i64: 2, 16>, scalar_prefetch = 0 : i64, scratch_operands = 3 : i64, tpu.core_type = #tpu.core_type<sc_vector_subcore>, window_params = [{transform_indices = #map}, {transform_indices = #map}, {transform_indices = #map}]} {
    %mul3A = arith.constant 2 : i32
    %mul3A_0 = arith.muli %arg1, %mul3A : i32
    %add3A = arith.addi %mul3A_0, %arg0 : i32
    %mul3A_1 = arith.constant 512 : i32
    %mul3A_2 = arith.muli %add3A, %mul3A_1 : i32
    %mul3A_3 = arith.constant 64 : i32
    %mul3A_4 = arith.muli %mul3A_2, %mul3A_3 : i32
    "tpu.region"() ({
      %run_scoped3A = tpu.sem_alloc : memref<!tpu.dma_semaphore, #tpu.memory_space<semaphore_mem>>
      %dma_start3A = tpu.memref_slice %arg2[%mul3A_4] : memref<1048576xf32, #tpu.memory_space<hbm>> -> memref<32768xf32, #tpu.memory_space<hbm>>
      %dma_start3A_15 = tpu.memref_slice %arg2[%mul3A_4] : memref<1048576xf32, #tpu.memory_space<hbm>> -> memref<32768xf32, #tpu.memory_space<hbm>>
      tpu.enqueue_dma source(%dma_start3A_15 : memref<32768xf32, #tpu.memory_space<hbm>>) target(%arg5 : memref<32768xf32, #tpu.memory_space<vmem>>) target_semaphore(%run_scoped3A : memref<!tpu.dma_semaphore, #tpu.memory_space<semaphore_mem>>)
      %dma_wait3A = tpu.memref_slice %arg2[%mul3A_4] : memref<1048576xf32, #tpu.memory_space<hbm>> -> memref<32768xf32, #tpu.memory_space<hbm>>
      %dma_wait3A_16 = tpu.memref_slice %arg2[%mul3A_4] : memref<1048576xf32, #tpu.memory_space<hbm>> -> memref<32768xf32, #tpu.memory_space<hbm>>
      tpu.wait_dma2 semaphore(%run_scoped3A : memref<!tpu.dma_semaphore, #tpu.memory_space<semaphore_mem>>) src(%dma_wait3A_16 : memref<32768xf32, #tpu.memory_space<hbm>>) dst(%arg5 : memref<32768xf32, #tpu.memory_space<vmem>>)
      tpu.yield
    }) : () -> ()
    %iota3A = tpu.iota {dimensions = array<i32: 0>} : vector<16xi32>
    %broadcast_in_dim3A = arith.constant -1.000000e+00 : f32
    %broadcast_in_dim3A_5 = vector.broadcast %broadcast_in_dim3A : f32 to vector<16xf32>
    %scan3A = arith.constant 0 : i32
    %scan3A_6 = arith.constant 0 : i32
    %scan3A_7 = arith.constant 32 : i32
    %scan3A_8 = arith.addi %scan3A_6, %scan3A_7 : i32
    %scan3A_9 = arith.constant 1 : i32
    scf.for %scan3A_15 = %scan3A_6 to %scan3A_8 step %scan3A_9  : i32 {
      %mul3A_16 = arith.constant 16 : i32
      %mul3A_17 = arith.muli %scan3A_15, %mul3A_16 : i32
      %add3A_18 = vector.broadcast %mul3A_17 : i32 to vector<16xi32>
      %add3A_19 = arith.addi %add3A_18, %iota3A : vector<16xi32>
      %mul3A_20 = arith.constant 64 : i32
      %mul3A_21 = vector.broadcast %mul3A_20 : i32 to vector<16xi32>
      %mul3A_22 = arith.muli %add3A_19, %mul3A_21 : vector<16xi32>
      %add3A_23 = arith.constant 0 : i32
      %add3A_24 = vector.broadcast %add3A_23 : i32 to vector<16xi32>
      %add3A_25 = arith.addi %mul3A_22, %add3A_24 : vector<16xi32>
      %gather3A = tpu.vector_load_idx %arg5[%add3A_25] : memref<32768xf32, #tpu.memory_space<vmem>>[vector<16xi32>], vector<16xf32>,
      %bitcast3A = vector.bitcast %gather3A : vector<16xf32> to vector<16xi32>
      %and3A = arith.constant -64 : i32
      %and3A_26 = vector.broadcast %and3A : i32 to vector<16xi32>
      %and3A_27 = arith.andi %bitcast3A, %and3A_26 : vector<16xi32>
      %or3A = arith.constant 63 : i32
      %or3A_28 = vector.broadcast %or3A : i32 to vector<16xi32>
      %or3A_29 = arith.ori %and3A_27, %or3A_28 : vector<16xi32>
      %bitcast3A_30 = vector.bitcast %or3A_29 : vector<16xi32> to vector<16xf32>
      %max3A = arith.maximumf %broadcast_in_dim3A_5, %bitcast3A_30 : vector<16xf32>
      %min3A = arith.minimumf %broadcast_in_dim3A_5, %bitcast3A_30 : vector<16xf32>
      %max3A_31 = arith.maximumf %broadcast_in_dim3A_5, %min3A : vector<16xf32>
      %min3A_32 = arith.minimumf %broadcast_in_dim3A_5, %min3A : vector<16xf32>
      %max3A_33 = arith.maximumf %broadcast_in_dim3A_5, %min3A_32 : vector<16xf32>
      %min3A_34 = arith.minimumf %broadcast_in_dim3A_5, %min3A_32 : vector<16xf32>
      %max3A_35 = arith.maximumf %broadcast_in_dim3A_5, %min3A_34 : vector<16xf32>
      %min3A_36 = arith.minimumf %broadcast_in_dim3A_5, %min3A_34 : vector<16xf32>
      %max3A_37 = arith.maximumf %broadcast_in_dim3A_5, %min3A_36 : vector<16xf32>
      %min3A_38 = arith.minimumf %broadcast_in_dim3A_5, %min3A_36 : vector<16xf32>
      %max3A_39 = arith.maximumf %broadcast_in_dim3A_5, %min3A_38 : vector<16xf32>
      %min3A_40 = arith.minimumf %broadcast_in_dim3A_5, %min3A_38 : vector<16xf32>
      %max3A_41 = arith.maximumf %broadcast_in_dim3A_5, %min3A_40 : vector<16xf32>
      %min3A_42 = arith.minimumf %broadcast_in_dim3A_5, %min3A_40 : vector<16xf32>
      %max3A_43 = arith.maximumf %broadcast_in_dim3A_5, %min3A_42 : vector<16xf32>
      %min3A_44 = arith.minimumf %broadcast_in_dim3A_5, %min3A_42 : vector<16xf32>
      %add3A_45 = arith.constant 1 : i32
      %add3A_46 = vector.broadcast %add3A_45 : i32 to vector<16xi32>
      %add3A_47 = arith.addi %mul3A_22, %add3A_46 : vector<16xi32>
      %gather3A_48 = tpu.vector_load_idx %arg5[%add3A_47] : memref<32768xf32, #tpu.memory_space<vmem>>[vector<16xi32>], vector<16xf32>,
      %bitcast3A_49 = vector.bitcast %gather3A_48 : vector<16xf32> to vector<16xi32>
      %and3A_50 = arith.constant -64 : i32
      %and3A_51 = vector.broadcast %and3A_50 : i32 to vector<16xi32>
      %and3A_52 = arith.andi %bitcast3A_49, %and3A_51 : vector<16xi32>
      %or3A_53 = arith.constant 62 : i32
      %or3A_54 = vector.broadcast %or3A_53 : i32 to vector<16xi32>
      %or3A_55 = arith.ori %and3A_52, %or3A_54 : vector<16xi32>
      %bitcast3A_56 = vector.bitcast %or3A_55 : vector<16xi32> to vector<16xf32>
      %max3A_57 = arith.maximumf %max3A, %bitcast3A_56 : vector<16xf32>
      %min3A_58 = arith.minimumf %max3A, %bitcast3A_56 : vector<16xf32>
      %max3A_59 = arith.maximumf %max3A_31, %min3A_58 : vector<16xf32>
      %min3A_60 = arith.minimumf %max3A_31, %min3A_58 : vector<16xf32>
      %max3A_61 = arith.maximumf %max3A_33, %min3A_60 : vector<16xf32>
      %min3A_62 = arith.minimumf %max3A_33, %min3A_60 : vector<16xf32>
      %max3A_63 = arith.maximumf %max3A_35, %min3A_62 : vector<16xf32>
      %min3A_64 = arith.minimumf %max3A_35, %min3A_62 : vector<16xf32>
      %max3A_65 = arith.maximumf %max3A_37, %min3A_64 : vector<16xf32>
      %min3A_66 = arith.minimumf %max3A_37, %min3A_64 : vector<16xf32>
      %max3A_67 = arith.maximumf %max3A_39, %min3A_66 : vector<16xf32>
      %min3A_68 = arith.minimumf %max3A_39, %min3A_66 : vector<16xf32>
      %max3A_69 = arith.maximumf %max3A_41, %min3A_68 : vector<16xf32>
      %min3A_70 = arith.minimumf %max3A_41, %min3A_68 : vector<16xf32>
      %max3A_71 = arith.maximumf %max3A_43, %min3A_70 : vector<16xf32>
      %min3A_72 = arith.minimumf %max3A_43, %min3A_70 : vector<16xf32>
      %add3A_73 = arith.constant 2 : i32
      %add3A_74 = vector.broadcast %add3A_73 : i32 to vector<16xi32>
      %add3A_75 = arith.addi %mul3A_22, %add3A_74 : vector<16xi32>
      %gather3A_76 = tpu.vector_load_idx %arg5[%add3A_75] : memref<32768xf32, #tpu.memory_space<vmem>>[vector<16xi32>], vector<16xf32>,
      %bitcast3A_77 = vector.bitcast %gather3A_76 : vector<16xf32> to vector<16xi32>
      %and3A_78 = arith.constant -64 : i32
      %and3A_79 = vector.broadcast %and3A_78 : i32 to vector<16xi32>
      %and3A_80 = arith.andi %bitcast3A_77, %and3A_79 : vector<16xi32>
      %or3A_81 = arith.constant 61 : i32
      %or3A_82 = vector.broadcast %or3A_81 : i32 to vector<16xi32>
      %or3A_83 = arith.ori %and3A_80, %or3A_82 : vector<16xi32>
      %bitcast3A_84 = vector.bitcast %or3A_83 : vector<16xi32> to vector<16xf32>
      %max3A_85 = arith.maximumf %max3A_57, %bitcast3A_84 : vector<16xf32>
      %min3A_86 = arith.minimumf %max3A_57, %bitcast3A_84 : vector<16xf32>
      %max3A_87 = arith.maximumf %max3A_59, %min3A_86 : vector<16xf32>
      %min3A_88 = arith.minimumf %max3A_59, %min3A_86 : vector<16xf32>
      %max3A_89 = arith.maximumf %max3A_61, %min3A_88 : vector<16xf32>
      %min3A_90 = arith.minimumf %max3A_61, %min3A_88 : vector<16xf32>
      %max3A_91 = arith.maximumf %max3A_63, %min3A_90 : vector<16xf32>
      %min3A_92 = arith.minimumf %max3A_63, %min3A_90 : vector<16xf32>
      %max3A_93 = arith.maximumf %max3A_65, %min3A_92 : vector<16xf32>
      %min3A_94 = arith.minimumf %max3A_65, %min3A_92 : vector<16xf32>
      %max3A_95 = arith.maximumf %max3A_67, %min3A_94 : vector<16xf32>
      %min3A_96 = arith.minimumf %max3A_67, %min3A_94 : vector<16xf32>
      %max3A_97 = arith.maximumf %max3A_69, %min3A_96 : vector<16xf32>
      %min3A_98 = arith.minimumf %max3A_69, %min3A_96 : vector<16xf32>
      %max3A_99 = arith.maximumf %max3A_71, %min3A_98 : vector<16xf32>
      %min3A_100 = arith.minimumf %max3A_71, %min3A_98 : vector<16xf32>
      %add3A_101 = arith.constant 3 : i32
      %add3A_102 = vector.broadcast %add3A_101 : i32 to vector<16xi32>
      %add3A_103 = arith.addi %mul3A_22, %add3A_102 : vector<16xi32>
      %gather3A_104 = tpu.vector_load_idx %arg5[%add3A_103] : memref<32768xf32, #tpu.memory_space<vmem>>[vector<16xi32>], vector<16xf32>,
      %bitcast3A_105 = vector.bitcast %gather3A_104 : vector<16xf32> to vector<16xi32>
      %and3A_106 = arith.constant -64 : i32
      %and3A_107 = vector.broadcast %and3A_106 : i32 to vector<16xi32>
      %and3A_108 = arith.andi %bitcast3A_105, %and3A_107 : vector<16xi32>
      %or3A_109 = arith.constant 60 : i32
      %or3A_110 = vector.broadcast %or3A_109 : i32 to vector<16xi32>
      %or3A_111 = arith.ori %and3A_108, %or3A_110 : vector<16xi32>
      %bitcast3A_112 = vector.bitcast %or3A_111 : vector<16xi32> to vector<16xf32>
      %max3A_113 = arith.maximumf %max3A_85, %bitcast3A_112 : vector<16xf32>
      %min3A_114 = arith.minimumf %max3A_85, %bitcast3A_112 : vector<16xf32>
      %max3A_115 = arith.maximumf %max3A_87, %min3A_114 : vector<16xf32>
      %min3A_116 = arith.minimumf %max3A_87, %min3A_114 : vector<16xf32>
      %max3A_117 = arith.maximumf %max3A_89, %min3A_116 : vector<16xf32>
      %min3A_118 = arith.minimumf %max3A_89, %min3A_116 : vector<16xf32>
      %max3A_119 = arith.maximumf %max3A_91, %min3A_118 : vector<16xf32>
      %min3A_120 = arith.minimumf %max3A_91, %min3A_118 : vector<16xf32>
      %max3A_121 = arith.maximumf %max3A_93, %min3A_120 : vector<16xf32>
      %min3A_122 = arith.minimumf %max3A_93, %min3A_120 : vector<16xf32>
      %max3A_123 = arith.maximumf %max3A_95, %min3A_122 : vector<16xf32>
      %min3A_124 = arith.minimumf %max3A_95, %min3A_122 : vector<16xf32>
      %max3A_125 = arith.maximumf %max3A_97, %min3A_124 : vector<16xf32>
      %min3A_126 = arith.minimumf %max3A_97, %min3A_124 : vector<16xf32>
      %max3A_127 = arith.maximumf %max3A_99, %min3A_126 : vector<16xf32>
      %min3A_128 = arith.minimumf %max3A_99, %min3A_126 : vector<16xf32>
      %add3A_129 = arith.constant 4 : i32
      %add3A_130 = vector.broadcast %add3A_129 : i32 to vector<16xi32>
      %add3A_131 = arith.addi %mul3A_22, %add3A_130 : vector<16xi32>
      %gather3A_132 = tpu.vector_load_idx %arg5[%add3A_131] : memref<32768xf32, #tpu.memory_space<vmem>>[vector<16xi32>], vector<16xf32>,
      %bitcast3A_133 = vector.bitcast %gather3A_132 : vector<16xf32> to vector<16xi32>
      %and3A_134 = arith.constant -64 : i32
      %and3A_135 = vector.broadcast %and3A_134 : i32 to vector<16xi32>
      %and3A_136 = arith.andi %bitcast3A_133, %and3A_135 : vector<16xi32>
      %or3A_137 = arith.constant 59 : i32
      %or3A_138 = vector.broadcast %or3A_137 : i32 to vector<16xi32>
      %or3A_139 = arith.ori %and3A_136, %or3A_138 : vector<16xi32>
      %bitcast3A_140 = vector.bitcast %or3A_139 : vector<16xi32> to vector<16xf32>
      %max3A_141 = arith.maximumf %max3A_113, %bitcast3A_140 : vector<16xf32>
      %min3A_142 = arith.minimumf %max3A_113, %bitcast3A_140 : vector<16xf32>
      %max3A_143 = arith.maximumf %max3A_115, %min3A_142 : vector<16xf32>
      %min3A_144 = arith.minimumf %max3A_115, %min3A_142 : vector<16xf32>
      %max3A_145 = arith.maximumf %max3A_117, %min3A_144 : vector<16xf32>
      %min3A_146 = arith.minimumf %max3A_117, %min3A_144 : vector<16xf32>
      %max3A_147 = arith.maximumf %max3A_119, %min3A_146 : vector<16xf32>
      %min3A_148 = arith.minimumf %max3A_119, %min3A_146 : vector<16xf32>
      %max3A_149 = arith.maximumf %max3A_121, %min3A_148 : vector<16xf32>
      %min3A_150 = arith.minimumf %max3A_121, %min3A_148 : vector<16xf32>
      %max3A_151 = arith.maximumf %max3A_123, %min3A_150 : vector<16xf32>
      %min3A_152 = arith.minimumf %max3A_123, %min3A_150 : vector<16xf32>
      %max3A_153 = arith.maximumf %max3A_125, %min3A_152 : vector<16xf32>
      %min3A_154 = arith.minimumf %max3A_125, %min3A_152 : vector<16xf32>
      %max3A_155 = arith.maximumf %max3A_127, %min3A_154 : vector<16xf32>
      %min3A_156 = arith.minimumf %max3A_127, %min3A_154 : vector<16xf32>
      %add3A_157 = arith.constant 5 : i32
      %add3A_158 = vector.broadcast %add3A_157 : i32 to vector<16xi32>
      %add3A_159 = arith.addi %mul3A_22, %add3A_158 : vector<16xi32>
      %gather3A_160 = tpu.vector_load_idx %arg5[%add3A_159] : memref<32768xf32, #tpu.memory_space<vmem>>[vector<16xi32>], vector<16xf32>,
      %bitcast3A_161 = vector.bitcast %gather3A_160 : vector<16xf32> to vector<16xi32>
      %and3A_162 = arith.constant -64 : i32
      %and3A_163 = vector.broadcast %and3A_162 : i32 to vector<16xi32>
      %and3A_164 = arith.andi %bitcast3A_161, %and3A_163 : vector<16xi32>
      %or3A_165 = arith.constant 58 : i32
      %or3A_166 = vector.broadcast %or3A_165 : i32 to vector<16xi32>
      %or3A_167 = arith.ori %and3A_164, %or3A_166 : vector<16xi32>
      %bitcast3A_168 = vector.bitcast %or3A_167 : vector<16xi32> to vector<16xf32>
      %max3A_169 = arith.maximumf %max3A_141, %bitcast3A_168 : vector<16xf32>
      %min3A_170 = arith.minimumf %max3A_141, %bitcast3A_168 : vector<16xf32>
      %max3A_171 = arith.maximumf %max3A_143, %min3A_170 : vector<16xf32>
      %min3A_172 = arith.minimumf %max3A_143, %min3A_170 : vector<16xf32>
      %max3A_173 = arith.maximumf %max3A_145, %min3A_172 : vector<16xf32>
      %min3A_174 = arith.minimumf %max3A_145, %min3A_172 : vector<16xf32>
      %max3A_175 = arith.maximumf %max3A_147, %min3A_174 : vector<16xf32>
      %min3A_176 = arith.minimumf %max3A_147, %min3A_174 : vector<16xf32>
      %max3A_177 = arith.maximumf %max3A_149, %min3A_176 : vector<16xf32>
      %min3A_178 = arith.minimumf %max3A_149, %min3A_176 : vector<16xf32>
      %max3A_179 = arith.maximumf %max3A_151, %min3A_178 : vector<16xf32>
      %min3A_180 = arith.minimumf %max3A_151, %min3A_178 : vector<16xf32>
      %max3A_181 = arith.maximumf %max3A_153, %min3A_180 : vector<16xf32>
      %min3A_182 = arith.minimumf %max3A_153, %min3A_180 : vector<16xf32>
      %max3A_183 = arith.maximumf %max3A_155, %min3A_182 : vector<16xf32>
      %min3A_184 = arith.minimumf %max3A_155, %min3A_182 : vector<16xf32>
      %add3A_185 = arith.constant 6 : i32
      %add3A_186 = vector.broadcast %add3A_185 : i32 to vector<16xi32>
      %add3A_187 = arith.addi %mul3A_22, %add3A_186 : vector<16xi32>
      %gather3A_188 = tpu.vector_load_idx %arg5[%add3A_187] : memref<32768xf32, #tpu.memory_space<vmem>>[vector<16xi32>], vector<16xf32>,
      %bitcast3A_189 = vector.bitcast %gather3A_188 : vector<16xf32> to vector<16xi32>
      %and3A_190 = arith.constant -64 : i32
      %and3A_191 = vector.broadcast %and3A_190 : i32 to vector<16xi32>
      %and3A_192 = arith.andi %bitcast3A_189, %and3A_191 : vector<16xi32>
      %or3A_193 = arith.constant 57 : i32
      %or3A_194 = vector.broadcast %or3A_193 : i32 to vector<16xi32>
      %or3A_195 = arith.ori %and3A_192, %or3A_194 : vector<16xi32>
      %bitcast3A_196 = vector.bitcast %or3A_195 : vector<16xi32> to vector<16xf32>
      %max3A_197 = arith.maximumf %max3A_169, %bitcast3A_196 : vector<16xf32>
      %min3A_198 = arith.minimumf %max3A_169, %bitcast3A_196 : vector<16xf32>
      %max3A_199 = arith.maximumf %max3A_171, %min3A_198 : vector<16xf32>
      %min3A_200 = arith.minimumf %max3A_171, %min3A_198 : vector<16xf32>
      %max3A_201 = arith.maximumf %max3A_173, %min3A_200 : vector<16xf32>
      %min3A_202 = arith.minimumf %max3A_173, %min3A_200 : vector<16xf32>
      %max3A_203 = arith.maximumf %max3A_175, %min3A_202 : vector<16xf32>
      %min3A_204 = arith.minimumf %max3A_175, %min3A_202 : vector<16xf32>
      %max3A_205 = arith.maximumf %max3A_177, %min3A_204 : vector<16xf32>
      %min3A_206 = arith.minimumf %max3A_177, %min3A_204 : vector<16xf32>
      %max3A_207 = arith.maximumf %max3A_179, %min3A_206 : vector<16xf32>
      %min3A_208 = arith.minimumf %max3A_179, %min3A_206 : vector<16xf32>
      %max3A_209 = arith.maximumf %max3A_181, %min3A_208 : vector<16xf32>
      %min3A_210 = arith.minimumf %max3A_181, %min3A_208 : vector<16xf32>
      %max3A_211 = arith.maximumf %max3A_183, %min3A_210 : vector<16xf32>
      %min3A_212 = arith.minimumf %max3A_183, %min3A_210 : vector<16xf32>
      %add3A_213 = arith.constant 7 : i32
      %add3A_214 = vector.broadcast %add3A_213 : i32 to vector<16xi32>
      %add3A_215 = arith.addi %mul3A_22, %add3A_214 : vector<16xi32>
      %gather3A_216 = tpu.vector_load_idx %arg5[%add3A_215] : memref<32768xf32, #tpu.memory_space<vmem>>[vector<16xi32>], vector<16xf32>,
      %bitcast3A_217 = vector.bitcast %gather3A_216 : vector<16xf32> to vector<16xi32>
      %and3A_218 = arith.constant -64 : i32
      %and3A_219 = vector.broadcast %and3A_218 : i32 to vector<16xi32>
      %and3A_220 = arith.andi %bitcast3A_217, %and3A_219 : vector<16xi32>
      %or3A_221 = arith.constant 56 : i32
      %or3A_222 = vector.broadcast %or3A_221 : i32 to vector<16xi32>
      %or3A_223 = arith.ori %and3A_220, %or3A_222 : vector<16xi32>
      %bitcast3A_224 = vector.bitcast %or3A_223 : vector<16xi32> to vector<16xf32>
      %max3A_225 = arith.maximumf %max3A_197, %bitcast3A_224 : vector<16xf32>
      %min3A_226 = arith.minimumf %max3A_197, %bitcast3A_224 : vector<16xf32>
      %max3A_227 = arith.maximumf %max3A_199, %min3A_226 : vector<16xf32>
      %min3A_228 = arith.minimumf %max3A_199, %min3A_226 : vector<16xf32>
      %max3A_229 = arith.maximumf %max3A_201, %min3A_228 : vector<16xf32>
      %min3A_230 = arith.minimumf %max3A_201, %min3A_228 : vector<16xf32>
      %max3A_231 = arith.maximumf %max3A_203, %min3A_230 : vector<16xf32>
      %min3A_232 = arith.minimumf %max3A_203, %min3A_230 : vector<16xf32>
      %max3A_233 = arith.maximumf %max3A_205, %min3A_232 : vector<16xf32>
      %min3A_234 = arith.minimumf %max3A_205, %min3A_232 : vector<16xf32>
      %max3A_235 = arith.maximumf %max3A_207, %min3A_234 : vector<16xf32>
      %min3A_236 = arith.minimumf %max3A_207, %min3A_234 : vector<16xf32>
      %max3A_237 = arith.maximumf %max3A_209, %min3A_236 : vector<16xf32>
      %min3A_238 = arith.minimumf %max3A_209, %min3A_236 : vector<16xf32>
      %max3A_239 = arith.maximumf %max3A_211, %min3A_238 : vector<16xf32>
      %min3A_240 = arith.minimumf %max3A_211, %min3A_238 : vector<16xf32>
      %add3A_241 = arith.constant 8 : i32
      %add3A_242 = vector.broadcast %add3A_241 : i32 to vector<16xi32>
      %add3A_243 = arith.addi %mul3A_22, %add3A_242 : vector<16xi32>
      %gather3A_244 = tpu.vector_load_idx %arg5[%add3A_243] : memref<32768xf32, #tpu.memory_space<vmem>>[vector<16xi32>], vector<16xf32>,
      %bitcast3A_245 = vector.bitcast %gather3A_244 : vector<16xf32> to vector<16xi32>
      %and3A_246 = arith.constant -64 : i32
      %and3A_247 = vector.broadcast %and3A_246 : i32 to vector<16xi32>
      %and3A_248 = arith.andi %bitcast3A_245, %and3A_247 : vector<16xi32>
      %or3A_249 = arith.constant 55 : i32
      %or3A_250 = vector.broadcast %or3A_249 : i32 to vector<16xi32>
      %or3A_251 = arith.ori %and3A_248, %or3A_250 : vector<16xi32>
      %bitcast3A_252 = vector.bitcast %or3A_251 : vector<16xi32> to vector<16xf32>
      %max3A_253 = arith.maximumf %max3A_225, %bitcast3A_252 : vector<16xf32>
      %min3A_254 = arith.minimumf %max3A_225, %bitcast3A_252 : vector<16xf32>
      %max3A_255 = arith.maximumf %max3A_227, %min3A_254 : vector<16xf32>
      %min3A_256 = arith.minimumf %max3A_227, %min3A_254 : vector<16xf32>
      %max3A_257 = arith.maximumf %max3A_229, %min3A_256 : vector<16xf32>
      %min3A_258 = arith.minimumf %max3A_229, %min3A_256 : vector<16xf32>
      %max3A_259 = arith.maximumf %max3A_231, %min3A_258 : vector<16xf32>
      %min3A_260 = arith.minimumf %max3A_231, %min3A_258 : vector<16xf32>
      %max3A_261 = arith.maximumf %max3A_233, %min3A_260 : vector<16xf32>
      %min3A_262 = arith.minimumf %max3A_233, %min3A_260 : vector<16xf32>
      %max3A_263 = arith.maximumf %max3A_235, %min3A_262 : vector<16xf32>
      %min3A_264 = arith.minimumf %max3A_235, %min3A_262 : vector<16xf32>
      %max3A_265 = arith.maximumf %max3A_237, %min3A_264 : vector<16xf32>
      %min3A_266 = arith.minimumf %max3A_237, %min3A_264 : vector<16xf32>
      %max3A_267 = arith.maximumf %max3A_239, %min3A_266 : vector<16xf32>
      %min3A_268 = arith.minimumf %max3A_239, %min3A_266 : vector<16xf32>
      %add3A_269 = arith.constant 9 : i32
      %add3A_270 = vector.broadcast %add3A_269 : i32 to vector<16xi32>
      %add3A_271 = arith.addi %mul3A_22, %add3A_270 : vector<16xi32>
      %gather3A_272 = tpu.vector_load_idx %arg5[%add3A_271] : memref<32768xf32, #tpu.memory_space<vmem>>[vector<16xi32>], vector<16xf32>,
      %bitcast3A_273 = vector.bitcast %gather3A_272 : vector<16xf32> to vector<16xi32>
      %and3A_274 = arith.constant -64 : i32
      %and3A_275 = vector.broadcast %and3A_274 : i32 to vector<16xi32>
      %and3A_276 = arith.andi %bitcast3A_273, %and3A_275 : vector<16xi32>
      %or3A_277 = arith.constant 54 : i32
      %or3A_278 = vector.broadcast %or3A_277 : i32 to vector<16xi32>
      %or3A_279 = arith.ori %and3A_276, %or3A_278 : vector<16xi32>
      %bitcast3A_280 = vector.bitcast %or3A_279 : vector<16xi32> to vector<16xf32>
      %max3A_281 = arith.maximumf %max3A_253, %bitcast3A_280 : vector<16xf32>
      %min3A_282 = arith.minimumf %max3A_253, %bitcast3A_280 : vector<16xf32>
      %max3A_283 = arith.maximumf %max3A_255, %min3A_282 : vector<16xf32>
      %min3A_284 = arith.minimumf %max3A_255, %min3A_282 : vector<16xf32>
      %max3A_285 = arith.maximumf %max3A_257, %min3A_284 : vector<16xf32>
      %min3A_286 = arith.minimumf %max3A_257, %min3A_284 : vector<16xf32>
      %max3A_287 = arith.maximumf %max3A_259, %min3A_286 : vector<16xf32>
      %min3A_288 = arith.minimumf %max3A_259, %min3A_286 : vector<16xf32>
      %max3A_289 = arith.maximumf %max3A_261, %min3A_288 : vector<16xf32>
      %min3A_290 = arith.minimumf %max3A_261, %min3A_288 : vector<16xf32>
      %max3A_291 = arith.maximumf %max3A_263, %min3A_290 : vector<16xf32>
      %min3A_292 = arith.minimumf %max3A_263, %min3A_290 : vector<16xf32>
      %max3A_293 = arith.maximumf %max3A_265, %min3A_292 : vector<16xf32>
      %min3A_294 = arith.minimumf %max3A_265, %min3A_292 : vector<16xf32>
      %max3A_295 = arith.maximumf %max3A_267, %min3A_294 : vector<16xf32>
      %min3A_296 = arith.minimumf %max3A_267, %min3A_294 : vector<16xf32>
      %add3A_297 = arith.constant 10 : i32
      %add3A_298 = vector.broadcast %add3A_297 : i32 to vector<16xi32>
      %add3A_299 = arith.addi %mul3A_22, %add3A_298 : vector<16xi32>
      %gather3A_300 = tpu.vector_load_idx %arg5[%add3A_299] : memref<32768xf32, #tpu.memory_space<vmem>>[vector<16xi32>], vector<16xf32>,
      %bitcast3A_301 = vector.bitcast %gather3A_300 : vector<16xf32> to vector<16xi32>
      %and3A_302 = arith.constant -64 : i32
      %and3A_303 = vector.broadcast %and3A_302 : i32 to vector<16xi32>
      %and3A_304 = arith.andi %bitcast3A_301, %and3A_303 : vector<16xi32>
      %or3A_305 = arith.constant 53 : i32
      %or3A_306 = vector.broadcast %or3A_305 : i32 to vector<16xi32>
      %or3A_307 = arith.ori %and3A_304, %or3A_306 : vector<16xi32>
      %bitcast3A_308 = vector.bitcast %or3A_307 : vector<16xi32> to vector<16xf32>
      %max3A_309 = arith.maximumf %max3A_281, %bitcast3A_308 : vector<16xf32>
      %min3A_310 = arith.minimumf %max3A_281, %bitcast3A_308 : vector<16xf32>
      %max3A_311 = arith.maximumf %max3A_283, %min3A_310 : vector<16xf32>
      %min3A_312 = arith.minimumf %max3A_283, %min3A_310 : vector<16xf32>
      %max3A_313 = arith.maximumf %max3A_285, %min3A_312 : vector<16xf32>
      %min3A_314 = arith.minimumf %max3A_285, %min3A_312 : vector<16xf32>
      %max3A_315 = arith.maximumf %max3A_287, %min3A_314 : vector<16xf32>
      %min3A_316 = arith.minimumf %max3A_287, %min3A_314 : vector<16xf32>
      %max3A_317 = arith.maximumf %max3A_289, %min3A_316 : vector<16xf32>
      %min3A_318 = arith.minimumf %max3A_289, %min3A_316 : vector<16xf32>
      %max3A_319 = arith.maximumf %max3A_291, %min3A_318 : vector<16xf32>
      %min3A_320 = arith.minimumf %max3A_291, %min3A_318 : vector<16xf32>
      %max3A_321 = arith.maximumf %max3A_293, %min3A_320 : vector<16xf32>
      %min3A_322 = arith.minimumf %max3A_293, %min3A_320 : vector<16xf32>
      %max3A_323 = arith.maximumf %max3A_295, %min3A_322 : vector<16xf32>
      %min3A_324 = arith.minimumf %max3A_295, %min3A_322 : vector<16xf32>
      %add3A_325 = arith.constant 11 : i32
      %add3A_326 = vector.broadcast %add3A_325 : i32 to vector<16xi32>
      %add3A_327 = arith.addi %mul3A_22, %add3A_326 : vector<16xi32>
      %gather3A_328 = tpu.vector_load_idx %arg5[%add3A_327] : memref<32768xf32, #tpu.memory_space<vmem>>[vector<16xi32>], vector<16xf32>,
      %bitcast3A_329 = vector.bitcast %gather3A_328 : vector<16xf32> to vector<16xi32>
      %and3A_330 = arith.constant -64 : i32
      %and3A_331 = vector.broadcast %and3A_330 : i32 to vector<16xi32>
      %and3A_332 = arith.andi %bitcast3A_329, %and3A_331 : vector<16xi32>
      %or3A_333 = arith.constant 52 : i32
      %or3A_334 = vector.broadcast %or3A_333 : i32 to vector<16xi32>
      %or3A_335 = arith.ori %and3A_332, %or3A_334 : vector<16xi32>
      %bitcast3A_336 = vector.bitcast %or3A_335 : vector<16xi32> to vector<16xf32>
      %max3A_337 = arith.maximumf %max3A_309, %bitcast3A_336 : vector<16xf32>
      %min3A_338 = arith.minimumf %max3A_309, %bitcast3A_336 : vector<16xf32>
      %max3A_339 = arith.maximumf %max3A_311, %min3A_338 : vector<16xf32>
      %min3A_340 = arith.minimumf %max3A_311, %min3A_338 : vector<16xf32>
      %max3A_341 = arith.maximumf %max3A_313, %min3A_340 : vector<16xf32>
      %min3A_342 = arith.minimumf %max3A_313, %min3A_340 : vector<16xf32>
      %max3A_343 = arith.maximumf %max3A_315, %min3A_342 : vector<16xf32>
      %min3A_344 = arith.minimumf %max3A_315, %min3A_342 : vector<16xf32>
      %max3A_345 = arith.maximumf %max3A_317, %min3A_344 : vector<16xf32>
      %min3A_346 = arith.minimumf %max3A_317, %min3A_344 : vector<16xf32>
      %max3A_347 = arith.maximumf %max3A_319, %min3A_346 : vector<16xf32>
      %min3A_348 = arith.minimumf %max3A_319, %min3A_346 : vector<16xf32>
      %max3A_349 = arith.maximumf %max3A_321, %min3A_348 : vector<16xf32>
      %min3A_350 = arith.minimumf %max3A_321, %min3A_348 : vector<16xf32>
      %max3A_351 = arith.maximumf %max3A_323, %min3A_350 : vector<16xf32>
      %min3A_352 = arith.minimumf %max3A_323, %min3A_350 : vector<16xf32>
      %add3A_353 = arith.constant 12 : i32
      %add3A_354 = vector.broadcast %add3A_353 : i32 to vector<16xi32>
      %add3A_355 = arith.addi %mul3A_22, %add3A_354 : vector<16xi32>
      %gather3A_356 = tpu.vector_load_idx %arg5[%add3A_355] : memref<32768xf32, #tpu.memory_space<vmem>>[vector<16xi32>], vector<16xf32>,
      %bitcast3A_357 = vector.bitcast %gather3A_356 : vector<16xf32> to vector<16xi32>
      %and3A_358 = arith.constant -64 : i32
      %and3A_359 = vector.broadcast %and3A_358 : i32 to vector<16xi32>
      %and3A_360 = arith.andi %bitcast3A_357, %and3A_359 : vector<16xi32>
      %or3A_361 = arith.constant 51 : i32
      %or3A_362 = vector.broadcast %or3A_361 : i32 to vector<16xi32>
      %or3A_363 = arith.ori %and3A_360, %or3A_362 : vector<16xi32>
      %bitcast3A_364 = vector.bitcast %or3A_363 : vector<16xi32> to vector<16xf32>
      %max3A_365 = arith.maximumf %max3A_337, %bitcast3A_364 : vector<16xf32>
      %min3A_366 = arith.minimumf %max3A_337, %bitcast3A_364 : vector<16xf32>
      %max3A_367 = arith.maximumf %max3A_339, %min3A_366 : vector<16xf32>
      %min3A_368 = arith.minimumf %max3A_339, %min3A_366 : vector<16xf32>
      %max3A_369 = arith.maximumf %max3A_341, %min3A_368 : vector<16xf32>
      %min3A_370 = arith.minimumf %max3A_341, %min3A_368 : vector<16xf32>
      %max3A_371 = arith.maximumf %max3A_343, %min3A_370 : vector<16xf32>
      %min3A_372 = arith.minimumf %max3A_343, %min3A_370 : vector<16xf32>
      %max3A_373 = arith.maximumf %max3A_345, %min3A_372 : vector<16xf32>
      %min3A_374 = arith.minimumf %max3A_345, %min3A_372 : vector<16xf32>
      %max3A_375 = arith.maximumf %max3A_347, %min3A_374 : vector<16xf32>
      %min3A_376 = arith.minimumf %max3A_347, %min3A_374 : vector<16xf32>
      %max3A_377 = arith.maximumf %max3A_349, %min3A_376 : vector<16xf32>
      %min3A_378 = arith.minimumf %max3A_349, %min3A_376 : vector<16xf32>
      %max3A_379 = arith.maximumf %max3A_351, %min3A_378 : vector<16xf32>
      %min3A_380 = arith.minimumf %max3A_351, %min3A_378 : vector<16xf32>
      %add3A_381 = arith.constant 13 : i32
      %add3A_382 = vector.broadcast %add3A_381 : i32 to vector<16xi32>
      %add3A_383 = arith.addi %mul3A_22, %add3A_382 : vector<16xi32>
      %gather3A_384 = tpu.vector_load_idx %arg5[%add3A_383] : memref<32768xf32, #tpu.memory_space<vmem>>[vector<16xi32>], vector<16xf32>,
      %bitcast3A_385 = vector.bitcast %gather3A_384 : vector<16xf32> to vector<16xi32>
      %and3A_386 = arith.constant -64 : i32
      %and3A_387 = vector.broadcast %and3A_386 : i32 to vector<16xi32>
      %and3A_388 = arith.andi %bitcast3A_385, %and3A_387 : vector<16xi32>
      %or3A_389 = arith.constant 50 : i32
      %or3A_390 = vector.broadcast %or3A_389 : i32 to vector<16xi32>
      %or3A_391 = arith.ori %and3A_388, %or3A_390 : vector<16xi32>
      %bitcast3A_392 = vector.bitcast %or3A_391 : vector<16xi32> to vector<16xf32>
      %max3A_393 = arith.maximumf %max3A_365, %bitcast3A_392 : vector<16xf32>
      %min3A_394 = arith.minimumf %max3A_365, %bitcast3A_392 : vector<16xf32>
      %max3A_395 = arith.maximumf %max3A_367, %min3A_394 : vector<16xf32>
      %min3A_396 = arith.minimumf %max3A_367, %min3A_394 : vector<16xf32>
      %max3A_397 = arith.maximumf %max3A_369, %min3A_396 : vector<16xf32>
      %min3A_398 = arith.minimumf %max3A_369, %min3A_396 : vector<16xf32>
      %max3A_399 = arith.maximumf %max3A_371, %min3A_398 : vector<16xf32>
      %min3A_400 = arith.minimumf %max3A_371, %min3A_398 : vector<16xf32>
      %max3A_401 = arith.maximumf %max3A_373, %min3A_400 : vector<16xf32>
      %min3A_402 = arith.minimumf %max3A_373, %min3A_400 : vector<16xf32>
      %max3A_403 = arith.maximumf %max3A_375, %min3A_402 : vector<16xf32>
      %min3A_404 = arith.minimumf %max3A_375, %min3A_402 : vector<16xf32>
      %max3A_405 = arith.maximumf %max3A_377, %min3A_404 : vector<16xf32>
      %min3A_406 = arith.minimumf %max3A_377, %min3A_404 : vector<16xf32>
      %max3A_407 = arith.maximumf %max3A_379, %min3A_406 : vector<16xf32>
      %min3A_408 = arith.minimumf %max3A_379, %min3A_406 : vector<16xf32>
      %add3A_409 = arith.constant 14 : i32
      %add3A_410 = vector.broadcast %add3A_409 : i32 to vector<16xi32>
      %add3A_411 = arith.addi %mul3A_22, %add3A_410 : vector<16xi32>
      %gather3A_412 = tpu.vector_load_idx %arg5[%add3A_411] : memref<32768xf32, #tpu.memory_space<vmem>>[vector<16xi32>], vector<16xf32>,
      %bitcast3A_413 = vector.bitcast %gather3A_412 : vector<16xf32> to vector<16xi32>
      %and3A_414 = arith.constant -64 : i32
      %and3A_415 = vector.broadcast %and3A_414 : i32 to vector<16xi32>
      %and3A_416 = arith.andi %bitcast3A_413, %and3A_415 : vector<16xi32>
      %or3A_417 = arith.constant 49 : i32
      %or3A_418 = vector.broadcast %or3A_417 : i32 to vector<16xi32>
      %or3A_419 = arith.ori %and3A_416, %or3A_418 : vector<16xi32>
      %bitcast3A_420 = vector.bitcast %or3A_419 : vector<16xi32> to vector<16xf32>
      %max3A_421 = arith.maximumf %max3A_393, %bitcast3A_420 : vector<16xf32>
      %min3A_422 = arith.minimumf %max3A_393, %bitcast3A_420 : vector<16xf32>
      %max3A_423 = arith.maximumf %max3A_395, %min3A_422 : vector<16xf32>
      %min3A_424 = arith.minimumf %max3A_395, %min3A_422 : vector<16xf32>
      %max3A_425 = arith.maximumf %max3A_397, %min3A_424 : vector<16xf32>
      %min3A_426 = arith.minimumf %max3A_397, %min3A_424 : vector<16xf32>
      %max3A_427 = arith.maximumf %max3A_399, %min3A_426 : vector<16xf32>
      %min3A_428 = arith.minimumf %max3A_399, %min3A_426 : vector<16xf32>
      %max3A_429 = arith.maximumf %max3A_401, %min3A_428 : vector<16xf32>
      %min3A_430 = arith.minimumf %max3A_401, %min3A_428 : vector<16xf32>
      %max3A_431 = arith.maximumf %max3A_403, %min3A_430 : vector<16xf32>
      %min3A_432 = arith.minimumf %max3A_403, %min3A_430 : vector<16xf32>
      %max3A_433 = arith.maximumf %max3A_405, %min3A_432 : vector<16xf32>
      %min3A_434 = arith.minimumf %max3A_405, %min3A_432 : vector<16xf32>
      %max3A_435 = arith.maximumf %max3A_407, %min3A_434 : vector<16xf32>
      %min3A_436 = arith.minimumf %max3A_407, %min3A_434 : vector<16xf32>
      %add3A_437 = arith.constant 15 : i32
      %add3A_438 = vector.broadcast %add3A_437 : i32 to vector<16xi32>
      %add3A_439 = arith.addi %mul3A_22, %add3A_438 : vector<16xi32>
      %gather3A_440 = tpu.vector_load_idx %arg5[%add3A_439] : memref<32768xf32, #tpu.memory_space<vmem>>[vector<16xi32>], vector<16xf32>,
      %bitcast3A_441 = vector.bitcast %gather3A_440 : vector<16xf32> to vector<16xi32>
      %and3A_442 = arith.constant -64 : i32
      %and3A_443 = vector.broadcast %and3A_442 : i32 to vector<16xi32>
      %and3A_444 = arith.andi %bitcast3A_441, %and3A_443 : vector<16xi32>
      %or3A_445 = arith.constant 48 : i32
      %or3A_446 = vector.broadcast %or3A_445 : i32 to vector<16xi32>
      %or3A_447 = arith.ori %and3A_444, %or3A_446 : vector<16xi32>
      %bitcast3A_448 = vector.bitcast %or3A_447 : vector<16xi32> to vector<16xf32>
      %max3A_449 = arith.maximumf %max3A_421, %bitcast3A_448 : vector<16xf32>
      %min3A_450 = arith.minimumf %max3A_421, %bitcast3A_448 : vector<16xf32>
      %max3A_451 = arith.maximumf %max3A_423, %min3A_450 : vector<16xf32>
      %min3A_452 = arith.minimumf %max3A_423, %min3A_450 : vector<16xf32>
      %max3A_453 = arith.maximumf %max3A_425, %min3A_452 : vector<16xf32>
      %min3A_454 = arith.minimumf %max3A_425, %min3A_452 : vector<16xf32>
      %max3A_455 = arith.maximumf %max3A_427, %min3A_454 : vector<16xf32>
      %min3A_456 = arith.minimumf %max3A_427, %min3A_454 : vector<16xf32>
      %max3A_457 = arith.maximumf %max3A_429, %min3A_456 : vector<16xf32>
      %min3A_458 = arith.minimumf %max3A_429, %min3A_456 : vector<16xf32>
      %max3A_459 = arith.maximumf %max3A_431, %min3A_458 : vector<16xf32>
      %min3A_460 = arith.minimumf %max3A_431, %min3A_458 : vector<16xf32>
      %max3A_461 = arith.maximumf %max3A_433, %min3A_460 : vector<16xf32>
      %min3A_462 = arith.minimumf %max3A_433, %min3A_460 : vector<16xf32>
      %max3A_463 = arith.maximumf %max3A_435, %min3A_462 : vector<16xf32>
      %min3A_464 = arith.minimumf %max3A_435, %min3A_462 : vector<16xf32>
      %add3A_465 = arith.constant 16 : i32
      %add3A_466 = vector.broadcast %add3A_465 : i32 to vector<16xi32>
      %add3A_467 = arith.addi %mul3A_22, %add3A_466 : vector<16xi32>
      %gather3A_468 = tpu.vector_load_idx %arg5[%add3A_467] : memref<32768xf32, #tpu.memory_space<vmem>>[vector<16xi32>], vector<16xf32>,
      %bitcast3A_469 = vector.bitcast %gather3A_468 : vector<16xf32> to vector<16xi32>
      %and3A_470 = arith.constant -64 : i32
      %and3A_471 = vector.broadcast %and3A_470 : i32 to vector<16xi32>
      %and3A_472 = arith.andi %bitcast3A_469, %and3A_471 : vector<16xi32>
      %or3A_473 = arith.constant 47 : i32
      %or3A_474 = vector.broadcast %or3A_473 : i32 to vector<16xi32>
      %or3A_475 = arith.ori %and3A_472, %or3A_474 : vector<16xi32>
      %bitcast3A_476 = vector.bitcast %or3A_475 : vector<16xi32> to vector<16xf32>
      %max3A_477 = arith.maximumf %max3A_449, %bitcast3A_476 : vector<16xf32>
      %min3A_478 = arith.minimumf %max3A_449, %bitcast3A_476 : vector<16xf32>
      %max3A_479 = arith.maximumf %max3A_451, %min3A_478 : vector<16xf32>
      %min3A_480 = arith.minimumf %max3A_451, %min3A_478 : vector<16xf32>
      %max3A_481 = arith.maximumf %max3A_453, %min3A_480 : vector<16xf32>
      %min3A_482 = arith.minimumf %max3A_453, %min3A_480 : vector<16xf32>
      %max3A_483 = arith.maximumf %max3A_455, %min3A_482 : vector<16xf32>
      %min3A_484 = arith.minimumf %max3A_455, %min3A_482 : vector<16xf32>
      %max3A_485 = arith.maximumf %max3A_457, %min3A_484 : vector<16xf32>
      %min3A_486 = arith.minimumf %max3A_457, %min3A_484 : vector<16xf32>
      %max3A_487 = arith.maximumf %max3A_459, %min3A_486 : vector<16xf32>
      %min3A_488 = arith.minimumf %max3A_459, %min3A_486 : vector<16xf32>
      %max3A_489 = arith.maximumf %max3A_461, %min3A_488 : vector<16xf32>
      %min3A_490 = arith.minimumf %max3A_461, %min3A_488 : vector<16xf32>
      %max3A_491 = arith.maximumf %max3A_463, %min3A_490 : vector<16xf32>
      %min3A_492 = arith.minimumf %max3A_463, %min3A_490 : vector<16xf32>
      %add3A_493 = arith.constant 17 : i32
      %add3A_494 = vector.broadcast %add3A_493 : i32 to vector<16xi32>
      %add3A_495 = arith.addi %mul3A_22, %add3A_494 : vector<16xi32>
      %gather3A_496 = tpu.vector_load_idx %arg5[%add3A_495] : memref<32768xf32, #tpu.memory_space<vmem>>[vector<16xi32>], vector<16xf32>,
      %bitcast3A_497 = vector.bitcast %gather3A_496 : vector<16xf32> to vector<16xi32>
      %and3A_498 = arith.constant -64 : i32
      %and3A_499 = vector.broadcast %and3A_498 : i32 to vector<16xi32>
      %and3A_500 = arith.andi %bitcast3A_497, %and3A_499 : vector<16xi32>
      %or3A_501 = arith.constant 46 : i32
      %or3A_502 = vector.broadcast %or3A_501 : i32 to vector<16xi32>
      %or3A_503 = arith.ori %and3A_500, %or3A_502 : vector<16xi32>
      %bitcast3A_504 = vector.bitcast %or3A_503 : vector<16xi32> to vector<16xf32>
      %max3A_505 = arith.maximumf %max3A_477, %bitcast3A_504 : vector<16xf32>
      %min3A_506 = arith.minimumf %max3A_477, %bitcast3A_504 : vector<16xf32>
      %max3A_507 = arith.maximumf %max3A_479, %min3A_506 : vector<16xf32>
      %min3A_508 = arith.minimumf %max3A_479, %min3A_506 : vector<16xf32>
      %max3A_509 = arith.maximumf %max3A_481, %min3A_508 : vector<16xf32>
      %min3A_510 = arith.minimumf %max3A_481, %min3A_508 : vector<16xf32>
      %max3A_511 = arith.maximumf %max3A_483, %min3A_510 : vector<16xf32>
      %min3A_512 = arith.minimumf %max3A_483, %min3A_510 : vector<16xf32>
      %max3A_513 = arith.maximumf %max3A_485, %min3A_512 : vector<16xf32>
      %min3A_514 = arith.minimumf %max3A_485, %min3A_512 : vector<16xf32>
      %max3A_515 = arith.maximumf %max3A_487, %min3A_514 : vector<16xf32>
      %min3A_516 = arith.minimumf %max3A_487, %min3A_514 : vector<16xf32>
      %max3A_517 = arith.maximumf %max3A_489, %min3A_516 : vector<16xf32>
      %min3A_518 = arith.minimumf %max3A_489, %min3A_516 : vector<16xf32>
      %max3A_519 = arith.maximumf %max3A_491, %min3A_518 : vector<16xf32>
      %min3A_520 = arith.minimumf %max3A_491, %min3A_518 : vector<16xf32>
      %add3A_521 = arith.constant 18 : i32
      %add3A_522 = vector.broadcast %add3A_521 : i32 to vector<16xi32>
      %add3A_523 = arith.addi %mul3A_22, %add3A_522 : vector<16xi32>
      %gather3A_524 = tpu.vector_load_idx %arg5[%add3A_523] : memref<32768xf32, #tpu.memory_space<vmem>>[vector<16xi32>], vector<16xf32>,
      %bitcast3A_525 = vector.bitcast %gather3A_524 : vector<16xf32> to vector<16xi32>
      %and3A_526 = arith.constant -64 : i32
      %and3A_527 = vector.broadcast %and3A_526 : i32 to vector<16xi32>
      %and3A_528 = arith.andi %bitcast3A_525, %and3A_527 : vector<16xi32>
      %or3A_529 = arith.constant 45 : i32
      %or3A_530 = vector.broadcast %or3A_529 : i32 to vector<16xi32>
      %or3A_531 = arith.ori %and3A_528, %or3A_530 : vector<16xi32>
      %bitcast3A_532 = vector.bitcast %or3A_531 : vector<16xi32> to vector<16xf32>
      %max3A_533 = arith.maximumf %max3A_505, %bitcast3A_532 : vector<16xf32>
      %min3A_534 = arith.minimumf %max3A_505, %bitcast3A_532 : vector<16xf32>
      %max3A_535 = arith.maximumf %max3A_507, %min3A_534 : vector<16xf32>
      %min3A_536 = arith.minimumf %max3A_507, %min3A_534 : vector<16xf32>
      %max3A_537 = arith.maximumf %max3A_509, %min3A_536 : vector<16xf32>
      %min3A_538 = arith.minimumf %max3A_509, %min3A_536 : vector<16xf32>
      %max3A_539 = arith.maximumf %max3A_511, %min3A_538 : vector<16xf32>
      %min3A_540 = arith.minimumf %max3A_511, %min3A_538 : vector<16xf32>
      %max3A_541 = arith.maximumf %max3A_513, %min3A_540 : vector<16xf32>
      %min3A_542 = arith.minimumf %max3A_513, %min3A_540 : vector<16xf32>
      %max3A_543 = arith.maximumf %max3A_515, %min3A_542 : vector<16xf32>
      %min3A_544 = arith.minimumf %max3A_515, %min3A_542 : vector<16xf32>
      %max3A_545 = arith.maximumf %max3A_517, %min3A_544 : vector<16xf32>
      %min3A_546 = arith.minimumf %max3A_517, %min3A_544 : vector<16xf32>
      %max3A_547 = arith.maximumf %max3A_519, %min3A_546 : vector<16xf32>
      %min3A_548 = arith.minimumf %max3A_519, %min3A_546 : vector<16xf32>
      %add3A_549 = arith.constant 19 : i32
      %add3A_550 = vector.broadcast %add3A_549 : i32 to vector<16xi32>
      %add3A_551 = arith.addi %mul3A_22, %add3A_550 : vector<16xi32>
      %gather3A_552 = tpu.vector_load_idx %arg5[%add3A_551] : memref<32768xf32, #tpu.memory_space<vmem>>[vector<16xi32>], vector<16xf32>,
      %bitcast3A_553 = vector.bitcast %gather3A_552 : vector<16xf32> to vector<16xi32>
      %and3A_554 = arith.constant -64 : i32
      %and3A_555 = vector.broadcast %and3A_554 : i32 to vector<16xi32>
      %and3A_556 = arith.andi %bitcast3A_553, %and3A_555 : vector<16xi32>
      %or3A_557 = arith.constant 44 : i32
      %or3A_558 = vector.broadcast %or3A_557 : i32 to vector<16xi32>
      %or3A_559 = arith.ori %and3A_556, %or3A_558 : vector<16xi32>
      %bitcast3A_560 = vector.bitcast %or3A_559 : vector<16xi32> to vector<16xf32>
      %max3A_561 = arith.maximumf %max3A_533, %bitcast3A_560 : vector<16xf32>
      %min3A_562 = arith.minimumf %max3A_533, %bitcast3A_560 : vector<16xf32>
      %max3A_563 = arith.maximumf %max3A_535, %min3A_562 : vector<16xf32>
      %min3A_564 = arith.minimumf %max3A_535, %min3A_562 : vector<16xf32>
      %max3A_565 = arith.maximumf %max3A_537, %min3A_564 : vector<16xf32>
      %min3A_566 = arith.minimumf %max3A_537, %min3A_564 : vector<16xf32>
      %max3A_567 = arith.maximumf %max3A_539, %min3A_566 : vector<16xf32>
      %min3A_568 = arith.minimumf %max3A_539, %min3A_566 : vector<16xf32>
      %max3A_569 = arith.maximumf %max3A_541, %min3A_568 : vector<16xf32>
      %min3A_570 = arith.minimumf %max3A_541, %min3A_568 : vector<16xf32>
      %max3A_571 = arith.maximumf %max3A_543, %min3A_570 : vector<16xf32>
      %min3A_572 = arith.minimumf %max3A_543, %min3A_570 : vector<16xf32>
      %max3A_573 = arith.maximumf %max3A_545, %min3A_572 : vector<16xf32>
      %min3A_574 = arith.minimumf %max3A_545, %min3A_572 : vector<16xf32>
      %max3A_575 = arith.maximumf %max3A_547, %min3A_574 : vector<16xf32>
      %min3A_576 = arith.minimumf %max3A_547, %min3A_574 : vector<16xf32>
      %add3A_577 = arith.constant 20 : i32
      %add3A_578 = vector.broadcast %add3A_577 : i32 to vector<16xi32>
      %add3A_579 = arith.addi %mul3A_22, %add3A_578 : vector<16xi32>
      %gather3A_580 = tpu.vector_load_idx %arg5[%add3A_579] : memref<32768xf32, #tpu.memory_space<vmem>>[vector<16xi32>], vector<16xf32>,
      %bitcast3A_581 = vector.bitcast %gather3A_580 : vector<16xf32> to vector<16xi32>
      %and3A_582 = arith.constant -64 : i32
      %and3A_583 = vector.broadcast %and3A_582 : i32 to vector<16xi32>
      %and3A_584 = arith.andi %bitcast3A_581, %and3A_583 : vector<16xi32>
      %or3A_585 = arith.constant 43 : i32
      %or3A_586 = vector.broadcast %or3A_585 : i32 to vector<16xi32>
      %or3A_587 = arith.ori %and3A_584, %or3A_586 : vector<16xi32>
      %bitcast3A_588 = vector.bitcast %or3A_587 : vector<16xi32> to vector<16xf32>
      %max3A_589 = arith.maximumf %max3A_561, %bitcast3A_588 : vector<16xf32>
      %min3A_590 = arith.minimumf %max3A_561, %bitcast3A_588 : vector<16xf32>
      %max3A_591 = arith.maximumf %max3A_563, %min3A_590 : vector<16xf32>
      %min3A_592 = arith.minimumf %max3A_563, %min3A_590 : vector<16xf32>
      %max3A_593 = arith.maximumf %max3A_565, %min3A_592 : vector<16xf32>
      %min3A_594 = arith.minimumf %max3A_565, %min3A_592 : vector<16xf32>
      %max3A_595 = arith.maximumf %max3A_567, %min3A_594 : vector<16xf32>
      %min3A_596 = arith.minimumf %max3A_567, %min3A_594 : vector<16xf32>
      %max3A_597 = arith.maximumf %max3A_569, %min3A_596 : vector<16xf32>
      %min3A_598 = arith.minimumf %max3A_569, %min3A_596 : vector<16xf32>
      %max3A_599 = arith.maximumf %max3A_571, %min3A_598 : vector<16xf32>
      %min3A_600 = arith.minimumf %max3A_571, %min3A_598 : vector<16xf32>
      %max3A_601 = arith.maximumf %max3A_573, %min3A_600 : vector<16xf32>
      %min3A_602 = arith.minimumf %max3A_573, %min3A_600 : vector<16xf32>
      %max3A_603 = arith.maximumf %max3A_575, %min3A_602 : vector<16xf32>
      %min3A_604 = arith.minimumf %max3A_575, %min3A_602 : vector<16xf32>
      %add3A_605 = arith.constant 21 : i32
      %add3A_606 = vector.broadcast %add3A_605 : i32 to vector<16xi32>
      %add3A_607 = arith.addi %mul3A_22, %add3A_606 : vector<16xi32>
      %gather3A_608 = tpu.vector_load_idx %arg5[%add3A_607] : memref<32768xf32, #tpu.memory_space<vmem>>[vector<16xi32>], vector<16xf32>,
      %bitcast3A_609 = vector.bitcast %gather3A_608 : vector<16xf32> to vector<16xi32>
      %and3A_610 = arith.constant -64 : i32
      %and3A_611 = vector.broadcast %and3A_610 : i32 to vector<16xi32>
      %and3A_612 = arith.andi %bitcast3A_609, %and3A_611 : vector<16xi32>
      %or3A_613 = arith.constant 42 : i32
      %or3A_614 = vector.broadcast %or3A_613 : i32 to vector<16xi32>
      %or3A_615 = arith.ori %and3A_612, %or3A_614 : vector<16xi32>
      %bitcast3A_616 = vector.bitcast %or3A_615 : vector<16xi32> to vector<16xf32>
      %max3A_617 = arith.maximumf %max3A_589, %bitcast3A_616 : vector<16xf32>
      %min3A_618 = arith.minimumf %max3A_589, %bitcast3A_616 : vector<16xf32>
      %max3A_619 = arith.maximumf %max3A_591, %min3A_618 : vector<16xf32>
      %min3A_620 = arith.minimumf %max3A_591, %min3A_618 : vector<16xf32>
      %max3A_621 = arith.maximumf %max3A_593, %min3A_620 : vector<16xf32>
      %min3A_622 = arith.minimumf %max3A_593, %min3A_620 : vector<16xf32>
      %max3A_623 = arith.maximumf %max3A_595, %min3A_622 : vector<16xf32>
      %min3A_624 = arith.minimumf %max3A_595, %min3A_622 : vector<16xf32>
      %max3A_625 = arith.maximumf %max3A_597, %min3A_624 : vector<16xf32>
      %min3A_626 = arith.minimumf %max3A_597, %min3A_624 : vector<16xf32>
      %max3A_627 = arith.maximumf %max3A_599, %min3A_626 : vector<16xf32>
      %min3A_628 = arith.minimumf %max3A_599, %min3A_626 : vector<16xf32>
      %max3A_629 = arith.maximumf %max3A_601, %min3A_628 : vector<16xf32>
      %min3A_630 = arith.minimumf %max3A_601, %min3A_628 : vector<16xf32>
      %max3A_631 = arith.maximumf %max3A_603, %min3A_630 : vector<16xf32>
      %min3A_632 = arith.minimumf %max3A_603, %min3A_630 : vector<16xf32>
      %add3A_633 = arith.constant 22 : i32
      %add3A_634 = vector.broadcast %add3A_633 : i32 to vector<16xi32>
      %add3A_635 = arith.addi %mul3A_22, %add3A_634 : vector<16xi32>
      %gather3A_636 = tpu.vector_load_idx %arg5[%add3A_635] : memref<32768xf32, #tpu.memory_space<vmem>>[vector<16xi32>], vector<16xf32>,
      %bitcast3A_637 = vector.bitcast %gather3A_636 : vector<16xf32> to vector<16xi32>
      %and3A_638 = arith.constant -64 : i32
      %and3A_639 = vector.broadcast %and3A_638 : i32 to vector<16xi32>
      %and3A_640 = arith.andi %bitcast3A_637, %and3A_639 : vector<16xi32>
      %or3A_641 = arith.constant 41 : i32
      %or3A_642 = vector.broadcast %or3A_641 : i32 to vector<16xi32>
      %or3A_643 = arith.ori %and3A_640, %or3A_642 : vector<16xi32>
      %bitcast3A_644 = vector.bitcast %or3A_643 : vector<16xi32> to vector<16xf32>
      %max3A_645 = arith.maximumf %max3A_617, %bitcast3A_644 : vector<16xf32>
      %min3A_646 = arith.minimumf %max3A_617, %bitcast3A_644 : vector<16xf32>
      %max3A_647 = arith.maximumf %max3A_619, %min3A_646 : vector<16xf32>
      %min3A_648 = arith.minimumf %max3A_619, %min3A_646 : vector<16xf32>
      %max3A_649 = arith.maximumf %max3A_621, %min3A_648 : vector<16xf32>
      %min3A_650 = arith.minimumf %max3A_621, %min3A_648 : vector<16xf32>
      %max3A_651 = arith.maximumf %max3A_623, %min3A_650 : vector<16xf32>
      %min3A_652 = arith.minimumf %max3A_623, %min3A_650 : vector<16xf32>
      %max3A_653 = arith.maximumf %max3A_625, %min3A_652 : vector<16xf32>
      %min3A_654 = arith.minimumf %max3A_625, %min3A_652 : vector<16xf32>
      %max3A_655 = arith.maximumf %max3A_627, %min3A_654 : vector<16xf32>
      %min3A_656 = arith.minimumf %max3A_627, %min3A_654 : vector<16xf32>
      %max3A_657 = arith.maximumf %max3A_629, %min3A_656 : vector<16xf32>
      %min3A_658 = arith.minimumf %max3A_629, %min3A_656 : vector<16xf32>
      %max3A_659 = arith.maximumf %max3A_631, %min3A_658 : vector<16xf32>
      %min3A_660 = arith.minimumf %max3A_631, %min3A_658 : vector<16xf32>
      %add3A_661 = arith.constant 23 : i32
      %add3A_662 = vector.broadcast %add3A_661 : i32 to vector<16xi32>
      %add3A_663 = arith.addi %mul3A_22, %add3A_662 : vector<16xi32>
      %gather3A_664 = tpu.vector_load_idx %arg5[%add3A_663] : memref<32768xf32, #tpu.memory_space<vmem>>[vector<16xi32>], vector<16xf32>,
      %bitcast3A_665 = vector.bitcast %gather3A_664 : vector<16xf32> to vector<16xi32>
      %and3A_666 = arith.constant -64 : i32
      %and3A_667 = vector.broadcast %and3A_666 : i32 to vector<16xi32>
      %and3A_668 = arith.andi %bitcast3A_665, %and3A_667 : vector<16xi32>
      %or3A_669 = arith.constant 40 : i32
      %or3A_670 = vector.broadcast %or3A_669 : i32 to vector<16xi32>
      %or3A_671 = arith.ori %and3A_668, %or3A_670 : vector<16xi32>
      %bitcast3A_672 = vector.bitcast %or3A_671 : vector<16xi32> to vector<16xf32>
      %max3A_673 = arith.maximumf %max3A_645, %bitcast3A_672 : vector<16xf32>
      %min3A_674 = arith.minimumf %max3A_645, %bitcast3A_672 : vector<16xf32>
      %max3A_675 = arith.maximumf %max3A_647, %min3A_674 : vector<16xf32>
      %min3A_676 = arith.minimumf %max3A_647, %min3A_674 : vector<16xf32>
      %max3A_677 = arith.maximumf %max3A_649, %min3A_676 : vector<16xf32>
      %min3A_678 = arith.minimumf %max3A_649, %min3A_676 : vector<16xf32>
      %max3A_679 = arith.maximumf %max3A_651, %min3A_678 : vector<16xf32>
      %min3A_680 = arith.minimumf %max3A_651, %min3A_678 : vector<16xf32>
      %max3A_681 = arith.maximumf %max3A_653, %min3A_680 : vector<16xf32>
      %min3A_682 = arith.minimumf %max3A_653, %min3A_680 : vector<16xf32>
      %max3A_683 = arith.maximumf %max3A_655, %min3A_682 : vector<16xf32>
      %min3A_684 = arith.minimumf %max3A_655, %min3A_682 : vector<16xf32>
      %max3A_685 = arith.maximumf %max3A_657, %min3A_684 : vector<16xf32>
      %min3A_686 = arith.minimumf %max3A_657, %min3A_684 : vector<16xf32>
      %max3A_687 = arith.maximumf %max3A_659, %min3A_686 : vector<16xf32>
      %min3A_688 = arith.minimumf %max3A_659, %min3A_686 : vector<16xf32>
      %add3A_689 = arith.constant 24 : i32
      %add3A_690 = vector.broadcast %add3A_689 : i32 to vector<16xi32>
      %add3A_691 = arith.addi %mul3A_22, %add3A_690 : vector<16xi32>
      %gather3A_692 = tpu.vector_load_idx %arg5[%add3A_691] : memref<32768xf32, #tpu.memory_space<vmem>>[vector<16xi32>], vector<16xf32>,
      %bitcast3A_693 = vector.bitcast %gather3A_692 : vector<16xf32> to vector<16xi32>
      %and3A_694 = arith.constant -64 : i32
      %and3A_695 = vector.broadcast %and3A_694 : i32 to vector<16xi32>
      %and3A_696 = arith.andi %bitcast3A_693, %and3A_695 : vector<16xi32>
      %or3A_697 = arith.constant 39 : i32
      %or3A_698 = vector.broadcast %or3A_697 : i32 to vector<16xi32>
      %or3A_699 = arith.ori %and3A_696, %or3A_698 : vector<16xi32>
      %bitcast3A_700 = vector.bitcast %or3A_699 : vector<16xi32> to vector<16xf32>
      %max3A_701 = arith.maximumf %max3A_673, %bitcast3A_700 : vector<16xf32>
      %min3A_702 = arith.minimumf %max3A_673, %bitcast3A_700 : vector<16xf32>
      %max3A_703 = arith.maximumf %max3A_675, %min3A_702 : vector<16xf32>
      %min3A_704 = arith.minimumf %max3A_675, %min3A_702 : vector<16xf32>
      %max3A_705 = arith.maximumf %max3A_677, %min3A_704 : vector<16xf32>
      %min3A_706 = arith.minimumf %max3A_677, %min3A_704 : vector<16xf32>
      %max3A_707 = arith.maximumf %max3A_679, %min3A_706 : vector<16xf32>
      %min3A_708 = arith.minimumf %max3A_679, %min3A_706 : vector<16xf32>
      %max3A_709 = arith.maximumf %max3A_681, %min3A_708 : vector<16xf32>
      %min3A_710 = arith.minimumf %max3A_681, %min3A_708 : vector<16xf32>
      %max3A_711 = arith.maximumf %max3A_683, %min3A_710 : vector<16xf32>
      %min3A_712 = arith.minimumf %max3A_683, %min3A_710 : vector<16xf32>
      %max3A_713 = arith.maximumf %max3A_685, %min3A_712 : vector<16xf32>
      %min3A_714 = arith.minimumf %max3A_685, %min3A_712 : vector<16xf32>
      %max3A_715 = arith.maximumf %max3A_687, %min3A_714 : vector<16xf32>
      %min3A_716 = arith.minimumf %max3A_687, %min3A_714 : vector<16xf32>
      %add3A_717 = arith.constant 25 : i32
      %add3A_718 = vector.broadcast %add3A_717 : i32 to vector<16xi32>
      %add3A_719 = arith.addi %mul3A_22, %add3A_718 : vector<16xi32>
      %gather3A_720 = tpu.vector_load_idx %arg5[%add3A_719] : memref<32768xf32, #tpu.memory_space<vmem>>[vector<16xi32>], vector<16xf32>,
      %bitcast3A_721 = vector.bitcast %gather3A_720 : vector<16xf32> to vector<16xi32>
      %and3A_722 = arith.constant -64 : i32
      %and3A_723 = vector.broadcast %and3A_722 : i32 to vector<16xi32>
      %and3A_724 = arith.andi %bitcast3A_721, %and3A_723 : vector<16xi32>
      %or3A_725 = arith.constant 38 : i32
      %or3A_726 = vector.broadcast %or3A_725 : i32 to vector<16xi32>
      %or3A_727 = arith.ori %and3A_724, %or3A_726 : vector<16xi32>
      %bitcast3A_728 = vector.bitcast %or3A_727 : vector<16xi32> to vector<16xf32>
      %max3A_729 = arith.maximumf %max3A_701, %bitcast3A_728 : vector<16xf32>
      %min3A_730 = arith.minimumf %max3A_701, %bitcast3A_728 : vector<16xf32>
      %max3A_731 = arith.maximumf %max3A_703, %min3A_730 : vector<16xf32>
      %min3A_732 = arith.minimumf %max3A_703, %min3A_730 : vector<16xf32>
      %max3A_733 = arith.maximumf %max3A_705, %min3A_732 : vector<16xf32>
      %min3A_734 = arith.minimumf %max3A_705, %min3A_732 : vector<16xf32>
      %max3A_735 = arith.maximumf %max3A_707, %min3A_734 : vector<16xf32>
      %min3A_736 = arith.minimumf %max3A_707, %min3A_734 : vector<16xf32>
      %max3A_737 = arith.maximumf %max3A_709, %min3A_736 : vector<16xf32>
      %min3A_738 = arith.minimumf %max3A_709, %min3A_736 : vector<16xf32>
      %max3A_739 = arith.maximumf %max3A_711, %min3A_738 : vector<16xf32>
      %min3A_740 = arith.minimumf %max3A_711, %min3A_738 : vector<16xf32>
      %max3A_741 = arith.maximumf %max3A_713, %min3A_740 : vector<16xf32>
      %min3A_742 = arith.minimumf %max3A_713, %min3A_740 : vector<16xf32>
      %max3A_743 = arith.maximumf %max3A_715, %min3A_742 : vector<16xf32>
      %min3A_744 = arith.minimumf %max3A_715, %min3A_742 : vector<16xf32>
      %add3A_745 = arith.constant 26 : i32
      %add3A_746 = vector.broadcast %add3A_745 : i32 to vector<16xi32>
      %add3A_747 = arith.addi %mul3A_22, %add3A_746 : vector<16xi32>
      %gather3A_748 = tpu.vector_load_idx %arg5[%add3A_747] : memref<32768xf32, #tpu.memory_space<vmem>>[vector<16xi32>], vector<16xf32>,
      %bitcast3A_749 = vector.bitcast %gather3A_748 : vector<16xf32> to vector<16xi32>
      %and3A_750 = arith.constant -64 : i32
      %and3A_751 = vector.broadcast %and3A_750 : i32 to vector<16xi32>
      %and3A_752 = arith.andi %bitcast3A_749, %and3A_751 : vector<16xi32>
      %or3A_753 = arith.constant 37 : i32
      %or3A_754 = vector.broadcast %or3A_753 : i32 to vector<16xi32>
      %or3A_755 = arith.ori %and3A_752, %or3A_754 : vector<16xi32>
      %bitcast3A_756 = vector.bitcast %or3A_755 : vector<16xi32> to vector<16xf32>
      %max3A_757 = arith.maximumf %max3A_729, %bitcast3A_756 : vector<16xf32>
      %min3A_758 = arith.minimumf %max3A_729, %bitcast3A_756 : vector<16xf32>
      %max3A_759 = arith.maximumf %max3A_731, %min3A_758 : vector<16xf32>
      %min3A_760 = arith.minimumf %max3A_731, %min3A_758 : vector<16xf32>
      %max3A_761 = arith.maximumf %max3A_733, %min3A_760 : vector<16xf32>
      %min3A_762 = arith.minimumf %max3A_733, %min3A_760 : vector<16xf32>
      %max3A_763 = arith.maximumf %max3A_735, %min3A_762 : vector<16xf32>
      %min3A_764 = arith.minimumf %max3A_735, %min3A_762 : vector<16xf32>
      %max3A_765 = arith.maximumf %max3A_737, %min3A_764 : vector<16xf32>
      %min3A_766 = arith.minimumf %max3A_737, %min3A_764 : vector<16xf32>
      %max3A_767 = arith.maximumf %max3A_739, %min3A_766 : vector<16xf32>
      %min3A_768 = arith.minimumf %max3A_739, %min3A_766 : vector<16xf32>
      %max3A_769 = arith.maximumf %max3A_741, %min3A_768 : vector<16xf32>
      %min3A_770 = arith.minimumf %max3A_741, %min3A_768 : vector<16xf32>
      %max3A_771 = arith.maximumf %max3A_743, %min3A_770 : vector<16xf32>
      %min3A_772 = arith.minimumf %max3A_743, %min3A_770 : vector<16xf32>
      %add3A_773 = arith.constant 27 : i32
      %add3A_774 = vector.broadcast %add3A_773 : i32 to vector<16xi32>
      %add3A_775 = arith.addi %mul3A_22, %add3A_774 : vector<16xi32>
      %gather3A_776 = tpu.vector_load_idx %arg5[%add3A_775] : memref<32768xf32, #tpu.memory_space<vmem>>[vector<16xi32>], vector<16xf32>,
      %bitcast3A_777 = vector.bitcast %gather3A_776 : vector<16xf32> to vector<16xi32>
      %and3A_778 = arith.constant -64 : i32
      %and3A_779 = vector.broadcast %and3A_778 : i32 to vector<16xi32>
      %and3A_780 = arith.andi %bitcast3A_777, %and3A_779 : vector<16xi32>
      %or3A_781 = arith.constant 36 : i32
      %or3A_782 = vector.broadcast %or3A_781 : i32 to vector<16xi32>
      %or3A_783 = arith.ori %and3A_780, %or3A_782 : vector<16xi32>
      %bitcast3A_784 = vector.bitcast %or3A_783 : vector<16xi32> to vector<16xf32>
      %max3A_785 = arith.maximumf %max3A_757, %bitcast3A_784 : vector<16xf32>
      %min3A_786 = arith.minimumf %max3A_757, %bitcast3A_784 : vector<16xf32>
      %max3A_787 = arith.maximumf %max3A_759, %min3A_786 : vector<16xf32>
      %min3A_788 = arith.minimumf %max3A_759, %min3A_786 : vector<16xf32>
      %max3A_789 = arith.maximumf %max3A_761, %min3A_788 : vector<16xf32>
      %min3A_790 = arith.minimumf %max3A_761, %min3A_788 : vector<16xf32>
      %max3A_791 = arith.maximumf %max3A_763, %min3A_790 : vector<16xf32>
      %min3A_792 = arith.minimumf %max3A_763, %min3A_790 : vector<16xf32>
      %max3A_793 = arith.maximumf %max3A_765, %min3A_792 : vector<16xf32>
      %min3A_794 = arith.minimumf %max3A_765, %min3A_792 : vector<16xf32>
      %max3A_795 = arith.maximumf %max3A_767, %min3A_794 : vector<16xf32>
      %min3A_796 = arith.minimumf %max3A_767, %min3A_794 : vector<16xf32>
      %max3A_797 = arith.maximumf %max3A_769, %min3A_796 : vector<16xf32>
      %min3A_798 = arith.minimumf %max3A_769, %min3A_796 : vector<16xf32>
      %max3A_799 = arith.maximumf %max3A_771, %min3A_798 : vector<16xf32>
      %min3A_800 = arith.minimumf %max3A_771, %min3A_798 : vector<16xf32>
      %add3A_801 = arith.constant 28 : i32
      %add3A_802 = vector.broadcast %add3A_801 : i32 to vector<16xi32>
      %add3A_803 = arith.addi %mul3A_22, %add3A_802 : vector<16xi32>
      %gather3A_804 = tpu.vector_load_idx %arg5[%add3A_803] : memref<32768xf32, #tpu.memory_space<vmem>>[vector<16xi32>], vector<16xf32>,
      %bitcast3A_805 = vector.bitcast %gather3A_804 : vector<16xf32> to vector<16xi32>
      %and3A_806 = arith.constant -64 : i32
      %and3A_807 = vector.broadcast %and3A_806 : i32 to vector<16xi32>
      %and3A_808 = arith.andi %bitcast3A_805, %and3A_807 : vector<16xi32>
      %or3A_809 = arith.constant 35 : i32
      %or3A_810 = vector.broadcast %or3A_809 : i32 to vector<16xi32>
      %or3A_811 = arith.ori %and3A_808, %or3A_810 : vector<16xi32>
      %bitcast3A_812 = vector.bitcast %or3A_811 : vector<16xi32> to vector<16xf32>
      %max3A_813 = arith.maximumf %max3A_785, %bitcast3A_812 : vector<16xf32>
      %min3A_814 = arith.minimumf %max3A_785, %bitcast3A_812 : vector<16xf32>
      %max3A_815 = arith.maximumf %max3A_787, %min3A_814 : vector<16xf32>
      %min3A_816 = arith.minimumf %max3A_787, %min3A_814 : vector<16xf32>
      %max3A_817 = arith.maximumf %max3A_789, %min3A_816 : vector<16xf32>
      %min3A_818 = arith.minimumf %max3A_789, %min3A_816 : vector<16xf32>
      %max3A_819 = arith.maximumf %max3A_791, %min3A_818 : vector<16xf32>
      %min3A_820 = arith.minimumf %max3A_791, %min3A_818 : vector<16xf32>
      %max3A_821 = arith.maximumf %max3A_793, %min3A_820 : vector<16xf32>
      %min3A_822 = arith.minimumf %max3A_793, %min3A_820 : vector<16xf32>
      %max3A_823 = arith.maximumf %max3A_795, %min3A_822 : vector<16xf32>
      %min3A_824 = arith.minimumf %max3A_795, %min3A_822 : vector<16xf32>
      %max3A_825 = arith.maximumf %max3A_797, %min3A_824 : vector<16xf32>
      %min3A_826 = arith.minimumf %max3A_797, %min3A_824 : vector<16xf32>
      %max3A_827 = arith.maximumf %max3A_799, %min3A_826 : vector<16xf32>
      %min3A_828 = arith.minimumf %max3A_799, %min3A_826 : vector<16xf32>
      %add3A_829 = arith.constant 29 : i32
      %add3A_830 = vector.broadcast %add3A_829 : i32 to vector<16xi32>
      %add3A_831 = arith.addi %mul3A_22, %add3A_830 : vector<16xi32>
      %gather3A_832 = tpu.vector_load_idx %arg5[%add3A_831] : memref<32768xf32, #tpu.memory_space<vmem>>[vector<16xi32>], vector<16xf32>,
      %bitcast3A_833 = vector.bitcast %gather3A_832 : vector<16xf32> to vector<16xi32>
      %and3A_834 = arith.constant -64 : i32
      %and3A_835 = vector.broadcast %and3A_834 : i32 to vector<16xi32>
      %and3A_836 = arith.andi %bitcast3A_833, %and3A_835 : vector<16xi32>
      %or3A_837 = arith.constant 34 : i32
      %or3A_838 = vector.broadcast %or3A_837 : i32 to vector<16xi32>
      %or3A_839 = arith.ori %and3A_836, %or3A_838 : vector<16xi32>
      %bitcast3A_840 = vector.bitcast %or3A_839 : vector<16xi32> to vector<16xf32>
      %max3A_841 = arith.maximumf %max3A_813, %bitcast3A_840 : vector<16xf32>
      %min3A_842 = arith.minimumf %max3A_813, %bitcast3A_840 : vector<16xf32>
      %max3A_843 = arith.maximumf %max3A_815, %min3A_842 : vector<16xf32>
      %min3A_844 = arith.minimumf %max3A_815, %min3A_842 : vector<16xf32>
      %max3A_845 = arith.maximumf %max3A_817, %min3A_844 : vector<16xf32>
      %min3A_846 = arith.minimumf %max3A_817, %min3A_844 : vector<16xf32>
      %max3A_847 = arith.maximumf %max3A_819, %min3A_846 : vector<16xf32>
      %min3A_848 = arith.minimumf %max3A_819, %min3A_846 : vector<16xf32>
      %max3A_849 = arith.maximumf %max3A_821, %min3A_848 : vector<16xf32>
      %min3A_850 = arith.minimumf %max3A_821, %min3A_848 : vector<16xf32>
      %max3A_851 = arith.maximumf %max3A_823, %min3A_850 : vector<16xf32>
      %min3A_852 = arith.minimumf %max3A_823, %min3A_850 : vector<16xf32>
      %max3A_853 = arith.maximumf %max3A_825, %min3A_852 : vector<16xf32>
      %min3A_854 = arith.minimumf %max3A_825, %min3A_852 : vector<16xf32>
      %max3A_855 = arith.maximumf %max3A_827, %min3A_854 : vector<16xf32>
      %min3A_856 = arith.minimumf %max3A_827, %min3A_854 : vector<16xf32>
      %add3A_857 = arith.constant 30 : i32
      %add3A_858 = vector.broadcast %add3A_857 : i32 to vector<16xi32>
      %add3A_859 = arith.addi %mul3A_22, %add3A_858 : vector<16xi32>
      %gather3A_860 = tpu.vector_load_idx %arg5[%add3A_859] : memref<32768xf32, #tpu.memory_space<vmem>>[vector<16xi32>], vector<16xf32>,
      %bitcast3A_861 = vector.bitcast %gather3A_860 : vector<16xf32> to vector<16xi32>
      %and3A_862 = arith.constant -64 : i32
      %and3A_863 = vector.broadcast %and3A_862 : i32 to vector<16xi32>
      %and3A_864 = arith.andi %bitcast3A_861, %and3A_863 : vector<16xi32>
      %or3A_865 = arith.constant 33 : i32
      %or3A_866 = vector.broadcast %or3A_865 : i32 to vector<16xi32>
      %or3A_867 = arith.ori %and3A_864, %or3A_866 : vector<16xi32>
      %bitcast3A_868 = vector.bitcast %or3A_867 : vector<16xi32> to vector<16xf32>
      %max3A_869 = arith.maximumf %max3A_841, %bitcast3A_868 : vector<16xf32>
      %min3A_870 = arith.minimumf %max3A_841, %bitcast3A_868 : vector<16xf32>
      %max3A_871 = arith.maximumf %max3A_843, %min3A_870 : vector<16xf32>
      %min3A_872 = arith.minimumf %max3A_843, %min3A_870 : vector<16xf32>
      %max3A_873 = arith.maximumf %max3A_845, %min3A_872 : vector<16xf32>
      %min3A_874 = arith.minimumf %max3A_845, %min3A_872 : vector<16xf32>
      %max3A_875 = arith.maximumf %max3A_847, %min3A_874 : vector<16xf32>
      %min3A_876 = arith.minimumf %max3A_847, %min3A_874 : vector<16xf32>
      %max3A_877 = arith.maximumf %max3A_849, %min3A_876 : vector<16xf32>
      %min3A_878 = arith.minimumf %max3A_849, %min3A_876 : vector<16xf32>
      %max3A_879 = arith.maximumf %max3A_851, %min3A_878 : vector<16xf32>
      %min3A_880 = arith.minimumf %max3A_851, %min3A_878 : vector<16xf32>
      %max3A_881 = arith.maximumf %max3A_853, %min3A_880 : vector<16xf32>
      %min3A_882 = arith.minimumf %max3A_853, %min3A_880 : vector<16xf32>
      %max3A_883 = arith.maximumf %max3A_855, %min3A_882 : vector<16xf32>
      %min3A_884 = arith.minimumf %max3A_855, %min3A_882 : vector<16xf32>
      %add3A_885 = arith.constant 31 : i32
      %add3A_886 = vector.broadcast %add3A_885 : i32 to vector<16xi32>
      %add3A_887 = arith.addi %mul3A_22, %add3A_886 : vector<16xi32>
      %gather3A_888 = tpu.vector_load_idx %arg5[%add3A_887] : memref<32768xf32, #tpu.memory_space<vmem>>[vector<16xi32>], vector<16xf32>,
      %bitcast3A_889 = vector.bitcast %gather3A_888 : vector<16xf32> to vector<16xi32>
      %and3A_890 = arith.constant -64 : i32
      %and3A_891 = vector.broadcast %and3A_890 : i32 to vector<16xi32>
      %and3A_892 = arith.andi %bitcast3A_889, %and3A_891 : vector<16xi32>
      %or3A_893 = arith.constant 32 : i32
      %or3A_894 = vector.broadcast %or3A_893 : i32 to vector<16xi32>
      %or3A_895 = arith.ori %and3A_892, %or3A_894 : vector<16xi32>
      %bitcast3A_896 = vector.bitcast %or3A_895 : vector<16xi32> to vector<16xf32>
      %max3A_897 = arith.maximumf %max3A_869, %bitcast3A_896 : vector<16xf32>
      %min3A_898 = arith.minimumf %max3A_869, %bitcast3A_896 : vector<16xf32>
      %max3A_899 = arith.maximumf %max3A_871, %min3A_898 : vector<16xf32>
      %min3A_900 = arith.minimumf %max3A_871, %min3A_898 : vector<16xf32>
      %max3A_901 = arith.maximumf %max3A_873, %min3A_900 : vector<16xf32>
      %min3A_902 = arith.minimumf %max3A_873, %min3A_900 : vector<16xf32>
      %max3A_903 = arith.maximumf %max3A_875, %min3A_902 : vector<16xf32>
      %min3A_904 = arith.minimumf %max3A_875, %min3A_902 : vector<16xf32>
      %max3A_905 = arith.maximumf %max3A_877, %min3A_904 : vector<16xf32>
      %min3A_906 = arith.minimumf %max3A_877, %min3A_904 : vector<16xf32>
      %max3A_907 = arith.maximumf %max3A_879, %min3A_906 : vector<16xf32>
      %min3A_908 = arith.minimumf %max3A_879, %min3A_906 : vector<16xf32>
      %max3A_909 = arith.maximumf %max3A_881, %min3A_908 : vector<16xf32>
      %min3A_910 = arith.minimumf %max3A_881, %min3A_908 : vector<16xf32>
      %max3A_911 = arith.maximumf %max3A_883, %min3A_910 : vector<16xf32>
      %min3A_912 = arith.minimumf %max3A_883, %min3A_910 : vector<16xf32>
      %add3A_913 = arith.constant 32 : i32
      %add3A_914 = vector.broadcast %add3A_913 : i32 to vector<16xi32>
      %add3A_915 = arith.addi %mul3A_22, %add3A_914 : vector<16xi32>
      %gather3A_916 = tpu.vector_load_idx %arg5[%add3A_915] : memref<32768xf32, #tpu.memory_space<vmem>>[vector<16xi32>], vector<16xf32>,
      %bitcast3A_917 = vector.bitcast %gather3A_916 : vector<16xf32> to vector<16xi32>
      %and3A_918 = arith.constant -64 : i32
      %and3A_919 = vector.broadcast %and3A_918 : i32 to vector<16xi32>
      %and3A_920 = arith.andi %bitcast3A_917, %and3A_919 : vector<16xi32>
      %or3A_921 = arith.constant 31 : i32
      %or3A_922 = vector.broadcast %or3A_921 : i32 to vector<16xi32>
      %or3A_923 = arith.ori %and3A_920, %or3A_922 : vector<16xi32>
      %bitcast3A_924 = vector.bitcast %or3A_923 : vector<16xi32> to vector<16xf32>
      %max3A_925 = arith.maximumf %max3A_897, %bitcast3A_924 : vector<16xf32>
      %min3A_926 = arith.minimumf %max3A_897, %bitcast3A_924 : vector<16xf32>
      %max3A_927 = arith.maximumf %max3A_899, %min3A_926 : vector<16xf32>
      %min3A_928 = arith.minimumf %max3A_899, %min3A_926 : vector<16xf32>
      %max3A_929 = arith.maximumf %max3A_901, %min3A_928 : vector<16xf32>
      %min3A_930 = arith.minimumf %max3A_901, %min3A_928 : vector<16xf32>
      %max3A_931 = arith.maximumf %max3A_903, %min3A_930 : vector<16xf32>
      %min3A_932 = arith.minimumf %max3A_903, %min3A_930 : vector<16xf32>
      %max3A_933 = arith.maximumf %max3A_905, %min3A_932 : vector<16xf32>
      %min3A_934 = arith.minimumf %max3A_905, %min3A_932 : vector<16xf32>
      %max3A_935 = arith.maximumf %max3A_907, %min3A_934 : vector<16xf32>
      %min3A_936 = arith.minimumf %max3A_907, %min3A_934 : vector<16xf32>
      %max3A_937 = arith.maximumf %max3A_909, %min3A_936 : vector<16xf32>
      %min3A_938 = arith.minimumf %max3A_909, %min3A_936 : vector<16xf32>
      %max3A_939 = arith.maximumf %max3A_911, %min3A_938 : vector<16xf32>
      %min3A_940 = arith.minimumf %max3A_911, %min3A_938 : vector<16xf32>
      %add3A_941 = arith.constant 33 : i32
      %add3A_942 = vector.broadcast %add3A_941 : i32 to vector<16xi32>
      %add3A_943 = arith.addi %mul3A_22, %add3A_942 : vector<16xi32>
      %gather3A_944 = tpu.vector_load_idx %arg5[%add3A_943] : memref<32768xf32, #tpu.memory_space<vmem>>[vector<16xi32>], vector<16xf32>,
      %bitcast3A_945 = vector.bitcast %gather3A_944 : vector<16xf32> to vector<16xi32>
      %and3A_946 = arith.constant -64 : i32
      %and3A_947 = vector.broadcast %and3A_946 : i32 to vector<16xi32>
      %and3A_948 = arith.andi %bitcast3A_945, %and3A_947 : vector<16xi32>
      %or3A_949 = arith.constant 30 : i32
      %or3A_950 = vector.broadcast %or3A_949 : i32 to vector<16xi32>
      %or3A_951 = arith.ori %and3A_948, %or3A_950 : vector<16xi32>
      %bitcast3A_952 = vector.bitcast %or3A_951 : vector<16xi32> to vector<16xf32>
      %max3A_953 = arith.maximumf %max3A_925, %bitcast3A_952 : vector<16xf32>
      %min3A_954 = arith.minimumf %max3A_925, %bitcast3A_952 : vector<16xf32>
      %max3A_955 = arith.maximumf %max3A_927, %min3A_954 : vector<16xf32>
      %min3A_956 = arith.minimumf %max3A_927, %min3A_954 : vector<16xf32>
      %max3A_957 = arith.maximumf %max3A_929, %min3A_956 : vector<16xf32>
      %min3A_958 = arith.minimumf %max3A_929, %min3A_956 : vector<16xf32>
      %max3A_959 = arith.maximumf %max3A_931, %min3A_958 : vector<16xf32>
      %min3A_960 = arith.minimumf %max3A_931, %min3A_958 : vector<16xf32>
      %max3A_961 = arith.maximumf %max3A_933, %min3A_960 : vector<16xf32>
      %min3A_962 = arith.minimumf %max3A_933, %min3A_960 : vector<16xf32>
      %max3A_963 = arith.maximumf %max3A_935, %min3A_962 : vector<16xf32>
      %min3A_964 = arith.minimumf %max3A_935, %min3A_962 : vector<16xf32>
      %max3A_965 = arith.maximumf %max3A_937, %min3A_964 : vector<16xf32>
      %min3A_966 = arith.minimumf %max3A_937, %min3A_964 : vector<16xf32>
      %max3A_967 = arith.maximumf %max3A_939, %min3A_966 : vector<16xf32>
      %min3A_968 = arith.minimumf %max3A_939, %min3A_966 : vector<16xf32>
      %add3A_969 = arith.constant 34 : i32
      %add3A_970 = vector.broadcast %add3A_969 : i32 to vector<16xi32>
      %add3A_971 = arith.addi %mul3A_22, %add3A_970 : vector<16xi32>
      %gather3A_972 = tpu.vector_load_idx %arg5[%add3A_971] : memref<32768xf32, #tpu.memory_space<vmem>>[vector<16xi32>], vector<16xf32>,
      %bitcast3A_973 = vector.bitcast %gather3A_972 : vector<16xf32> to vector<16xi32>
      %and3A_974 = arith.constant -64 : i32
      %and3A_975 = vector.broadcast %and3A_974 : i32 to vector<16xi32>
      %and3A_976 = arith.andi %bitcast3A_973, %and3A_975 : vector<16xi32>
      %or3A_977 = arith.constant 29 : i32
      %or3A_978 = vector.broadcast %or3A_977 : i32 to vector<16xi32>
      %or3A_979 = arith.ori %and3A_976, %or3A_978 : vector<16xi32>
      %bitcast3A_980 = vector.bitcast %or3A_979 : vector<16xi32> to vector<16xf32>
      %max3A_981 = arith.maximumf %max3A_953, %bitcast3A_980 : vector<16xf32>
      %min3A_982 = arith.minimumf %max3A_953, %bitcast3A_980 : vector<16xf32>
      %max3A_983 = arith.maximumf %max3A_955, %min3A_982 : vector<16xf32>
      %min3A_984 = arith.minimumf %max3A_955, %min3A_982 : vector<16xf32>
      %max3A_985 = arith.maximumf %max3A_957, %min3A_984 : vector<16xf32>
      %min3A_986 = arith.minimumf %max3A_957, %min3A_984 : vector<16xf32>
      %max3A_987 = arith.maximumf %max3A_959, %min3A_986 : vector<16xf32>
      %min3A_988 = arith.minimumf %max3A_959, %min3A_986 : vector<16xf32>
      %max3A_989 = arith.maximumf %max3A_961, %min3A_988 : vector<16xf32>
      %min3A_990 = arith.minimumf %max3A_961, %min3A_988 : vector<16xf32>
      %max3A_991 = arith.maximumf %max3A_963, %min3A_990 : vector<16xf32>
      %min3A_992 = arith.minimumf %max3A_963, %min3A_990 : vector<16xf32>
      %max3A_993 = arith.maximumf %max3A_965, %min3A_992 : vector<16xf32>
      %min3A_994 = arith.minimumf %max3A_965, %min3A_992 : vector<16xf32>
      %max3A_995 = arith.maximumf %max3A_967, %min3A_994 : vector<16xf32>
      %min3A_996 = arith.minimumf %max3A_967, %min3A_994 : vector<16xf32>
      %add3A_997 = arith.constant 35 : i32
      %add3A_998 = vector.broadcast %add3A_997 : i32 to vector<16xi32>
      %add3A_999 = arith.addi %mul3A_22, %add3A_998 : vector<16xi32>
      %gather3A_1000 = tpu.vector_load_idx %arg5[%add3A_999] : memref<32768xf32, #tpu.memory_space<vmem>>[vector<16xi32>], vector<16xf32>,
      %bitcast3A_1001 = vector.bitcast %gather3A_1000 : vector<16xf32> to vector<16xi32>
      %and3A_1002 = arith.constant -64 : i32
      %and3A_1003 = vector.broadcast %and3A_1002 : i32 to vector<16xi32>
      %and3A_1004 = arith.andi %bitcast3A_1001, %and3A_1003 : vector<16xi32>
      %or3A_1005 = arith.constant 28 : i32
      %or3A_1006 = vector.broadcast %or3A_1005 : i32 to vector<16xi32>
      %or3A_1007 = arith.ori %and3A_1004, %or3A_1006 : vector<16xi32>
      %bitcast3A_1008 = vector.bitcast %or3A_1007 : vector<16xi32> to vector<16xf32>
      %max3A_1009 = arith.maximumf %max3A_981, %bitcast3A_1008 : vector<16xf32>
      %min3A_1010 = arith.minimumf %max3A_981, %bitcast3A_1008 : vector<16xf32>
      %max3A_1011 = arith.maximumf %max3A_983, %min3A_1010 : vector<16xf32>
      %min3A_1012 = arith.minimumf %max3A_983, %min3A_1010 : vector<16xf32>
      %max3A_1013 = arith.maximumf %max3A_985, %min3A_1012 : vector<16xf32>
      %min3A_1014 = arith.minimumf %max3A_985, %min3A_1012 : vector<16xf32>
      %max3A_1015 = arith.maximumf %max3A_987, %min3A_1014 : vector<16xf32>
      %min3A_1016 = arith.minimumf %max3A_987, %min3A_1014 : vector<16xf32>
      %max3A_1017 = arith.maximumf %max3A_989, %min3A_1016 : vector<16xf32>
      %min3A_1018 = arith.minimumf %max3A_989, %min3A_1016 : vector<16xf32>
      %max3A_1019 = arith.maximumf %max3A_991, %min3A_1018 : vector<16xf32>
      %min3A_1020 = arith.minimumf %max3A_991, %min3A_1018 : vector<16xf32>
      %max3A_1021 = arith.maximumf %max3A_993, %min3A_1020 : vector<16xf32>
      %min3A_1022 = arith.minimumf %max3A_993, %min3A_1020 : vector<16xf32>
      %max3A_1023 = arith.maximumf %max3A_995, %min3A_1022 : vector<16xf32>
      %min3A_1024 = arith.minimumf %max3A_995, %min3A_1022 : vector<16xf32>
      %add3A_1025 = arith.constant 36 : i32
      %add3A_1026 = vector.broadcast %add3A_1025 : i32 to vector<16xi32>
      %add3A_1027 = arith.addi %mul3A_22, %add3A_1026 : vector<16xi32>
      %gather3A_1028 = tpu.vector_load_idx %arg5[%add3A_1027] : memref<32768xf32, #tpu.memory_space<vmem>>[vector<16xi32>], vector<16xf32>,
      %bitcast3A_1029 = vector.bitcast %gather3A_1028 : vector<16xf32> to vector<16xi32>
      %and3A_1030 = arith.constant -64 : i32
      %and3A_1031 = vector.broadcast %and3A_1030 : i32 to vector<16xi32>
      %and3A_1032 = arith.andi %bitcast3A_1029, %and3A_1031 : vector<16xi32>
      %or3A_1033 = arith.constant 27 : i32
      %or3A_1034 = vector.broadcast %or3A_1033 : i32 to vector<16xi32>
      %or3A_1035 = arith.ori %and3A_1032, %or3A_1034 : vector<16xi32>
      %bitcast3A_1036 = vector.bitcast %or3A_1035 : vector<16xi32> to vector<16xf32>
      %max3A_1037 = arith.maximumf %max3A_1009, %bitcast3A_1036 : vector<16xf32>
      %min3A_1038 = arith.minimumf %max3A_1009, %bitcast3A_1036 : vector<16xf32>
      %max3A_1039 = arith.maximumf %max3A_1011, %min3A_1038 : vector<16xf32>
      %min3A_1040 = arith.minimumf %max3A_1011, %min3A_1038 : vector<16xf32>
      %max3A_1041 = arith.maximumf %max3A_1013, %min3A_1040 : vector<16xf32>
      %min3A_1042 = arith.minimumf %max3A_1013, %min3A_1040 : vector<16xf32>
      %max3A_1043 = arith.maximumf %max3A_1015, %min3A_1042 : vector<16xf32>
      %min3A_1044 = arith.minimumf %max3A_1015, %min3A_1042 : vector<16xf32>
      %max3A_1045 = arith.maximumf %max3A_1017, %min3A_1044 : vector<16xf32>
      %min3A_1046 = arith.minimumf %max3A_1017, %min3A_1044 : vector<16xf32>
      %max3A_1047 = arith.maximumf %max3A_1019, %min3A_1046 : vector<16xf32>
      %min3A_1048 = arith.minimumf %max3A_1019, %min3A_1046 : vector<16xf32>
      %max3A_1049 = arith.maximumf %max3A_1021, %min3A_1048 : vector<16xf32>
      %min3A_1050 = arith.minimumf %max3A_1021, %min3A_1048 : vector<16xf32>
      %max3A_1051 = arith.maximumf %max3A_1023, %min3A_1050 : vector<16xf32>
      %min3A_1052 = arith.minimumf %max3A_1023, %min3A_1050 : vector<16xf32>
      %add3A_1053 = arith.constant 37 : i32
      %add3A_1054 = vector.broadcast %add3A_1053 : i32 to vector<16xi32>
      %add3A_1055 = arith.addi %mul3A_22, %add3A_1054 : vector<16xi32>
      %gather3A_1056 = tpu.vector_load_idx %arg5[%add3A_1055] : memref<32768xf32, #tpu.memory_space<vmem>>[vector<16xi32>], vector<16xf32>,
      %bitcast3A_1057 = vector.bitcast %gather3A_1056 : vector<16xf32> to vector<16xi32>
      %and3A_1058 = arith.constant -64 : i32
      %and3A_1059 = vector.broadcast %and3A_1058 : i32 to vector<16xi32>
      %and3A_1060 = arith.andi %bitcast3A_1057, %and3A_1059 : vector<16xi32>
      %or3A_1061 = arith.constant 26 : i32
      %or3A_1062 = vector.broadcast %or3A_1061 : i32 to vector<16xi32>
      %or3A_1063 = arith.ori %and3A_1060, %or3A_1062 : vector<16xi32>
      %bitcast3A_1064 = vector.bitcast %or3A_1063 : vector<16xi32> to vector<16xf32>
      %max3A_1065 = arith.maximumf %max3A_1037, %bitcast3A_1064 : vector<16xf32>
      %min3A_1066 = arith.minimumf %max3A_1037, %bitcast3A_1064 : vector<16xf32>
      %max3A_1067 = arith.maximumf %max3A_1039, %min3A_1066 : vector<16xf32>
      %min3A_1068 = arith.minimumf %max3A_1039, %min3A_1066 : vector<16xf32>
      %max3A_1069 = arith.maximumf %max3A_1041, %min3A_1068 : vector<16xf32>
      %min3A_1070 = arith.minimumf %max3A_1041, %min3A_1068 : vector<16xf32>
      %max3A_1071 = arith.maximumf %max3A_1043, %min3A_1070 : vector<16xf32>
      %min3A_1072 = arith.minimumf %max3A_1043, %min3A_1070 : vector<16xf32>
      %max3A_1073 = arith.maximumf %max3A_1045, %min3A_1072 : vector<16xf32>
      %min3A_1074 = arith.minimumf %max3A_1045, %min3A_1072 : vector<16xf32>
      %max3A_1075 = arith.maximumf %max3A_1047, %min3A_1074 : vector<16xf32>
      %min3A_1076 = arith.minimumf %max3A_1047, %min3A_1074 : vector<16xf32>
      %max3A_1077 = arith.maximumf %max3A_1049, %min3A_1076 : vector<16xf32>
      %min3A_1078 = arith.minimumf %max3A_1049, %min3A_1076 : vector<16xf32>
      %max3A_1079 = arith.maximumf %max3A_1051, %min3A_1078 : vector<16xf32>
      %min3A_1080 = arith.minimumf %max3A_1051, %min3A_1078 : vector<16xf32>
      %add3A_1081 = arith.constant 38 : i32
      %add3A_1082 = vector.broadcast %add3A_1081 : i32 to vector<16xi32>
      %add3A_1083 = arith.addi %mul3A_22, %add3A_1082 : vector<16xi32>
      %gather3A_1084 = tpu.vector_load_idx %arg5[%add3A_1083] : memref<32768xf32, #tpu.memory_space<vmem>>[vector<16xi32>], vector<16xf32>,
      %bitcast3A_1085 = vector.bitcast %gather3A_1084 : vector<16xf32> to vector<16xi32>
      %and3A_1086 = arith.constant -64 : i32
      %and3A_1087 = vector.broadcast %and3A_1086 : i32 to vector<16xi32>
      %and3A_1088 = arith.andi %bitcast3A_1085, %and3A_1087 : vector<16xi32>
      %or3A_1089 = arith.constant 25 : i32
      %or3A_1090 = vector.broadcast %or3A_1089 : i32 to vector<16xi32>
      %or3A_1091 = arith.ori %and3A_1088, %or3A_1090 : vector<16xi32>
      %bitcast3A_1092 = vector.bitcast %or3A_1091 : vector<16xi32> to vector<16xf32>
      %max3A_1093 = arith.maximumf %max3A_1065, %bitcast3A_1092 : vector<16xf32>
      %min3A_1094 = arith.minimumf %max3A_1065, %bitcast3A_1092 : vector<16xf32>
      %max3A_1095 = arith.maximumf %max3A_1067, %min3A_1094 : vector<16xf32>
      %min3A_1096 = arith.minimumf %max3A_1067, %min3A_1094 : vector<16xf32>
      %max3A_1097 = arith.maximumf %max3A_1069, %min3A_1096 : vector<16xf32>
      %min3A_1098 = arith.minimumf %max3A_1069, %min3A_1096 : vector<16xf32>
      %max3A_1099 = arith.maximumf %max3A_1071, %min3A_1098 : vector<16xf32>
      %min3A_1100 = arith.minimumf %max3A_1071, %min3A_1098 : vector<16xf32>
      %max3A_1101 = arith.maximumf %max3A_1073, %min3A_1100 : vector<16xf32>
      %min3A_1102 = arith.minimumf %max3A_1073, %min3A_1100 : vector<16xf32>
      %max3A_1103 = arith.maximumf %max3A_1075, %min3A_1102 : vector<16xf32>
      %min3A_1104 = arith.minimumf %max3A_1075, %min3A_1102 : vector<16xf32>
      %max3A_1105 = arith.maximumf %max3A_1077, %min3A_1104 : vector<16xf32>
      %min3A_1106 = arith.minimumf %max3A_1077, %min3A_1104 : vector<16xf32>
      %max3A_1107 = arith.maximumf %max3A_1079, %min3A_1106 : vector<16xf32>
      %min3A_1108 = arith.minimumf %max3A_1079, %min3A_1106 : vector<16xf32>
      %add3A_1109 = arith.constant 39 : i32
      %add3A_1110 = vector.broadcast %add3A_1109 : i32 to vector<16xi32>
      %add3A_1111 = arith.addi %mul3A_22, %add3A_1110 : vector<16xi32>
      %gather3A_1112 = tpu.vector_load_idx %arg5[%add3A_1111] : memref<32768xf32, #tpu.memory_space<vmem>>[vector<16xi32>], vector<16xf32>,
      %bitcast3A_1113 = vector.bitcast %gather3A_1112 : vector<16xf32> to vector<16xi32>
      %and3A_1114 = arith.constant -64 : i32
      %and3A_1115 = vector.broadcast %and3A_1114 : i32 to vector<16xi32>
      %and3A_1116 = arith.andi %bitcast3A_1113, %and3A_1115 : vector<16xi32>
      %or3A_1117 = arith.constant 24 : i32
      %or3A_1118 = vector.broadcast %or3A_1117 : i32 to vector<16xi32>
      %or3A_1119 = arith.ori %and3A_1116, %or3A_1118 : vector<16xi32>
      %bitcast3A_1120 = vector.bitcast %or3A_1119 : vector<16xi32> to vector<16xf32>
      %max3A_1121 = arith.maximumf %max3A_1093, %bitcast3A_1120 : vector<16xf32>
      %min3A_1122 = arith.minimumf %max3A_1093, %bitcast3A_1120 : vector<16xf32>
      %max3A_1123 = arith.maximumf %max3A_1095, %min3A_1122 : vector<16xf32>
      %min3A_1124 = arith.minimumf %max3A_1095, %min3A_1122 : vector<16xf32>
      %max3A_1125 = arith.maximumf %max3A_1097, %min3A_1124 : vector<16xf32>
      %min3A_1126 = arith.minimumf %max3A_1097, %min3A_1124 : vector<16xf32>
      %max3A_1127 = arith.maximumf %max3A_1099, %min3A_1126 : vector<16xf32>
      %min3A_1128 = arith.minimumf %max3A_1099, %min3A_1126 : vector<16xf32>
      %max3A_1129 = arith.maximumf %max3A_1101, %min3A_1128 : vector<16xf32>
      %min3A_1130 = arith.minimumf %max3A_1101, %min3A_1128 : vector<16xf32>
      %max3A_1131 = arith.maximumf %max3A_1103, %min3A_1130 : vector<16xf32>
      %min3A_1132 = arith.minimumf %max3A_1103, %min3A_1130 : vector<16xf32>
      %max3A_1133 = arith.maximumf %max3A_1105, %min3A_1132 : vector<16xf32>
      %min3A_1134 = arith.minimumf %max3A_1105, %min3A_1132 : vector<16xf32>
      %max3A_1135 = arith.maximumf %max3A_1107, %min3A_1134 : vector<16xf32>
      %min3A_1136 = arith.minimumf %max3A_1107, %min3A_1134 : vector<16xf32>
      %add3A_1137 = arith.constant 40 : i32
      %add3A_1138 = vector.broadcast %add3A_1137 : i32 to vector<16xi32>
      %add3A_1139 = arith.addi %mul3A_22, %add3A_1138 : vector<16xi32>
      %gather3A_1140 = tpu.vector_load_idx %arg5[%add3A_1139] : memref<32768xf32, #tpu.memory_space<vmem>>[vector<16xi32>], vector<16xf32>,
      %bitcast3A_1141 = vector.bitcast %gather3A_1140 : vector<16xf32> to vector<16xi32>
      %and3A_1142 = arith.constant -64 : i32
      %and3A_1143 = vector.broadcast %and3A_1142 : i32 to vector<16xi32>
      %and3A_1144 = arith.andi %bitcast3A_1141, %and3A_1143 : vector<16xi32>
      %or3A_1145 = arith.constant 23 : i32
      %or3A_1146 = vector.broadcast %or3A_1145 : i32 to vector<16xi32>
      %or3A_1147 = arith.ori %and3A_1144, %or3A_1146 : vector<16xi32>
      %bitcast3A_1148 = vector.bitcast %or3A_1147 : vector<16xi32> to vector<16xf32>
      %max3A_1149 = arith.maximumf %max3A_1121, %bitcast3A_1148 : vector<16xf32>
      %min3A_1150 = arith.minimumf %max3A_1121, %bitcast3A_1148 : vector<16xf32>
      %max3A_1151 = arith.maximumf %max3A_1123, %min3A_1150 : vector<16xf32>
      %min3A_1152 = arith.minimumf %max3A_1123, %min3A_1150 : vector<16xf32>
      %max3A_1153 = arith.maximumf %max3A_1125, %min3A_1152 : vector<16xf32>
      %min3A_1154 = arith.minimumf %max3A_1125, %min3A_1152 : vector<16xf32>
      %max3A_1155 = arith.maximumf %max3A_1127, %min3A_1154 : vector<16xf32>
      %min3A_1156 = arith.minimumf %max3A_1127, %min3A_1154 : vector<16xf32>
      %max3A_1157 = arith.maximumf %max3A_1129, %min3A_1156 : vector<16xf32>
      %min3A_1158 = arith.minimumf %max3A_1129, %min3A_1156 : vector<16xf32>
      %max3A_1159 = arith.maximumf %max3A_1131, %min3A_1158 : vector<16xf32>
      %min3A_1160 = arith.minimumf %max3A_1131, %min3A_1158 : vector<16xf32>
      %max3A_1161 = arith.maximumf %max3A_1133, %min3A_1160 : vector<16xf32>
      %min3A_1162 = arith.minimumf %max3A_1133, %min3A_1160 : vector<16xf32>
      %max3A_1163 = arith.maximumf %max3A_1135, %min3A_1162 : vector<16xf32>
      %min3A_1164 = arith.minimumf %max3A_1135, %min3A_1162 : vector<16xf32>
      %add3A_1165 = arith.constant 41 : i32
      %add3A_1166 = vector.broadcast %add3A_1165 : i32 to vector<16xi32>
      %add3A_1167 = arith.addi %mul3A_22, %add3A_1166 : vector<16xi32>
      %gather3A_1168 = tpu.vector_load_idx %arg5[%add3A_1167] : memref<32768xf32, #tpu.memory_space<vmem>>[vector<16xi32>], vector<16xf32>,
      %bitcast3A_1169 = vector.bitcast %gather3A_1168 : vector<16xf32> to vector<16xi32>
      %and3A_1170 = arith.constant -64 : i32
      %and3A_1171 = vector.broadcast %and3A_1170 : i32 to vector<16xi32>
      %and3A_1172 = arith.andi %bitcast3A_1169, %and3A_1171 : vector<16xi32>
      %or3A_1173 = arith.constant 22 : i32
      %or3A_1174 = vector.broadcast %or3A_1173 : i32 to vector<16xi32>
      %or3A_1175 = arith.ori %and3A_1172, %or3A_1174 : vector<16xi32>
      %bitcast3A_1176 = vector.bitcast %or3A_1175 : vector<16xi32> to vector<16xf32>
      %max3A_1177 = arith.maximumf %max3A_1149, %bitcast3A_1176 : vector<16xf32>
      %min3A_1178 = arith.minimumf %max3A_1149, %bitcast3A_1176 : vector<16xf32>
      %max3A_1179 = arith.maximumf %max3A_1151, %min3A_1178 : vector<16xf32>
      %min3A_1180 = arith.minimumf %max3A_1151, %min3A_1178 : vector<16xf32>
      %max3A_1181 = arith.maximumf %max3A_1153, %min3A_1180 : vector<16xf32>
      %min3A_1182 = arith.minimumf %max3A_1153, %min3A_1180 : vector<16xf32>
      %max3A_1183 = arith.maximumf %max3A_1155, %min3A_1182 : vector<16xf32>
      %min3A_1184 = arith.minimumf %max3A_1155, %min3A_1182 : vector<16xf32>
      %max3A_1185 = arith.maximumf %max3A_1157, %min3A_1184 : vector<16xf32>
      %min3A_1186 = arith.minimumf %max3A_1157, %min3A_1184 : vector<16xf32>
      %max3A_1187 = arith.maximumf %max3A_1159, %min3A_1186 : vector<16xf32>
      %min3A_1188 = arith.minimumf %max3A_1159, %min3A_1186 : vector<16xf32>
      %max3A_1189 = arith.maximumf %max3A_1161, %min3A_1188 : vector<16xf32>
      %min3A_1190 = arith.minimumf %max3A_1161, %min3A_1188 : vector<16xf32>
      %max3A_1191 = arith.maximumf %max3A_1163, %min3A_1190 : vector<16xf32>
      %min3A_1192 = arith.minimumf %max3A_1163, %min3A_1190 : vector<16xf32>
      %add3A_1193 = arith.constant 42 : i32
      %add3A_1194 = vector.broadcast %add3A_1193 : i32 to vector<16xi32>
      %add3A_1195 = arith.addi %mul3A_22, %add3A_1194 : vector<16xi32>
      %gather3A_1196 = tpu.vector_load_idx %arg5[%add3A_1195] : memref<32768xf32, #tpu.memory_space<vmem>>[vector<16xi32>], vector<16xf32>,
      %bitcast3A_1197 = vector.bitcast %gather3A_1196 : vector<16xf32> to vector<16xi32>
      %and3A_1198 = arith.constant -64 : i32
      %and3A_1199 = vector.broadcast %and3A_1198 : i32 to vector<16xi32>
      %and3A_1200 = arith.andi %bitcast3A_1197, %and3A_1199 : vector<16xi32>
      %or3A_1201 = arith.constant 21 : i32
      %or3A_1202 = vector.broadcast %or3A_1201 : i32 to vector<16xi32>
      %or3A_1203 = arith.ori %and3A_1200, %or3A_1202 : vector<16xi32>
      %bitcast3A_1204 = vector.bitcast %or3A_1203 : vector<16xi32> to vector<16xf32>
      %max3A_1205 = arith.maximumf %max3A_1177, %bitcast3A_1204 : vector<16xf32>
      %min3A_1206 = arith.minimumf %max3A_1177, %bitcast3A_1204 : vector<16xf32>
      %max3A_1207 = arith.maximumf %max3A_1179, %min3A_1206 : vector<16xf32>
      %min3A_1208 = arith.minimumf %max3A_1179, %min3A_1206 : vector<16xf32>
      %max3A_1209 = arith.maximumf %max3A_1181, %min3A_1208 : vector<16xf32>
      %min3A_1210 = arith.minimumf %max3A_1181, %min3A_1208 : vector<16xf32>
      %max3A_1211 = arith.maximumf %max3A_1183, %min3A_1210 : vector<16xf32>
      %min3A_1212 = arith.minimumf %max3A_1183, %min3A_1210 : vector<16xf32>
      %max3A_1213 = arith.maximumf %max3A_1185, %min3A_1212 : vector<16xf32>
      %min3A_1214 = arith.minimumf %max3A_1185, %min3A_1212 : vector<16xf32>
      %max3A_1215 = arith.maximumf %max3A_1187, %min3A_1214 : vector<16xf32>
      %min3A_1216 = arith.minimumf %max3A_1187, %min3A_1214 : vector<16xf32>
      %max3A_1217 = arith.maximumf %max3A_1189, %min3A_1216 : vector<16xf32>
      %min3A_1218 = arith.minimumf %max3A_1189, %min3A_1216 : vector<16xf32>
      %max3A_1219 = arith.maximumf %max3A_1191, %min3A_1218 : vector<16xf32>
      %min3A_1220 = arith.minimumf %max3A_1191, %min3A_1218 : vector<16xf32>
      %add3A_1221 = arith.constant 43 : i32
      %add3A_1222 = vector.broadcast %add3A_1221 : i32 to vector<16xi32>
      %add3A_1223 = arith.addi %mul3A_22, %add3A_1222 : vector<16xi32>
      %gather3A_1224 = tpu.vector_load_idx %arg5[%add3A_1223] : memref<32768xf32, #tpu.memory_space<vmem>>[vector<16xi32>], vector<16xf32>,
      %bitcast3A_1225 = vector.bitcast %gather3A_1224 : vector<16xf32> to vector<16xi32>
      %and3A_1226 = arith.constant -64 : i32
      %and3A_1227 = vector.broadcast %and3A_1226 : i32 to vector<16xi32>
      %and3A_1228 = arith.andi %bitcast3A_1225, %and3A_1227 : vector<16xi32>
      %or3A_1229 = arith.constant 20 : i32
      %or3A_1230 = vector.broadcast %or3A_1229 : i32 to vector<16xi32>
      %or3A_1231 = arith.ori %and3A_1228, %or3A_1230 : vector<16xi32>
      %bitcast3A_1232 = vector.bitcast %or3A_1231 : vector<16xi32> to vector<16xf32>
      %max3A_1233 = arith.maximumf %max3A_1205, %bitcast3A_1232 : vector<16xf32>
      %min3A_1234 = arith.minimumf %max3A_1205, %bitcast3A_1232 : vector<16xf32>
      %max3A_1235 = arith.maximumf %max3A_1207, %min3A_1234 : vector<16xf32>
      %min3A_1236 = arith.minimumf %max3A_1207, %min3A_1234 : vector<16xf32>
      %max3A_1237 = arith.maximumf %max3A_1209, %min3A_1236 : vector<16xf32>
      %min3A_1238 = arith.minimumf %max3A_1209, %min3A_1236 : vector<16xf32>
      %max3A_1239 = arith.maximumf %max3A_1211, %min3A_1238 : vector<16xf32>
      %min3A_1240 = arith.minimumf %max3A_1211, %min3A_1238 : vector<16xf32>
      %max3A_1241 = arith.maximumf %max3A_1213, %min3A_1240 : vector<16xf32>
      %min3A_1242 = arith.minimumf %max3A_1213, %min3A_1240 : vector<16xf32>
      %max3A_1243 = arith.maximumf %max3A_1215, %min3A_1242 : vector<16xf32>
      %min3A_1244 = arith.minimumf %max3A_1215, %min3A_1242 : vector<16xf32>
      %max3A_1245 = arith.maximumf %max3A_1217, %min3A_1244 : vector<16xf32>
      %min3A_1246 = arith.minimumf %max3A_1217, %min3A_1244 : vector<16xf32>
      %max3A_1247 = arith.maximumf %max3A_1219, %min3A_1246 : vector<16xf32>
      %min3A_1248 = arith.minimumf %max3A_1219, %min3A_1246 : vector<16xf32>
      %add3A_1249 = arith.constant 44 : i32
      %add3A_1250 = vector.broadcast %add3A_1249 : i32 to vector<16xi32>
      %add3A_1251 = arith.addi %mul3A_22, %add3A_1250 : vector<16xi32>
      %gather3A_1252 = tpu.vector_load_idx %arg5[%add3A_1251] : memref<32768xf32, #tpu.memory_space<vmem>>[vector<16xi32>], vector<16xf32>,
      %bitcast3A_1253 = vector.bitcast %gather3A_1252 : vector<16xf32> to vector<16xi32>
      %and3A_1254 = arith.constant -64 : i32
      %and3A_1255 = vector.broadcast %and3A_1254 : i32 to vector<16xi32>
      %and3A_1256 = arith.andi %bitcast3A_1253, %and3A_1255 : vector<16xi32>
      %or3A_1257 = arith.constant 19 : i32
      %or3A_1258 = vector.broadcast %or3A_1257 : i32 to vector<16xi32>
      %or3A_1259 = arith.ori %and3A_1256, %or3A_1258 : vector<16xi32>
      %bitcast3A_1260 = vector.bitcast %or3A_1259 : vector<16xi32> to vector<16xf32>
      %max3A_1261 = arith.maximumf %max3A_1233, %bitcast3A_1260 : vector<16xf32>
      %min3A_1262 = arith.minimumf %max3A_1233, %bitcast3A_1260 : vector<16xf32>
      %max3A_1263 = arith.maximumf %max3A_1235, %min3A_1262 : vector<16xf32>
      %min3A_1264 = arith.minimumf %max3A_1235, %min3A_1262 : vector<16xf32>
      %max3A_1265 = arith.maximumf %max3A_1237, %min3A_1264 : vector<16xf32>
      %min3A_1266 = arith.minimumf %max3A_1237, %min3A_1264 : vector<16xf32>
      %max3A_1267 = arith.maximumf %max3A_1239, %min3A_1266 : vector<16xf32>
      %min3A_1268 = arith.minimumf %max3A_1239, %min3A_1266 : vector<16xf32>
      %max3A_1269 = arith.maximumf %max3A_1241, %min3A_1268 : vector<16xf32>
      %min3A_1270 = arith.minimumf %max3A_1241, %min3A_1268 : vector<16xf32>
      %max3A_1271 = arith.maximumf %max3A_1243, %min3A_1270 : vector<16xf32>
      %min3A_1272 = arith.minimumf %max3A_1243, %min3A_1270 : vector<16xf32>
      %max3A_1273 = arith.maximumf %max3A_1245, %min3A_1272 : vector<16xf32>
      %min3A_1274 = arith.minimumf %max3A_1245, %min3A_1272 : vector<16xf32>
      %max3A_1275 = arith.maximumf %max3A_1247, %min3A_1274 : vector<16xf32>
      %min3A_1276 = arith.minimumf %max3A_1247, %min3A_1274 : vector<16xf32>
      %add3A_1277 = arith.constant 45 : i32
      %add3A_1278 = vector.broadcast %add3A_1277 : i32 to vector<16xi32>
      %add3A_1279 = arith.addi %mul3A_22, %add3A_1278 : vector<16xi32>
      %gather3A_1280 = tpu.vector_load_idx %arg5[%add3A_1279] : memref<32768xf32, #tpu.memory_space<vmem>>[vector<16xi32>], vector<16xf32>,
      %bitcast3A_1281 = vector.bitcast %gather3A_1280 : vector<16xf32> to vector<16xi32>
      %and3A_1282 = arith.constant -64 : i32
      %and3A_1283 = vector.broadcast %and3A_1282 : i32 to vector<16xi32>
      %and3A_1284 = arith.andi %bitcast3A_1281, %and3A_1283 : vector<16xi32>
      %or3A_1285 = arith.constant 18 : i32
      %or3A_1286 = vector.broadcast %or3A_1285 : i32 to vector<16xi32>
      %or3A_1287 = arith.ori %and3A_1284, %or3A_1286 : vector<16xi32>
      %bitcast3A_1288 = vector.bitcast %or3A_1287 : vector<16xi32> to vector<16xf32>
      %max3A_1289 = arith.maximumf %max3A_1261, %bitcast3A_1288 : vector<16xf32>
      %min3A_1290 = arith.minimumf %max3A_1261, %bitcast3A_1288 : vector<16xf32>
      %max3A_1291 = arith.maximumf %max3A_1263, %min3A_1290 : vector<16xf32>
      %min3A_1292 = arith.minimumf %max3A_1263, %min3A_1290 : vector<16xf32>
      %max3A_1293 = arith.maximumf %max3A_1265, %min3A_1292 : vector<16xf32>
      %min3A_1294 = arith.minimumf %max3A_1265, %min3A_1292 : vector<16xf32>
      %max3A_1295 = arith.maximumf %max3A_1267, %min3A_1294 : vector<16xf32>
      %min3A_1296 = arith.minimumf %max3A_1267, %min3A_1294 : vector<16xf32>
      %max3A_1297 = arith.maximumf %max3A_1269, %min3A_1296 : vector<16xf32>
      %min3A_1298 = arith.minimumf %max3A_1269, %min3A_1296 : vector<16xf32>
      %max3A_1299 = arith.maximumf %max3A_1271, %min3A_1298 : vector<16xf32>
      %min3A_1300 = arith.minimumf %max3A_1271, %min3A_1298 : vector<16xf32>
      %max3A_1301 = arith.maximumf %max3A_1273, %min3A_1300 : vector<16xf32>
      %min3A_1302 = arith.minimumf %max3A_1273, %min3A_1300 : vector<16xf32>
      %max3A_1303 = arith.maximumf %max3A_1275, %min3A_1302 : vector<16xf32>
      %min3A_1304 = arith.minimumf %max3A_1275, %min3A_1302 : vector<16xf32>
      %add3A_1305 = arith.constant 46 : i32
      %add3A_1306 = vector.broadcast %add3A_1305 : i32 to vector<16xi32>
      %add3A_1307 = arith.addi %mul3A_22, %add3A_1306 : vector<16xi32>
      %gather3A_1308 = tpu.vector_load_idx %arg5[%add3A_1307] : memref<32768xf32, #tpu.memory_space<vmem>>[vector<16xi32>], vector<16xf32>,
      %bitcast3A_1309 = vector.bitcast %gather3A_1308 : vector<16xf32> to vector<16xi32>
      %and3A_1310 = arith.constant -64 : i32
      %and3A_1311 = vector.broadcast %and3A_1310 : i32 to vector<16xi32>
      %and3A_1312 = arith.andi %bitcast3A_1309, %and3A_1311 : vector<16xi32>
      %or3A_1313 = arith.constant 17 : i32
      %or3A_1314 = vector.broadcast %or3A_1313 : i32 to vector<16xi32>
      %or3A_1315 = arith.ori %and3A_1312, %or3A_1314 : vector<16xi32>
      %bitcast3A_1316 = vector.bitcast %or3A_1315 : vector<16xi32> to vector<16xf32>
      %max3A_1317 = arith.maximumf %max3A_1289, %bitcast3A_1316 : vector<16xf32>
      %min3A_1318 = arith.minimumf %max3A_1289, %bitcast3A_1316 : vector<16xf32>
      %max3A_1319 = arith.maximumf %max3A_1291, %min3A_1318 : vector<16xf32>
      %min3A_1320 = arith.minimumf %max3A_1291, %min3A_1318 : vector<16xf32>
      %max3A_1321 = arith.maximumf %max3A_1293, %min3A_1320 : vector<16xf32>
      %min3A_1322 = arith.minimumf %max3A_1293, %min3A_1320 : vector<16xf32>
      %max3A_1323 = arith.maximumf %max3A_1295, %min3A_1322 : vector<16xf32>
      %min3A_1324 = arith.minimumf %max3A_1295, %min3A_1322 : vector<16xf32>
      %max3A_1325 = arith.maximumf %max3A_1297, %min3A_1324 : vector<16xf32>
      %min3A_1326 = arith.minimumf %max3A_1297, %min3A_1324 : vector<16xf32>
      %max3A_1327 = arith.maximumf %max3A_1299, %min3A_1326 : vector<16xf32>
      %min3A_1328 = arith.minimumf %max3A_1299, %min3A_1326 : vector<16xf32>
      %max3A_1329 = arith.maximumf %max3A_1301, %min3A_1328 : vector<16xf32>
      %min3A_1330 = arith.minimumf %max3A_1301, %min3A_1328 : vector<16xf32>
      %max3A_1331 = arith.maximumf %max3A_1303, %min3A_1330 : vector<16xf32>
      %min3A_1332 = arith.minimumf %max3A_1303, %min3A_1330 : vector<16xf32>
      %add3A_1333 = arith.constant 47 : i32
      %add3A_1334 = vector.broadcast %add3A_1333 : i32 to vector<16xi32>
      %add3A_1335 = arith.addi %mul3A_22, %add3A_1334 : vector<16xi32>
      %gather3A_1336 = tpu.vector_load_idx %arg5[%add3A_1335] : memref<32768xf32, #tpu.memory_space<vmem>>[vector<16xi32>], vector<16xf32>,
      %bitcast3A_1337 = vector.bitcast %gather3A_1336 : vector<16xf32> to vector<16xi32>
      %and3A_1338 = arith.constant -64 : i32
      %and3A_1339 = vector.broadcast %and3A_1338 : i32 to vector<16xi32>
      %and3A_1340 = arith.andi %bitcast3A_1337, %and3A_1339 : vector<16xi32>
      %or3A_1341 = arith.constant 16 : i32
      %or3A_1342 = vector.broadcast %or3A_1341 : i32 to vector<16xi32>
      %or3A_1343 = arith.ori %and3A_1340, %or3A_1342 : vector<16xi32>
      %bitcast3A_1344 = vector.bitcast %or3A_1343 : vector<16xi32> to vector<16xf32>
      %max3A_1345 = arith.maximumf %max3A_1317, %bitcast3A_1344 : vector<16xf32>
      %min3A_1346 = arith.minimumf %max3A_1317, %bitcast3A_1344 : vector<16xf32>
      %max3A_1347 = arith.maximumf %max3A_1319, %min3A_1346 : vector<16xf32>
      %min3A_1348 = arith.minimumf %max3A_1319, %min3A_1346 : vector<16xf32>
      %max3A_1349 = arith.maximumf %max3A_1321, %min3A_1348 : vector<16xf32>
      %min3A_1350 = arith.minimumf %max3A_1321, %min3A_1348 : vector<16xf32>
      %max3A_1351 = arith.maximumf %max3A_1323, %min3A_1350 : vector<16xf32>
      %min3A_1352 = arith.minimumf %max3A_1323, %min3A_1350 : vector<16xf32>
      %max3A_1353 = arith.maximumf %max3A_1325, %min3A_1352 : vector<16xf32>
      %min3A_1354 = arith.minimumf %max3A_1325, %min3A_1352 : vector<16xf32>
      %max3A_1355 = arith.maximumf %max3A_1327, %min3A_1354 : vector<16xf32>
      %min3A_1356 = arith.minimumf %max3A_1327, %min3A_1354 : vector<16xf32>
      %max3A_1357 = arith.maximumf %max3A_1329, %min3A_1356 : vector<16xf32>
      %min3A_1358 = arith.minimumf %max3A_1329, %min3A_1356 : vector<16xf32>
      %max3A_1359 = arith.maximumf %max3A_1331, %min3A_1358 : vector<16xf32>
      %min3A_1360 = arith.minimumf %max3A_1331, %min3A_1358 : vector<16xf32>
      %add3A_1361 = arith.constant 48 : i32
      %add3A_1362 = vector.broadcast %add3A_1361 : i32 to vector<16xi32>
      %add3A_1363 = arith.addi %mul3A_22, %add3A_1362 : vector<16xi32>
      %gather3A_1364 = tpu.vector_load_idx %arg5[%add3A_1363] : memref<32768xf32, #tpu.memory_space<vmem>>[vector<16xi32>], vector<16xf32>,
      %bitcast3A_1365 = vector.bitcast %gather3A_1364 : vector<16xf32> to vector<16xi32>
      %and3A_1366 = arith.constant -64 : i32
      %and3A_1367 = vector.broadcast %and3A_1366 : i32 to vector<16xi32>
      %and3A_1368 = arith.andi %bitcast3A_1365, %and3A_1367 : vector<16xi32>
      %or3A_1369 = arith.constant 15 : i32
      %or3A_1370 = vector.broadcast %or3A_1369 : i32 to vector<16xi32>
      %or3A_1371 = arith.ori %and3A_1368, %or3A_1370 : vector<16xi32>
      %bitcast3A_1372 = vector.bitcast %or3A_1371 : vector<16xi32> to vector<16xf32>
      %max3A_1373 = arith.maximumf %max3A_1345, %bitcast3A_1372 : vector<16xf32>
      %min3A_1374 = arith.minimumf %max3A_1345, %bitcast3A_1372 : vector<16xf32>
      %max3A_1375 = arith.maximumf %max3A_1347, %min3A_1374 : vector<16xf32>
      %min3A_1376 = arith.minimumf %max3A_1347, %min3A_1374 : vector<16xf32>
      %max3A_1377 = arith.maximumf %max3A_1349, %min3A_1376 : vector<16xf32>
      %min3A_1378 = arith.minimumf %max3A_1349, %min3A_1376 : vector<16xf32>
      %max3A_1379 = arith.maximumf %max3A_1351, %min3A_1378 : vector<16xf32>
      %min3A_1380 = arith.minimumf %max3A_1351, %min3A_1378 : vector<16xf32>
      %max3A_1381 = arith.maximumf %max3A_1353, %min3A_1380 : vector<16xf32>
      %min3A_1382 = arith.minimumf %max3A_1353, %min3A_1380 : vector<16xf32>
      %max3A_1383 = arith.maximumf %max3A_1355, %min3A_1382 : vector<16xf32>
      %min3A_1384 = arith.minimumf %max3A_1355, %min3A_1382 : vector<16xf32>
      %max3A_1385 = arith.maximumf %max3A_1357, %min3A_1384 : vector<16xf32>
      %min3A_1386 = arith.minimumf %max3A_1357, %min3A_1384 : vector<16xf32>
      %max3A_1387 = arith.maximumf %max3A_1359, %min3A_1386 : vector<16xf32>
      %min3A_1388 = arith.minimumf %max3A_1359, %min3A_1386 : vector<16xf32>
      %add3A_1389 = arith.constant 49 : i32
      %add3A_1390 = vector.broadcast %add3A_1389 : i32 to vector<16xi32>
      %add3A_1391 = arith.addi %mul3A_22, %add3A_1390 : vector<16xi32>
      %gather3A_1392 = tpu.vector_load_idx %arg5[%add3A_1391] : memref<32768xf32, #tpu.memory_space<vmem>>[vector<16xi32>], vector<16xf32>,
      %bitcast3A_1393 = vector.bitcast %gather3A_1392 : vector<16xf32> to vector<16xi32>
      %and3A_1394 = arith.constant -64 : i32
      %and3A_1395 = vector.broadcast %and3A_1394 : i32 to vector<16xi32>
      %and3A_1396 = arith.andi %bitcast3A_1393, %and3A_1395 : vector<16xi32>
      %or3A_1397 = arith.constant 14 : i32
      %or3A_1398 = vector.broadcast %or3A_1397 : i32 to vector<16xi32>
      %or3A_1399 = arith.ori %and3A_1396, %or3A_1398 : vector<16xi32>
      %bitcast3A_1400 = vector.bitcast %or3A_1399 : vector<16xi32> to vector<16xf32>
      %max3A_1401 = arith.maximumf %max3A_1373, %bitcast3A_1400 : vector<16xf32>
      %min3A_1402 = arith.minimumf %max3A_1373, %bitcast3A_1400 : vector<16xf32>
      %max3A_1403 = arith.maximumf %max3A_1375, %min3A_1402 : vector<16xf32>
      %min3A_1404 = arith.minimumf %max3A_1375, %min3A_1402 : vector<16xf32>
      %max3A_1405 = arith.maximumf %max3A_1377, %min3A_1404 : vector<16xf32>
      %min3A_1406 = arith.minimumf %max3A_1377, %min3A_1404 : vector<16xf32>
      %max3A_1407 = arith.maximumf %max3A_1379, %min3A_1406 : vector<16xf32>
      %min3A_1408 = arith.minimumf %max3A_1379, %min3A_1406 : vector<16xf32>
      %max3A_1409 = arith.maximumf %max3A_1381, %min3A_1408 : vector<16xf32>
      %min3A_1410 = arith.minimumf %max3A_1381, %min3A_1408 : vector<16xf32>
      %max3A_1411 = arith.maximumf %max3A_1383, %min3A_1410 : vector<16xf32>
      %min3A_1412 = arith.minimumf %max3A_1383, %min3A_1410 : vector<16xf32>
      %max3A_1413 = arith.maximumf %max3A_1385, %min3A_1412 : vector<16xf32>
      %min3A_1414 = arith.minimumf %max3A_1385, %min3A_1412 : vector<16xf32>
      %max3A_1415 = arith.maximumf %max3A_1387, %min3A_1414 : vector<16xf32>
      %min3A_1416 = arith.minimumf %max3A_1387, %min3A_1414 : vector<16xf32>
      %add3A_1417 = arith.constant 50 : i32
      %add3A_1418 = vector.broadcast %add3A_1417 : i32 to vector<16xi32>
      %add3A_1419 = arith.addi %mul3A_22, %add3A_1418 : vector<16xi32>
      %gather3A_1420 = tpu.vector_load_idx %arg5[%add3A_1419] : memref<32768xf32, #tpu.memory_space<vmem>>[vector<16xi32>], vector<16xf32>,
      %bitcast3A_1421 = vector.bitcast %gather3A_1420 : vector<16xf32> to vector<16xi32>
      %and3A_1422 = arith.constant -64 : i32
      %and3A_1423 = vector.broadcast %and3A_1422 : i32 to vector<16xi32>
      %and3A_1424 = arith.andi %bitcast3A_1421, %and3A_1423 : vector<16xi32>
      %or3A_1425 = arith.constant 13 : i32
      %or3A_1426 = vector.broadcast %or3A_1425 : i32 to vector<16xi32>
      %or3A_1427 = arith.ori %and3A_1424, %or3A_1426 : vector<16xi32>
      %bitcast3A_1428 = vector.bitcast %or3A_1427 : vector<16xi32> to vector<16xf32>
      %max3A_1429 = arith.maximumf %max3A_1401, %bitcast3A_1428 : vector<16xf32>
      %min3A_1430 = arith.minimumf %max3A_1401, %bitcast3A_1428 : vector<16xf32>
      %max3A_1431 = arith.maximumf %max3A_1403, %min3A_1430 : vector<16xf32>
      %min3A_1432 = arith.minimumf %max3A_1403, %min3A_1430 : vector<16xf32>
      %max3A_1433 = arith.maximumf %max3A_1405, %min3A_1432 : vector<16xf32>
      %min3A_1434 = arith.minimumf %max3A_1405, %min3A_1432 : vector<16xf32>
      %max3A_1435 = arith.maximumf %max3A_1407, %min3A_1434 : vector<16xf32>
      %min3A_1436 = arith.minimumf %max3A_1407, %min3A_1434 : vector<16xf32>
      %max3A_1437 = arith.maximumf %max3A_1409, %min3A_1436 : vector<16xf32>
      %min3A_1438 = arith.minimumf %max3A_1409, %min3A_1436 : vector<16xf32>
      %max3A_1439 = arith.maximumf %max3A_1411, %min3A_1438 : vector<16xf32>
      %min3A_1440 = arith.minimumf %max3A_1411, %min3A_1438 : vector<16xf32>
      %max3A_1441 = arith.maximumf %max3A_1413, %min3A_1440 : vector<16xf32>
      %min3A_1442 = arith.minimumf %max3A_1413, %min3A_1440 : vector<16xf32>
      %max3A_1443 = arith.maximumf %max3A_1415, %min3A_1442 : vector<16xf32>
      %min3A_1444 = arith.minimumf %max3A_1415, %min3A_1442 : vector<16xf32>
      %add3A_1445 = arith.constant 51 : i32
      %add3A_1446 = vector.broadcast %add3A_1445 : i32 to vector<16xi32>
      %add3A_1447 = arith.addi %mul3A_22, %add3A_1446 : vector<16xi32>
      %gather3A_1448 = tpu.vector_load_idx %arg5[%add3A_1447] : memref<32768xf32, #tpu.memory_space<vmem>>[vector<16xi32>], vector<16xf32>,
      %bitcast3A_1449 = vector.bitcast %gather3A_1448 : vector<16xf32> to vector<16xi32>
      %and3A_1450 = arith.constant -64 : i32
      %and3A_1451 = vector.broadcast %and3A_1450 : i32 to vector<16xi32>
      %and3A_1452 = arith.andi %bitcast3A_1449, %and3A_1451 : vector<16xi32>
      %or3A_1453 = arith.constant 12 : i32
      %or3A_1454 = vector.broadcast %or3A_1453 : i32 to vector<16xi32>
      %or3A_1455 = arith.ori %and3A_1452, %or3A_1454 : vector<16xi32>
      %bitcast3A_1456 = vector.bitcast %or3A_1455 : vector<16xi32> to vector<16xf32>
      %max3A_1457 = arith.maximumf %max3A_1429, %bitcast3A_1456 : vector<16xf32>
      %min3A_1458 = arith.minimumf %max3A_1429, %bitcast3A_1456 : vector<16xf32>
      %max3A_1459 = arith.maximumf %max3A_1431, %min3A_1458 : vector<16xf32>
      %min3A_1460 = arith.minimumf %max3A_1431, %min3A_1458 : vector<16xf32>
      %max3A_1461 = arith.maximumf %max3A_1433, %min3A_1460 : vector<16xf32>
      %min3A_1462 = arith.minimumf %max3A_1433, %min3A_1460 : vector<16xf32>
      %max3A_1463 = arith.maximumf %max3A_1435, %min3A_1462 : vector<16xf32>
      %min3A_1464 = arith.minimumf %max3A_1435, %min3A_1462 : vector<16xf32>
      %max3A_1465 = arith.maximumf %max3A_1437, %min3A_1464 : vector<16xf32>
      %min3A_1466 = arith.minimumf %max3A_1437, %min3A_1464 : vector<16xf32>
      %max3A_1467 = arith.maximumf %max3A_1439, %min3A_1466 : vector<16xf32>
      %min3A_1468 = arith.minimumf %max3A_1439, %min3A_1466 : vector<16xf32>
      %max3A_1469 = arith.maximumf %max3A_1441, %min3A_1468 : vector<16xf32>
      %min3A_1470 = arith.minimumf %max3A_1441, %min3A_1468 : vector<16xf32>
      %max3A_1471 = arith.maximumf %max3A_1443, %min3A_1470 : vector<16xf32>
      %min3A_1472 = arith.minimumf %max3A_1443, %min3A_1470 : vector<16xf32>
      %add3A_1473 = arith.constant 52 : i32
      %add3A_1474 = vector.broadcast %add3A_1473 : i32 to vector<16xi32>
      %add3A_1475 = arith.addi %mul3A_22, %add3A_1474 : vector<16xi32>
      %gather3A_1476 = tpu.vector_load_idx %arg5[%add3A_1475] : memref<32768xf32, #tpu.memory_space<vmem>>[vector<16xi32>], vector<16xf32>,
      %bitcast3A_1477 = vector.bitcast %gather3A_1476 : vector<16xf32> to vector<16xi32>
      %and3A_1478 = arith.constant -64 : i32
      %and3A_1479 = vector.broadcast %and3A_1478 : i32 to vector<16xi32>
      %and3A_1480 = arith.andi %bitcast3A_1477, %and3A_1479 : vector<16xi32>
      %or3A_1481 = arith.constant 11 : i32
      %or3A_1482 = vector.broadcast %or3A_1481 : i32 to vector<16xi32>
      %or3A_1483 = arith.ori %and3A_1480, %or3A_1482 : vector<16xi32>
      %bitcast3A_1484 = vector.bitcast %or3A_1483 : vector<16xi32> to vector<16xf32>
      %max3A_1485 = arith.maximumf %max3A_1457, %bitcast3A_1484 : vector<16xf32>
      %min3A_1486 = arith.minimumf %max3A_1457, %bitcast3A_1484 : vector<16xf32>
      %max3A_1487 = arith.maximumf %max3A_1459, %min3A_1486 : vector<16xf32>
      %min3A_1488 = arith.minimumf %max3A_1459, %min3A_1486 : vector<16xf32>
      %max3A_1489 = arith.maximumf %max3A_1461, %min3A_1488 : vector<16xf32>
      %min3A_1490 = arith.minimumf %max3A_1461, %min3A_1488 : vector<16xf32>
      %max3A_1491 = arith.maximumf %max3A_1463, %min3A_1490 : vector<16xf32>
      %min3A_1492 = arith.minimumf %max3A_1463, %min3A_1490 : vector<16xf32>
      %max3A_1493 = arith.maximumf %max3A_1465, %min3A_1492 : vector<16xf32>
      %min3A_1494 = arith.minimumf %max3A_1465, %min3A_1492 : vector<16xf32>
      %max3A_1495 = arith.maximumf %max3A_1467, %min3A_1494 : vector<16xf32>
      %min3A_1496 = arith.minimumf %max3A_1467, %min3A_1494 : vector<16xf32>
      %max3A_1497 = arith.maximumf %max3A_1469, %min3A_1496 : vector<16xf32>
      %min3A_1498 = arith.minimumf %max3A_1469, %min3A_1496 : vector<16xf32>
      %max3A_1499 = arith.maximumf %max3A_1471, %min3A_1498 : vector<16xf32>
      %min3A_1500 = arith.minimumf %max3A_1471, %min3A_1498 : vector<16xf32>
      %add3A_1501 = arith.constant 53 : i32
      %add3A_1502 = vector.broadcast %add3A_1501 : i32 to vector<16xi32>
      %add3A_1503 = arith.addi %mul3A_22, %add3A_1502 : vector<16xi32>
      %gather3A_1504 = tpu.vector_load_idx %arg5[%add3A_1503] : memref<32768xf32, #tpu.memory_space<vmem>>[vector<16xi32>], vector<16xf32>,
      %bitcast3A_1505 = vector.bitcast %gather3A_1504 : vector<16xf32> to vector<16xi32>
      %and3A_1506 = arith.constant -64 : i32
      %and3A_1507 = vector.broadcast %and3A_1506 : i32 to vector<16xi32>
      %and3A_1508 = arith.andi %bitcast3A_1505, %and3A_1507 : vector<16xi32>
      %or3A_1509 = arith.constant 10 : i32
      %or3A_1510 = vector.broadcast %or3A_1509 : i32 to vector<16xi32>
      %or3A_1511 = arith.ori %and3A_1508, %or3A_1510 : vector<16xi32>
      %bitcast3A_1512 = vector.bitcast %or3A_1511 : vector<16xi32> to vector<16xf32>
      %max3A_1513 = arith.maximumf %max3A_1485, %bitcast3A_1512 : vector<16xf32>
      %min3A_1514 = arith.minimumf %max3A_1485, %bitcast3A_1512 : vector<16xf32>
      %max3A_1515 = arith.maximumf %max3A_1487, %min3A_1514 : vector<16xf32>
      %min3A_1516 = arith.minimumf %max3A_1487, %min3A_1514 : vector<16xf32>
      %max3A_1517 = arith.maximumf %max3A_1489, %min3A_1516 : vector<16xf32>
      %min3A_1518 = arith.minimumf %max3A_1489, %min3A_1516 : vector<16xf32>
      %max3A_1519 = arith.maximumf %max3A_1491, %min3A_1518 : vector<16xf32>
      %min3A_1520 = arith.minimumf %max3A_1491, %min3A_1518 : vector<16xf32>
      %max3A_1521 = arith.maximumf %max3A_1493, %min3A_1520 : vector<16xf32>
      %min3A_1522 = arith.minimumf %max3A_1493, %min3A_1520 : vector<16xf32>
      %max3A_1523 = arith.maximumf %max3A_1495, %min3A_1522 : vector<16xf32>
      %min3A_1524 = arith.minimumf %max3A_1495, %min3A_1522 : vector<16xf32>
      %max3A_1525 = arith.maximumf %max3A_1497, %min3A_1524 : vector<16xf32>
      %min3A_1526 = arith.minimumf %max3A_1497, %min3A_1524 : vector<16xf32>
      %max3A_1527 = arith.maximumf %max3A_1499, %min3A_1526 : vector<16xf32>
      %min3A_1528 = arith.minimumf %max3A_1499, %min3A_1526 : vector<16xf32>
      %add3A_1529 = arith.constant 54 : i32
      %add3A_1530 = vector.broadcast %add3A_1529 : i32 to vector<16xi32>
      %add3A_1531 = arith.addi %mul3A_22, %add3A_1530 : vector<16xi32>
      %gather3A_1532 = tpu.vector_load_idx %arg5[%add3A_1531] : memref<32768xf32, #tpu.memory_space<vmem>>[vector<16xi32>], vector<16xf32>,
      %bitcast3A_1533 = vector.bitcast %gather3A_1532 : vector<16xf32> to vector<16xi32>
      %and3A_1534 = arith.constant -64 : i32
      %and3A_1535 = vector.broadcast %and3A_1534 : i32 to vector<16xi32>
      %and3A_1536 = arith.andi %bitcast3A_1533, %and3A_1535 : vector<16xi32>
      %or3A_1537 = arith.constant 9 : i32
      %or3A_1538 = vector.broadcast %or3A_1537 : i32 to vector<16xi32>
      %or3A_1539 = arith.ori %and3A_1536, %or3A_1538 : vector<16xi32>
      %bitcast3A_1540 = vector.bitcast %or3A_1539 : vector<16xi32> to vector<16xf32>
      %max3A_1541 = arith.maximumf %max3A_1513, %bitcast3A_1540 : vector<16xf32>
      %min3A_1542 = arith.minimumf %max3A_1513, %bitcast3A_1540 : vector<16xf32>
      %max3A_1543 = arith.maximumf %max3A_1515, %min3A_1542 : vector<16xf32>
      %min3A_1544 = arith.minimumf %max3A_1515, %min3A_1542 : vector<16xf32>
      %max3A_1545 = arith.maximumf %max3A_1517, %min3A_1544 : vector<16xf32>
      %min3A_1546 = arith.minimumf %max3A_1517, %min3A_1544 : vector<16xf32>
      %max3A_1547 = arith.maximumf %max3A_1519, %min3A_1546 : vector<16xf32>
      %min3A_1548 = arith.minimumf %max3A_1519, %min3A_1546 : vector<16xf32>
      %max3A_1549 = arith.maximumf %max3A_1521, %min3A_1548 : vector<16xf32>
      %min3A_1550 = arith.minimumf %max3A_1521, %min3A_1548 : vector<16xf32>
      %max3A_1551 = arith.maximumf %max3A_1523, %min3A_1550 : vector<16xf32>
      %min3A_1552 = arith.minimumf %max3A_1523, %min3A_1550 : vector<16xf32>
      %max3A_1553 = arith.maximumf %max3A_1525, %min3A_1552 : vector<16xf32>
      %min3A_1554 = arith.minimumf %max3A_1525, %min3A_1552 : vector<16xf32>
      %max3A_1555 = arith.maximumf %max3A_1527, %min3A_1554 : vector<16xf32>
      %min3A_1556 = arith.minimumf %max3A_1527, %min3A_1554 : vector<16xf32>
      %add3A_1557 = arith.constant 55 : i32
      %add3A_1558 = vector.broadcast %add3A_1557 : i32 to vector<16xi32>
      %add3A_1559 = arith.addi %mul3A_22, %add3A_1558 : vector<16xi32>
      %gather3A_1560 = tpu.vector_load_idx %arg5[%add3A_1559] : memref<32768xf32, #tpu.memory_space<vmem>>[vector<16xi32>], vector<16xf32>,
      %bitcast3A_1561 = vector.bitcast %gather3A_1560 : vector<16xf32> to vector<16xi32>
      %and3A_1562 = arith.constant -64 : i32
      %and3A_1563 = vector.broadcast %and3A_1562 : i32 to vector<16xi32>
      %and3A_1564 = arith.andi %bitcast3A_1561, %and3A_1563 : vector<16xi32>
      %or3A_1565 = arith.constant 8 : i32
      %or3A_1566 = vector.broadcast %or3A_1565 : i32 to vector<16xi32>
      %or3A_1567 = arith.ori %and3A_1564, %or3A_1566 : vector<16xi32>
      %bitcast3A_1568 = vector.bitcast %or3A_1567 : vector<16xi32> to vector<16xf32>
      %max3A_1569 = arith.maximumf %max3A_1541, %bitcast3A_1568 : vector<16xf32>
      %min3A_1570 = arith.minimumf %max3A_1541, %bitcast3A_1568 : vector<16xf32>
      %max3A_1571 = arith.maximumf %max3A_1543, %min3A_1570 : vector<16xf32>
      %min3A_1572 = arith.minimumf %max3A_1543, %min3A_1570 : vector<16xf32>
      %max3A_1573 = arith.maximumf %max3A_1545, %min3A_1572 : vector<16xf32>
      %min3A_1574 = arith.minimumf %max3A_1545, %min3A_1572 : vector<16xf32>
      %max3A_1575 = arith.maximumf %max3A_1547, %min3A_1574 : vector<16xf32>
      %min3A_1576 = arith.minimumf %max3A_1547, %min3A_1574 : vector<16xf32>
      %max3A_1577 = arith.maximumf %max3A_1549, %min3A_1576 : vector<16xf32>
      %min3A_1578 = arith.minimumf %max3A_1549, %min3A_1576 : vector<16xf32>
      %max3A_1579 = arith.maximumf %max3A_1551, %min3A_1578 : vector<16xf32>
      %min3A_1580 = arith.minimumf %max3A_1551, %min3A_1578 : vector<16xf32>
      %max3A_1581 = arith.maximumf %max3A_1553, %min3A_1580 : vector<16xf32>
      %min3A_1582 = arith.minimumf %max3A_1553, %min3A_1580 : vector<16xf32>
      %max3A_1583 = arith.maximumf %max3A_1555, %min3A_1582 : vector<16xf32>
      %min3A_1584 = arith.minimumf %max3A_1555, %min3A_1582 : vector<16xf32>
      %add3A_1585 = arith.constant 56 : i32
      %add3A_1586 = vector.broadcast %add3A_1585 : i32 to vector<16xi32>
      %add3A_1587 = arith.addi %mul3A_22, %add3A_1586 : vector<16xi32>
      %gather3A_1588 = tpu.vector_load_idx %arg5[%add3A_1587] : memref<32768xf32, #tpu.memory_space<vmem>>[vector<16xi32>], vector<16xf32>,
      %bitcast3A_1589 = vector.bitcast %gather3A_1588 : vector<16xf32> to vector<16xi32>
      %and3A_1590 = arith.constant -64 : i32
      %and3A_1591 = vector.broadcast %and3A_1590 : i32 to vector<16xi32>
      %and3A_1592 = arith.andi %bitcast3A_1589, %and3A_1591 : vector<16xi32>
      %or3A_1593 = arith.constant 7 : i32
      %or3A_1594 = vector.broadcast %or3A_1593 : i32 to vector<16xi32>
      %or3A_1595 = arith.ori %and3A_1592, %or3A_1594 : vector<16xi32>
      %bitcast3A_1596 = vector.bitcast %or3A_1595 : vector<16xi32> to vector<16xf32>
      %max3A_1597 = arith.maximumf %max3A_1569, %bitcast3A_1596 : vector<16xf32>
      %min3A_1598 = arith.minimumf %max3A_1569, %bitcast3A_1596 : vector<16xf32>
      %max3A_1599 = arith.maximumf %max3A_1571, %min3A_1598 : vector<16xf32>
      %min3A_1600 = arith.minimumf %max3A_1571, %min3A_1598 : vector<16xf32>
      %max3A_1601 = arith.maximumf %max3A_1573, %min3A_1600 : vector<16xf32>
      %min3A_1602 = arith.minimumf %max3A_1573, %min3A_1600 : vector<16xf32>
      %max3A_1603 = arith.maximumf %max3A_1575, %min3A_1602 : vector<16xf32>
      %min3A_1604 = arith.minimumf %max3A_1575, %min3A_1602 : vector<16xf32>
      %max3A_1605 = arith.maximumf %max3A_1577, %min3A_1604 : vector<16xf32>
      %min3A_1606 = arith.minimumf %max3A_1577, %min3A_1604 : vector<16xf32>
      %max3A_1607 = arith.maximumf %max3A_1579, %min3A_1606 : vector<16xf32>
      %min3A_1608 = arith.minimumf %max3A_1579, %min3A_1606 : vector<16xf32>
      %max3A_1609 = arith.maximumf %max3A_1581, %min3A_1608 : vector<16xf32>
      %min3A_1610 = arith.minimumf %max3A_1581, %min3A_1608 : vector<16xf32>
      %max3A_1611 = arith.maximumf %max3A_1583, %min3A_1610 : vector<16xf32>
      %min3A_1612 = arith.minimumf %max3A_1583, %min3A_1610 : vector<16xf32>
      %add3A_1613 = arith.constant 57 : i32
      %add3A_1614 = vector.broadcast %add3A_1613 : i32 to vector<16xi32>
      %add3A_1615 = arith.addi %mul3A_22, %add3A_1614 : vector<16xi32>
      %gather3A_1616 = tpu.vector_load_idx %arg5[%add3A_1615] : memref<32768xf32, #tpu.memory_space<vmem>>[vector<16xi32>], vector<16xf32>,
      %bitcast3A_1617 = vector.bitcast %gather3A_1616 : vector<16xf32> to vector<16xi32>
      %and3A_1618 = arith.constant -64 : i32
      %and3A_1619 = vector.broadcast %and3A_1618 : i32 to vector<16xi32>
      %and3A_1620 = arith.andi %bitcast3A_1617, %and3A_1619 : vector<16xi32>
      %or3A_1621 = arith.constant 6 : i32
      %or3A_1622 = vector.broadcast %or3A_1621 : i32 to vector<16xi32>
      %or3A_1623 = arith.ori %and3A_1620, %or3A_1622 : vector<16xi32>
      %bitcast3A_1624 = vector.bitcast %or3A_1623 : vector<16xi32> to vector<16xf32>
      %max3A_1625 = arith.maximumf %max3A_1597, %bitcast3A_1624 : vector<16xf32>
      %min3A_1626 = arith.minimumf %max3A_1597, %bitcast3A_1624 : vector<16xf32>
      %max3A_1627 = arith.maximumf %max3A_1599, %min3A_1626 : vector<16xf32>
      %min3A_1628 = arith.minimumf %max3A_1599, %min3A_1626 : vector<16xf32>
      %max3A_1629 = arith.maximumf %max3A_1601, %min3A_1628 : vector<16xf32>
      %min3A_1630 = arith.minimumf %max3A_1601, %min3A_1628 : vector<16xf32>
      %max3A_1631 = arith.maximumf %max3A_1603, %min3A_1630 : vector<16xf32>
      %min3A_1632 = arith.minimumf %max3A_1603, %min3A_1630 : vector<16xf32>
      %max3A_1633 = arith.maximumf %max3A_1605, %min3A_1632 : vector<16xf32>
      %min3A_1634 = arith.minimumf %max3A_1605, %min3A_1632 : vector<16xf32>
      %max3A_1635 = arith.maximumf %max3A_1607, %min3A_1634 : vector<16xf32>
      %min3A_1636 = arith.minimumf %max3A_1607, %min3A_1634 : vector<16xf32>
      %max3A_1637 = arith.maximumf %max3A_1609, %min3A_1636 : vector<16xf32>
      %min3A_1638 = arith.minimumf %max3A_1609, %min3A_1636 : vector<16xf32>
      %max3A_1639 = arith.maximumf %max3A_1611, %min3A_1638 : vector<16xf32>
      %min3A_1640 = arith.minimumf %max3A_1611, %min3A_1638 : vector<16xf32>
      %add3A_1641 = arith.constant 58 : i32
      %add3A_1642 = vector.broadcast %add3A_1641 : i32 to vector<16xi32>
      %add3A_1643 = arith.addi %mul3A_22, %add3A_1642 : vector<16xi32>
      %gather3A_1644 = tpu.vector_load_idx %arg5[%add3A_1643] : memref<32768xf32, #tpu.memory_space<vmem>>[vector<16xi32>], vector<16xf32>,
      %bitcast3A_1645 = vector.bitcast %gather3A_1644 : vector<16xf32> to vector<16xi32>
      %and3A_1646 = arith.constant -64 : i32
      %and3A_1647 = vector.broadcast %and3A_1646 : i32 to vector<16xi32>
      %and3A_1648 = arith.andi %bitcast3A_1645, %and3A_1647 : vector<16xi32>
      %or3A_1649 = arith.constant 5 : i32
      %or3A_1650 = vector.broadcast %or3A_1649 : i32 to vector<16xi32>
      %or3A_1651 = arith.ori %and3A_1648, %or3A_1650 : vector<16xi32>
      %bitcast3A_1652 = vector.bitcast %or3A_1651 : vector<16xi32> to vector<16xf32>
      %max3A_1653 = arith.maximumf %max3A_1625, %bitcast3A_1652 : vector<16xf32>
      %min3A_1654 = arith.minimumf %max3A_1625, %bitcast3A_1652 : vector<16xf32>
      %max3A_1655 = arith.maximumf %max3A_1627, %min3A_1654 : vector<16xf32>
      %min3A_1656 = arith.minimumf %max3A_1627, %min3A_1654 : vector<16xf32>
      %max3A_1657 = arith.maximumf %max3A_1629, %min3A_1656 : vector<16xf32>
      %min3A_1658 = arith.minimumf %max3A_1629, %min3A_1656 : vector<16xf32>
      %max3A_1659 = arith.maximumf %max3A_1631, %min3A_1658 : vector<16xf32>
      %min3A_1660 = arith.minimumf %max3A_1631, %min3A_1658 : vector<16xf32>
      %max3A_1661 = arith.maximumf %max3A_1633, %min3A_1660 : vector<16xf32>
      %min3A_1662 = arith.minimumf %max3A_1633, %min3A_1660 : vector<16xf32>
      %max3A_1663 = arith.maximumf %max3A_1635, %min3A_1662 : vector<16xf32>
      %min3A_1664 = arith.minimumf %max3A_1635, %min3A_1662 : vector<16xf32>
      %max3A_1665 = arith.maximumf %max3A_1637, %min3A_1664 : vector<16xf32>
      %min3A_1666 = arith.minimumf %max3A_1637, %min3A_1664 : vector<16xf32>
      %max3A_1667 = arith.maximumf %max3A_1639, %min3A_1666 : vector<16xf32>
      %min3A_1668 = arith.minimumf %max3A_1639, %min3A_1666 : vector<16xf32>
      %add3A_1669 = arith.constant 59 : i32
      %add3A_1670 = vector.broadcast %add3A_1669 : i32 to vector<16xi32>
      %add3A_1671 = arith.addi %mul3A_22, %add3A_1670 : vector<16xi32>
      %gather3A_1672 = tpu.vector_load_idx %arg5[%add3A_1671] : memref<32768xf32, #tpu.memory_space<vmem>>[vector<16xi32>], vector<16xf32>,
      %bitcast3A_1673 = vector.bitcast %gather3A_1672 : vector<16xf32> to vector<16xi32>
      %and3A_1674 = arith.constant -64 : i32
      %and3A_1675 = vector.broadcast %and3A_1674 : i32 to vector<16xi32>
      %and3A_1676 = arith.andi %bitcast3A_1673, %and3A_1675 : vector<16xi32>
      %or3A_1677 = arith.constant 4 : i32
      %or3A_1678 = vector.broadcast %or3A_1677 : i32 to vector<16xi32>
      %or3A_1679 = arith.ori %and3A_1676, %or3A_1678 : vector<16xi32>
      %bitcast3A_1680 = vector.bitcast %or3A_1679 : vector<16xi32> to vector<16xf32>
      %max3A_1681 = arith.maximumf %max3A_1653, %bitcast3A_1680 : vector<16xf32>
      %min3A_1682 = arith.minimumf %max3A_1653, %bitcast3A_1680 : vector<16xf32>
      %max3A_1683 = arith.maximumf %max3A_1655, %min3A_1682 : vector<16xf32>
      %min3A_1684 = arith.minimumf %max3A_1655, %min3A_1682 : vector<16xf32>
      %max3A_1685 = arith.maximumf %max3A_1657, %min3A_1684 : vector<16xf32>
      %min3A_1686 = arith.minimumf %max3A_1657, %min3A_1684 : vector<16xf32>
      %max3A_1687 = arith.maximumf %max3A_1659, %min3A_1686 : vector<16xf32>
      %min3A_1688 = arith.minimumf %max3A_1659, %min3A_1686 : vector<16xf32>
      %max3A_1689 = arith.maximumf %max3A_1661, %min3A_1688 : vector<16xf32>
      %min3A_1690 = arith.minimumf %max3A_1661, %min3A_1688 : vector<16xf32>
      %max3A_1691 = arith.maximumf %max3A_1663, %min3A_1690 : vector<16xf32>
      %min3A_1692 = arith.minimumf %max3A_1663, %min3A_1690 : vector<16xf32>
      %max3A_1693 = arith.maximumf %max3A_1665, %min3A_1692 : vector<16xf32>
      %min3A_1694 = arith.minimumf %max3A_1665, %min3A_1692 : vector<16xf32>
      %max3A_1695 = arith.maximumf %max3A_1667, %min3A_1694 : vector<16xf32>
      %min3A_1696 = arith.minimumf %max3A_1667, %min3A_1694 : vector<16xf32>
      %add3A_1697 = arith.constant 60 : i32
      %add3A_1698 = vector.broadcast %add3A_1697 : i32 to vector<16xi32>
      %add3A_1699 = arith.addi %mul3A_22, %add3A_1698 : vector<16xi32>
      %gather3A_1700 = tpu.vector_load_idx %arg5[%add3A_1699] : memref<32768xf32, #tpu.memory_space<vmem>>[vector<16xi32>], vector<16xf32>,
      %bitcast3A_1701 = vector.bitcast %gather3A_1700 : vector<16xf32> to vector<16xi32>
      %and3A_1702 = arith.constant -64 : i32
      %and3A_1703 = vector.broadcast %and3A_1702 : i32 to vector<16xi32>
      %and3A_1704 = arith.andi %bitcast3A_1701, %and3A_1703 : vector<16xi32>
      %or3A_1705 = arith.constant 3 : i32
      %or3A_1706 = vector.broadcast %or3A_1705 : i32 to vector<16xi32>
      %or3A_1707 = arith.ori %and3A_1704, %or3A_1706 : vector<16xi32>
      %bitcast3A_1708 = vector.bitcast %or3A_1707 : vector<16xi32> to vector<16xf32>
      %max3A_1709 = arith.maximumf %max3A_1681, %bitcast3A_1708 : vector<16xf32>
      %min3A_1710 = arith.minimumf %max3A_1681, %bitcast3A_1708 : vector<16xf32>
      %max3A_1711 = arith.maximumf %max3A_1683, %min3A_1710 : vector<16xf32>
      %min3A_1712 = arith.minimumf %max3A_1683, %min3A_1710 : vector<16xf32>
      %max3A_1713 = arith.maximumf %max3A_1685, %min3A_1712 : vector<16xf32>
      %min3A_1714 = arith.minimumf %max3A_1685, %min3A_1712 : vector<16xf32>
      %max3A_1715 = arith.maximumf %max3A_1687, %min3A_1714 : vector<16xf32>
      %min3A_1716 = arith.minimumf %max3A_1687, %min3A_1714 : vector<16xf32>
      %max3A_1717 = arith.maximumf %max3A_1689, %min3A_1716 : vector<16xf32>
      %min3A_1718 = arith.minimumf %max3A_1689, %min3A_1716 : vector<16xf32>
      %max3A_1719 = arith.maximumf %max3A_1691, %min3A_1718 : vector<16xf32>
      %min3A_1720 = arith.minimumf %max3A_1691, %min3A_1718 : vector<16xf32>
      %max3A_1721 = arith.maximumf %max3A_1693, %min3A_1720 : vector<16xf32>
      %min3A_1722 = arith.minimumf %max3A_1693, %min3A_1720 : vector<16xf32>
      %max3A_1723 = arith.maximumf %max3A_1695, %min3A_1722 : vector<16xf32>
      %min3A_1724 = arith.minimumf %max3A_1695, %min3A_1722 : vector<16xf32>
      %add3A_1725 = arith.constant 61 : i32
      %add3A_1726 = vector.broadcast %add3A_1725 : i32 to vector<16xi32>
      %add3A_1727 = arith.addi %mul3A_22, %add3A_1726 : vector<16xi32>
      %gather3A_1728 = tpu.vector_load_idx %arg5[%add3A_1727] : memref<32768xf32, #tpu.memory_space<vmem>>[vector<16xi32>], vector<16xf32>,
      %bitcast3A_1729 = vector.bitcast %gather3A_1728 : vector<16xf32> to vector<16xi32>
      %and3A_1730 = arith.constant -64 : i32
      %and3A_1731 = vector.broadcast %and3A_1730 : i32 to vector<16xi32>
      %and3A_1732 = arith.andi %bitcast3A_1729, %and3A_1731 : vector<16xi32>
      %or3A_1733 = arith.constant 2 : i32
      %or3A_1734 = vector.broadcast %or3A_1733 : i32 to vector<16xi32>
      %or3A_1735 = arith.ori %and3A_1732, %or3A_1734 : vector<16xi32>
      %bitcast3A_1736 = vector.bitcast %or3A_1735 : vector<16xi32> to vector<16xf32>
      %max3A_1737 = arith.maximumf %max3A_1709, %bitcast3A_1736 : vector<16xf32>
      %min3A_1738 = arith.minimumf %max3A_1709, %bitcast3A_1736 : vector<16xf32>
      %max3A_1739 = arith.maximumf %max3A_1711, %min3A_1738 : vector<16xf32>
      %min3A_1740 = arith.minimumf %max3A_1711, %min3A_1738 : vector<16xf32>
      %max3A_1741 = arith.maximumf %max3A_1713, %min3A_1740 : vector<16xf32>
      %min3A_1742 = arith.minimumf %max3A_1713, %min3A_1740 : vector<16xf32>
      %max3A_1743 = arith.maximumf %max3A_1715, %min3A_1742 : vector<16xf32>
      %min3A_1744 = arith.minimumf %max3A_1715, %min3A_1742 : vector<16xf32>
      %max3A_1745 = arith.maximumf %max3A_1717, %min3A_1744 : vector<16xf32>
      %min3A_1746 = arith.minimumf %max3A_1717, %min3A_1744 : vector<16xf32>
      %max3A_1747 = arith.maximumf %max3A_1719, %min3A_1746 : vector<16xf32>
      %min3A_1748 = arith.minimumf %max3A_1719, %min3A_1746 : vector<16xf32>
      %max3A_1749 = arith.maximumf %max3A_1721, %min3A_1748 : vector<16xf32>
      %min3A_1750 = arith.minimumf %max3A_1721, %min3A_1748 : vector<16xf32>
      %max3A_1751 = arith.maximumf %max3A_1723, %min3A_1750 : vector<16xf32>
      %min3A_1752 = arith.minimumf %max3A_1723, %min3A_1750 : vector<16xf32>
      %add3A_1753 = arith.constant 62 : i32
      %add3A_1754 = vector.broadcast %add3A_1753 : i32 to vector<16xi32>
      %add3A_1755 = arith.addi %mul3A_22, %add3A_1754 : vector<16xi32>
      %gather3A_1756 = tpu.vector_load_idx %arg5[%add3A_1755] : memref<32768xf32, #tpu.memory_space<vmem>>[vector<16xi32>], vector<16xf32>,
      %bitcast3A_1757 = vector.bitcast %gather3A_1756 : vector<16xf32> to vector<16xi32>
      %and3A_1758 = arith.constant -64 : i32
      %and3A_1759 = vector.broadcast %and3A_1758 : i32 to vector<16xi32>
      %and3A_1760 = arith.andi %bitcast3A_1757, %and3A_1759 : vector<16xi32>
      %or3A_1761 = arith.constant 1 : i32
      %or3A_1762 = vector.broadcast %or3A_1761 : i32 to vector<16xi32>
      %or3A_1763 = arith.ori %and3A_1760, %or3A_1762 : vector<16xi32>
      %bitcast3A_1764 = vector.bitcast %or3A_1763 : vector<16xi32> to vector<16xf32>
      %max3A_1765 = arith.maximumf %max3A_1737, %bitcast3A_1764 : vector<16xf32>
      %min3A_1766 = arith.minimumf %max3A_1737, %bitcast3A_1764 : vector<16xf32>
      %max3A_1767 = arith.maximumf %max3A_1739, %min3A_1766 : vector<16xf32>
      %min3A_1768 = arith.minimumf %max3A_1739, %min3A_1766 : vector<16xf32>
      %max3A_1769 = arith.maximumf %max3A_1741, %min3A_1768 : vector<16xf32>
      %min3A_1770 = arith.minimumf %max3A_1741, %min3A_1768 : vector<16xf32>
      %max3A_1771 = arith.maximumf %max3A_1743, %min3A_1770 : vector<16xf32>
      %min3A_1772 = arith.minimumf %max3A_1743, %min3A_1770 : vector<16xf32>
      %max3A_1773 = arith.maximumf %max3A_1745, %min3A_1772 : vector<16xf32>
      %min3A_1774 = arith.minimumf %max3A_1745, %min3A_1772 : vector<16xf32>
      %max3A_1775 = arith.maximumf %max3A_1747, %min3A_1774 : vector<16xf32>
      %min3A_1776 = arith.minimumf %max3A_1747, %min3A_1774 : vector<16xf32>
      %max3A_1777 = arith.maximumf %max3A_1749, %min3A_1776 : vector<16xf32>
      %min3A_1778 = arith.minimumf %max3A_1749, %min3A_1776 : vector<16xf32>
      %max3A_1779 = arith.maximumf %max3A_1751, %min3A_1778 : vector<16xf32>
      %min3A_1780 = arith.minimumf %max3A_1751, %min3A_1778 : vector<16xf32>
      %add3A_1781 = arith.constant 63 : i32
      %add3A_1782 = vector.broadcast %add3A_1781 : i32 to vector<16xi32>
      %add3A_1783 = arith.addi %mul3A_22, %add3A_1782 : vector<16xi32>
      %gather3A_1784 = tpu.vector_load_idx %arg5[%add3A_1783] : memref<32768xf32, #tpu.memory_space<vmem>>[vector<16xi32>], vector<16xf32>,
      %bitcast3A_1785 = vector.bitcast %gather3A_1784 : vector<16xf32> to vector<16xi32>
      %and3A_1786 = arith.constant -64 : i32
      %and3A_1787 = vector.broadcast %and3A_1786 : i32 to vector<16xi32>
      %and3A_1788 = arith.andi %bitcast3A_1785, %and3A_1787 : vector<16xi32>
      %or3A_1789 = arith.constant 0 : i32
      %or3A_1790 = vector.broadcast %or3A_1789 : i32 to vector<16xi32>
      %or3A_1791 = arith.ori %and3A_1788, %or3A_1790 : vector<16xi32>
      %bitcast3A_1792 = vector.bitcast %or3A_1791 : vector<16xi32> to vector<16xf32>
      %max3A_1793 = arith.maximumf %max3A_1765, %bitcast3A_1792 : vector<16xf32>
      %min3A_1794 = arith.minimumf %max3A_1765, %bitcast3A_1792 : vector<16xf32>
      %max3A_1795 = arith.maximumf %max3A_1767, %min3A_1794 : vector<16xf32>
      %min3A_1796 = arith.minimumf %max3A_1767, %min3A_1794 : vector<16xf32>
      %max3A_1797 = arith.maximumf %max3A_1769, %min3A_1796 : vector<16xf32>
      %min3A_1798 = arith.minimumf %max3A_1769, %min3A_1796 : vector<16xf32>
      %max3A_1799 = arith.maximumf %max3A_1771, %min3A_1798 : vector<16xf32>
      %min3A_1800 = arith.minimumf %max3A_1771, %min3A_1798 : vector<16xf32>
      %max3A_1801 = arith.maximumf %max3A_1773, %min3A_1800 : vector<16xf32>
      %min3A_1802 = arith.minimumf %max3A_1773, %min3A_1800 : vector<16xf32>
      %max3A_1803 = arith.maximumf %max3A_1775, %min3A_1802 : vector<16xf32>
      %min3A_1804 = arith.minimumf %max3A_1775, %min3A_1802 : vector<16xf32>
      %max3A_1805 = arith.maximumf %max3A_1777, %min3A_1804 : vector<16xf32>
      %min3A_1806 = arith.minimumf %max3A_1777, %min3A_1804 : vector<16xf32>
      %max3A_1807 = arith.maximumf %max3A_1779, %min3A_1806 : vector<16xf32>
      %min3A_1808 = arith.minimumf %max3A_1779, %min3A_1806 : vector<16xf32>
      %bitcast3A_1809 = vector.bitcast %max3A_1793 : vector<16xf32> to vector<16xi32>
      %and3A_1810 = arith.constant 63 : i32
      %and3A_1811 = vector.broadcast %and3A_1810 : i32 to vector<16xi32>
      %and3A_1812 = arith.andi %bitcast3A_1809, %and3A_1811 : vector<16xi32>
      %sub3A = arith.constant 63 : i32
      %sub3A_1813 = vector.broadcast %sub3A : i32 to vector<16xi32>
      %sub3A_1814 = arith.subi %sub3A_1813, %and3A_1812 : vector<16xi32>
      %and3A_1815 = arith.constant -64 : i32
      %and3A_1816 = vector.broadcast %and3A_1815 : i32 to vector<16xi32>
      %and3A_1817 = arith.andi %bitcast3A_1809, %and3A_1816 : vector<16xi32>
      %bitcast3A_1818 = vector.bitcast %and3A_1817 : vector<16xi32> to vector<16xf32>
      %bitcast3A_1819 = vector.bitcast %max3A_1795 : vector<16xf32> to vector<16xi32>
      %and3A_1820 = arith.constant 63 : i32
      %and3A_1821 = vector.broadcast %and3A_1820 : i32 to vector<16xi32>
      %and3A_1822 = arith.andi %bitcast3A_1819, %and3A_1821 : vector<16xi32>
      %sub3A_1823 = arith.constant 63 : i32
      %sub3A_1824 = vector.broadcast %sub3A_1823 : i32 to vector<16xi32>
      %sub3A_1825 = arith.subi %sub3A_1824, %and3A_1822 : vector<16xi32>
      %and3A_1826 = arith.constant -64 : i32
      %and3A_1827 = vector.broadcast %and3A_1826 : i32 to vector<16xi32>
      %and3A_1828 = arith.andi %bitcast3A_1819, %and3A_1827 : vector<16xi32>
      %bitcast3A_1829 = vector.bitcast %and3A_1828 : vector<16xi32> to vector<16xf32>
      %bitcast3A_1830 = vector.bitcast %max3A_1797 : vector<16xf32> to vector<16xi32>
      %and3A_1831 = arith.constant 63 : i32
      %and3A_1832 = vector.broadcast %and3A_1831 : i32 to vector<16xi32>
      %and3A_1833 = arith.andi %bitcast3A_1830, %and3A_1832 : vector<16xi32>
      %sub3A_1834 = arith.constant 63 : i32
      %sub3A_1835 = vector.broadcast %sub3A_1834 : i32 to vector<16xi32>
      %sub3A_1836 = arith.subi %sub3A_1835, %and3A_1833 : vector<16xi32>
      %and3A_1837 = arith.constant -64 : i32
      %and3A_1838 = vector.broadcast %and3A_1837 : i32 to vector<16xi32>
      %and3A_1839 = arith.andi %bitcast3A_1830, %and3A_1838 : vector<16xi32>
      %bitcast3A_1840 = vector.bitcast %and3A_1839 : vector<16xi32> to vector<16xf32>
      %bitcast3A_1841 = vector.bitcast %max3A_1799 : vector<16xf32> to vector<16xi32>
      %and3A_1842 = arith.constant 63 : i32
      %and3A_1843 = vector.broadcast %and3A_1842 : i32 to vector<16xi32>
      %and3A_1844 = arith.andi %bitcast3A_1841, %and3A_1843 : vector<16xi32>
      %sub3A_1845 = arith.constant 63 : i32
      %sub3A_1846 = vector.broadcast %sub3A_1845 : i32 to vector<16xi32>
      %sub3A_1847 = arith.subi %sub3A_1846, %and3A_1844 : vector<16xi32>
      %and3A_1848 = arith.constant -64 : i32
      %and3A_1849 = vector.broadcast %and3A_1848 : i32 to vector<16xi32>
      %and3A_1850 = arith.andi %bitcast3A_1841, %and3A_1849 : vector<16xi32>
      %bitcast3A_1851 = vector.bitcast %and3A_1850 : vector<16xi32> to vector<16xf32>
      %bitcast3A_1852 = vector.bitcast %max3A_1801 : vector<16xf32> to vector<16xi32>
      %and3A_1853 = arith.constant 63 : i32
      %and3A_1854 = vector.broadcast %and3A_1853 : i32 to vector<16xi32>
      %and3A_1855 = arith.andi %bitcast3A_1852, %and3A_1854 : vector<16xi32>
      %sub3A_1856 = arith.constant 63 : i32
      %sub3A_1857 = vector.broadcast %sub3A_1856 : i32 to vector<16xi32>
      %sub3A_1858 = arith.subi %sub3A_1857, %and3A_1855 : vector<16xi32>
      %and3A_1859 = arith.constant -64 : i32
      %and3A_1860 = vector.broadcast %and3A_1859 : i32 to vector<16xi32>
      %and3A_1861 = arith.andi %bitcast3A_1852, %and3A_1860 : vector<16xi32>
      %bitcast3A_1862 = vector.bitcast %and3A_1861 : vector<16xi32> to vector<16xf32>
      %bitcast3A_1863 = vector.bitcast %max3A_1803 : vector<16xf32> to vector<16xi32>
      %and3A_1864 = arith.constant 63 : i32
      %and3A_1865 = vector.broadcast %and3A_1864 : i32 to vector<16xi32>
      %and3A_1866 = arith.andi %bitcast3A_1863, %and3A_1865 : vector<16xi32>
      %sub3A_1867 = arith.constant 63 : i32
      %sub3A_1868 = vector.broadcast %sub3A_1867 : i32 to vector<16xi32>
      %sub3A_1869 = arith.subi %sub3A_1868, %and3A_1866 : vector<16xi32>
      %and3A_1870 = arith.constant -64 : i32
      %and3A_1871 = vector.broadcast %and3A_1870 : i32 to vector<16xi32>
      %and3A_1872 = arith.andi %bitcast3A_1863, %and3A_1871 : vector<16xi32>
      %bitcast3A_1873 = vector.bitcast %and3A_1872 : vector<16xi32> to vector<16xf32>
      %bitcast3A_1874 = vector.bitcast %max3A_1805 : vector<16xf32> to vector<16xi32>
      %and3A_1875 = arith.constant 63 : i32
      %and3A_1876 = vector.broadcast %and3A_1875 : i32 to vector<16xi32>
      %and3A_1877 = arith.andi %bitcast3A_1874, %and3A_1876 : vector<16xi32>
      %sub3A_1878 = arith.constant 63 : i32
      %sub3A_1879 = vector.broadcast %sub3A_1878 : i32 to vector<16xi32>
      %sub3A_1880 = arith.subi %sub3A_1879, %and3A_1877 : vector<16xi32>
      %and3A_1881 = arith.constant -64 : i32
      %and3A_1882 = vector.broadcast %and3A_1881 : i32 to vector<16xi32>
      %and3A_1883 = arith.andi %bitcast3A_1874, %and3A_1882 : vector<16xi32>
      %bitcast3A_1884 = vector.bitcast %and3A_1883 : vector<16xi32> to vector<16xf32>
      %bitcast3A_1885 = vector.bitcast %max3A_1807 : vector<16xf32> to vector<16xi32>
      %and3A_1886 = arith.constant 63 : i32
      %and3A_1887 = vector.broadcast %and3A_1886 : i32 to vector<16xi32>
      %and3A_1888 = arith.andi %bitcast3A_1885, %and3A_1887 : vector<16xi32>
      %sub3A_1889 = arith.constant 63 : i32
      %sub3A_1890 = vector.broadcast %sub3A_1889 : i32 to vector<16xi32>
      %sub3A_1891 = arith.subi %sub3A_1890, %and3A_1888 : vector<16xi32>
      %and3A_1892 = arith.constant -64 : i32
      %and3A_1893 = vector.broadcast %and3A_1892 : i32 to vector<16xi32>
      %and3A_1894 = arith.andi %bitcast3A_1885, %and3A_1893 : vector<16xi32>
      %bitcast3A_1895 = vector.bitcast %and3A_1894 : vector<16xi32> to vector<16xf32>
      %add3A_1896 = arith.addf %bitcast3A_1818, %bitcast3A_1829 : vector<16xf32>
      %add3A_1897 = arith.addf %add3A_1896, %bitcast3A_1840 : vector<16xf32>
      %add3A_1898 = arith.addf %add3A_1897, %bitcast3A_1851 : vector<16xf32>
      %add3A_1899 = arith.addf %add3A_1898, %bitcast3A_1862 : vector<16xf32>
      %add3A_1900 = arith.addf %add3A_1899, %bitcast3A_1873 : vector<16xf32>
      %add3A_1901 = arith.addf %add3A_1900, %bitcast3A_1884 : vector<16xf32>
      %add3A_1902 = arith.addf %add3A_1901, %bitcast3A_1895 : vector<16xf32>
      %div3A = arith.constant 1.000000e+00 : f32
      %div3A_1903 = vector.broadcast %div3A : f32 to vector<16xf32>
      %div3A_1904 = arith.divf %div3A_1903, %add3A_1902 : vector<16xf32>
      %mul3A_1905 = arith.constant 8 : i32
      %mul3A_1906 = vector.broadcast %mul3A_1905 : i32 to vector<16xi32>
      %mul3A_1907 = arith.muli %add3A_19, %mul3A_1906 : vector<16xi32>
      %add3A_1908 = arith.constant 0 : i32
      %add3A_1909 = vector.broadcast %add3A_1908 : i32 to vector<16xi32>
      %add3A_1910 = arith.addi %mul3A_1907, %add3A_1909 : vector<16xi32>
      %mul3A_1911 = arith.mulf %bitcast3A_1818, %div3A_1904 : vector<16xf32>
      tpu.vector_store_idx %arg6[%add3A_1910], %mul3A_1911 : memref<4096xf32, #tpu.memory_space<vmem>>[vector<16xi32>], vector<16xf32>,
      %add3A_1912 = arith.constant 0 : i32
      %add3A_1913 = vector.broadcast %add3A_1912 : i32 to vector<16xi32>
      %add3A_1914 = arith.addi %mul3A_1907, %add3A_1913 : vector<16xi32>
      tpu.vector_store_idx %arg7[%add3A_1914], %sub3A_1814 : memref<4096xi32, #tpu.memory_space<vmem>>[vector<16xi32>], vector<16xi32>,
      %add3A_1915 = arith.constant 1 : i32
      %add3A_1916 = vector.broadcast %add3A_1915 : i32 to vector<16xi32>
      %add3A_1917 = arith.addi %mul3A_1907, %add3A_1916 : vector<16xi32>
      %mul3A_1918 = arith.mulf %bitcast3A_1829, %div3A_1904 : vector<16xf32>
      tpu.vector_store_idx %arg6[%add3A_1917], %mul3A_1918 : memref<4096xf32, #tpu.memory_space<vmem>>[vector<16xi32>], vector<16xf32>,
      %add3A_1919 = arith.constant 1 : i32
      %add3A_1920 = vector.broadcast %add3A_1919 : i32 to vector<16xi32>
      %add3A_1921 = arith.addi %mul3A_1907, %add3A_1920 : vector<16xi32>
      tpu.vector_store_idx %arg7[%add3A_1921], %sub3A_1825 : memref<4096xi32, #tpu.memory_space<vmem>>[vector<16xi32>], vector<16xi32>,
      %add3A_1922 = arith.constant 2 : i32
      %add3A_1923 = vector.broadcast %add3A_1922 : i32 to vector<16xi32>
      %add3A_1924 = arith.addi %mul3A_1907, %add3A_1923 : vector<16xi32>
      %mul3A_1925 = arith.mulf %bitcast3A_1840, %div3A_1904 : vector<16xf32>
      tpu.vector_store_idx %arg6[%add3A_1924], %mul3A_1925 : memref<4096xf32, #tpu.memory_space<vmem>>[vector<16xi32>], vector<16xf32>,
      %add3A_1926 = arith.constant 2 : i32
      %add3A_1927 = vector.broadcast %add3A_1926 : i32 to vector<16xi32>
      %add3A_1928 = arith.addi %mul3A_1907, %add3A_1927 : vector<16xi32>
      tpu.vector_store_idx %arg7[%add3A_1928], %sub3A_1836 : memref<4096xi32, #tpu.memory_space<vmem>>[vector<16xi32>], vector<16xi32>,
      %add3A_1929 = arith.constant 3 : i32
      %add3A_1930 = vector.broadcast %add3A_1929 : i32 to vector<16xi32>
      %add3A_1931 = arith.addi %mul3A_1907, %add3A_1930 : vector<16xi32>
      %mul3A_1932 = arith.mulf %bitcast3A_1851, %div3A_1904 : vector<16xf32>
      tpu.vector_store_idx %arg6[%add3A_1931], %mul3A_1932 : memref<4096xf32, #tpu.memory_space<vmem>>[vector<16xi32>], vector<16xf32>,
      %add3A_1933 = arith.constant 3 : i32
      %add3A_1934 = vector.broadcast %add3A_1933 : i32 to vector<16xi32>
      %add3A_1935 = arith.addi %mul3A_1907, %add3A_1934 : vector<16xi32>
      tpu.vector_store_idx %arg7[%add3A_1935], %sub3A_1847 : memref<4096xi32, #tpu.memory_space<vmem>>[vector<16xi32>], vector<16xi32>,
      %add3A_1936 = arith.constant 4 : i32
      %add3A_1937 = vector.broadcast %add3A_1936 : i32 to vector<16xi32>
      %add3A_1938 = arith.addi %mul3A_1907, %add3A_1937 : vector<16xi32>
      %mul3A_1939 = arith.mulf %bitcast3A_1862, %div3A_1904 : vector<16xf32>
      tpu.vector_store_idx %arg6[%add3A_1938], %mul3A_1939 : memref<4096xf32, #tpu.memory_space<vmem>>[vector<16xi32>], vector<16xf32>,
      %add3A_1940 = arith.constant 4 : i32
      %add3A_1941 = vector.broadcast %add3A_1940 : i32 to vector<16xi32>
      %add3A_1942 = arith.addi %mul3A_1907, %add3A_1941 : vector<16xi32>
      tpu.vector_store_idx %arg7[%add3A_1942], %sub3A_1858 : memref<4096xi32, #tpu.memory_space<vmem>>[vector<16xi32>], vector<16xi32>,
      %add3A_1943 = arith.constant 5 : i32
      %add3A_1944 = vector.broadcast %add3A_1943 : i32 to vector<16xi32>
      %add3A_1945 = arith.addi %mul3A_1907, %add3A_1944 : vector<16xi32>
      %mul3A_1946 = arith.mulf %bitcast3A_1873, %div3A_1904 : vector<16xf32>
      tpu.vector_store_idx %arg6[%add3A_1945], %mul3A_1946 : memref<4096xf32, #tpu.memory_space<vmem>>[vector<16xi32>], vector<16xf32>,
      %add3A_1947 = arith.constant 5 : i32
      %add3A_1948 = vector.broadcast %add3A_1947 : i32 to vector<16xi32>
      %add3A_1949 = arith.addi %mul3A_1907, %add3A_1948 : vector<16xi32>
      tpu.vector_store_idx %arg7[%add3A_1949], %sub3A_1869 : memref<4096xi32, #tpu.memory_space<vmem>>[vector<16xi32>], vector<16xi32>,
      %add3A_1950 = arith.constant 6 : i32
      %add3A_1951 = vector.broadcast %add3A_1950 : i32 to vector<16xi32>
      %add3A_1952 = arith.addi %mul3A_1907, %add3A_1951 : vector<16xi32>
      %mul3A_1953 = arith.mulf %bitcast3A_1884, %div3A_1904 : vector<16xf32>
      tpu.vector_store_idx %arg6[%add3A_1952], %mul3A_1953 : memref<4096xf32, #tpu.memory_space<vmem>>[vector<16xi32>], vector<16xf32>,
      %add3A_1954 = arith.constant 6 : i32
      %add3A_1955 = vector.broadcast %add3A_1954 : i32 to vector<16xi32>
      %add3A_1956 = arith.addi %mul3A_1907, %add3A_1955 : vector<16xi32>
      tpu.vector_store_idx %arg7[%add3A_1956], %sub3A_1880 : memref<4096xi32, #tpu.memory_space<vmem>>[vector<16xi32>], vector<16xi32>,
      %add3A_1957 = arith.constant 7 : i32
      %add3A_1958 = vector.broadcast %add3A_1957 : i32 to vector<16xi32>
      %add3A_1959 = arith.addi %mul3A_1907, %add3A_1958 : vector<16xi32>
      %mul3A_1960 = arith.mulf %bitcast3A_1895, %div3A_1904 : vector<16xf32>
      tpu.vector_store_idx %arg6[%add3A_1959], %mul3A_1960 : memref<4096xf32, #tpu.memory_space<vmem>>[vector<16xi32>], vector<16xf32>,
      %add3A_1961 = arith.constant 7 : i32
      %add3A_1962 = vector.broadcast %add3A_1961 : i32 to vector<16xi32>
      %add3A_1963 = arith.addi %mul3A_1907, %add3A_1962 : vector<16xi32>
      tpu.vector_store_idx %arg7[%add3A_1963], %sub3A_1891 : memref<4096xi32, #tpu.memory_space<vmem>>[vector<16xi32>], vector<16xi32>,
    }
    %scan3A_10 = arith.constant 32 : i32
    %mul3A_11 = arith.constant 8 : i32
    %mul3A_12 = arith.muli %mul3A_2, %mul3A_11 : i32
    "tpu.region"() ({
      %run_scoped3A = tpu.sem_alloc : memref<!tpu.dma_semaphore, #tpu.memory_space<semaphore_mem>>
      %dma_start3A = tpu.memref_slice %arg3[%mul3A_12] : memref<131072xf32, #tpu.memory_space<hbm>> -> memref<4096xf32, #tpu.memory_space<hbm>>
      %dma_start3A_15 = tpu.memref_slice %arg3[%mul3A_12] : memref<131072xf32, #tpu.memory_space<hbm>> -> memref<4096xf32, #tpu.memory_space<hbm>>
      tpu.enqueue_dma source(%arg6 : memref<4096xf32, #tpu.memory_space<vmem>>) target(%dma_start3A_15 : memref<4096xf32, #tpu.memory_space<hbm>>) target_semaphore(%run_scoped3A : memref<!tpu.dma_semaphore, #tpu.memory_space<semaphore_mem>>)
      %dma_wait3A = tpu.memref_slice %arg3[%mul3A_12] : memref<131072xf32, #tpu.memory_space<hbm>> -> memref<4096xf32, #tpu.memory_space<hbm>>
      %dma_wait3A_16 = tpu.memref_slice %arg3[%mul3A_12] : memref<131072xf32, #tpu.memory_space<hbm>> -> memref<4096xf32, #tpu.memory_space<hbm>>
      tpu.wait_dma2 semaphore(%run_scoped3A : memref<!tpu.dma_semaphore, #tpu.memory_space<semaphore_mem>>) src(%arg6 : memref<4096xf32, #tpu.memory_space<vmem>>) dst(%dma_wait3A_16 : memref<4096xf32, #tpu.memory_space<hbm>>)
      tpu.yield
    }) : () -> ()
    %mul3A_13 = arith.constant 8 : i32
    %mul3A_14 = arith.muli %mul3A_2, %mul3A_13 : i32
    "tpu.region"() ({
      %run_scoped3A = tpu.sem_alloc : memref<!tpu.dma_semaphore, #tpu.memory_space<semaphore_mem>>
      %dma_start3A = tpu.memref_slice %arg4[%mul3A_14] : memref<131072xi32, #tpu.memory_space<hbm>> -> memref<4096xi32, #tpu.memory_space<hbm>>
      %dma_start3A_15 = tpu.memref_slice %arg4[%mul3A_14] : memref<131072xi32, #tpu.memory_space<hbm>> -> memref<4096xi32, #tpu.memory_space<hbm>>
      tpu.enqueue_dma source(%arg7 : memref<4096xi32, #tpu.memory_space<vmem>>) target(%dma_start3A_15 : memref<4096xi32, #tpu.memory_space<hbm>>) target_semaphore(%run_scoped3A : memref<!tpu.dma_semaphore, #tpu.memory_space<semaphore_mem>>)
      %dma_wait3A = tpu.memref_slice %arg4[%mul3A_14] : memref<131072xi32, #tpu.memory_space<hbm>> -> memref<4096xi32, #tpu.memory_space<hbm>>
      %dma_wait3A_16 = tpu.memref_slice %arg4[%mul3A_14] : memref<131072xi32, #tpu.memory_space<hbm>> -> memref<4096xi32, #tpu.memory_space<hbm>>
      tpu.wait_dma2 semaphore(%run_scoped3A : memref<!tpu.dma_semaphore, #tpu.memory_space<semaphore_mem>>) src(%arg7 : memref<4096xi32, #tpu.memory_space<vmem>>) dst(%dma_wait3A_16 : memref<4096xi32, #tpu.memory_space<hbm>>)
      tpu.yield
    }) : () -> ()
    return
  }
}

module attributes {stable_mosaic.version = 14 : i64} {
  func.func @_probs_kernel(%arg0: i32, %arg1: memref<1024x4096xf32, #tpu.memory_space<vmem>>, %arg2: memref<64x4096xf32, #tpu.memory_space<vmem>>, %arg3: memref<1024x64xf32, #tpu.memory_space<vmem>>) attributes {dimension_semantics = [#tpu.dimension_semantics<parallel>], iteration_bounds = array<i64: 16>, scalar_prefetch = 0 : i64, scratch_operands = 0 : i64, tpu.core_type = #tpu.core_type<tc>, window_params = [{transform_indices = @transform_0, window_bounds = array<i64: 1024, 4096>}, {pipeline_mode = #tpu.pipeline_mode<synchronous>, transform_indices = @transform_1, window_bounds = array<i64: 64, 4096>}, {transform_indices = @transform_2, window_bounds = array<i64: 1024, 64>}]} {
    %get3A = arith.constant 0 : index
    %get3A_0 = arith.constant 0 : index
    %get3A_1 = vector.load %arg1[%get3A, %get3A_0] : memref<1024x4096xf32, #tpu.memory_space<vmem>>, vector<1024x4096xf32>
    %get3A_2 = arith.constant 0 : index
    %get3A_3 = arith.constant 0 : index
    %get3A_4 = vector.load %arg2[%get3A_2, %get3A_3] : memref<64x4096xf32, #tpu.memory_space<vmem>>, vector<64x4096xf32>
    %dot_general3A = arith.constant dense<0.000000e+00> : vector<1024x64xf32>
    %dot_general3A_5 = tpu.matmul %get3A_1, %get3A_4, %dot_general3A {dimension_numbers = #tpu.dot_dimension_numbers<[1], [1], [0], [0], [0, 0, 1, 0], [], []>, transpose_lhs_hint = false} : vector<1024x4096xf32>, vector<64x4096xf32>, vector<1024x64xf32> -> vector<1024x64xf32>
    %exp3A = math.exp %dot_general3A_5 : vector<1024x64xf32>
    %reduce_sum3A = arith.constant dense<0.000000e+00> : vector<1024xf32>
    %reduce_sum3A_6 = vector.multi_reduction <add>, %exp3A, %reduce_sum3A [1] : vector<1024x64xf32> to vector<1024xf32>
    %broadcast_in_dim3A = vector.shape_cast %reduce_sum3A_6 : vector<1024xf32> to vector<1024x1xf32>
    %div3A = arith.constant 1.000000e+00 : f32
    %div3A_7 = vector.broadcast %div3A : f32 to vector<1024x1xf32>
    %div3A_8 = arith.divf %div3A_7, %broadcast_in_dim3A : vector<1024x1xf32>
    %mul3A = vector.broadcast %div3A_8 : vector<1024x1xf32> to vector<1024x64xf32>
    %mul3A_9 = arith.mulf %exp3A, %mul3A : vector<1024x64xf32>
    %swap3A = arith.constant 0 : index
    %swap3A_10 = arith.constant 0 : index
    %swap3A_11 = vector.load %arg3[%swap3A, %swap3A_10] : memref<1024x64xf32, #tpu.memory_space<vmem>>, vector<1024x64xf32>
    tpu.vector_store %arg3[%swap3A, %swap3A_10], %mul3A_9 {strides = array<i32>} : memref<1024x64xf32, #tpu.memory_space<vmem>>, vector<1024x64xf32>,
    return
  }
  func.func @transform_0(%arg0: i32) -> (i32, i32) {
    %c0_i32 = arith.constant 0 : i32
    %c0_i32_0 = arith.constant 0 : i32
    return %arg0, %c0_i32 : i32, i32
  }
  func.func @transform_1(%arg0: i32) -> (i32, i32) {
    %c0_i32 = arith.constant 0 : i32
    %c0_i32_0 = arith.constant 0 : i32
    %c0_i32_1 = arith.constant 0 : i32
    return %c0_i32, %c0_i32_0 : i32, i32
  }
  func.func @transform_2(%arg0: i32) -> (i32, i32) {
    %c0_i32 = arith.constant 0 : i32
    %c0_i32_0 = arith.constant 0 : i32
    return %arg0, %c0_i32 : i32, i32
  }
}

</mosaic_0001>

<sc_bundles>
// kernel: kernel.4.cloned.1.call-start
scs
__scs_entry_jumppad:
0x0: {  	(pc) =	sbr.rel $0x88, $3  }
0x1: {  	(tag) =	ssettag $0x0;
	lr =	simm.s32 $0x1  }
0x2: {  	[smem:$0x3F9F] =	sst lr;
	_ =	strace $0xD0000000  }
0x3: {  	_ = 	snop  }
0x4: {  	_ = 	snop  }
0x5: {  	_ = 	snop  }
0x6: {  	_ = 	snop  }
0x7: {  	_ = 	snop  }
__scs_overlays_trampoline_lowered:
0x8: {  	[smem:$0x3FAE] =	sst s0  }
0x9: {  	[smem:$0x3FAF] =	sst s1  }
0xa: {  	[smem:$0x3FB0] =	sst s2  }
0xb: {  	[smem:$0x3FB1] =	sst s3  }
0xc: {  	[smem:$0x3FB2] =	sst s4  }
0xd: {  	[smem:$0x3FB3] =	sst s5  }
0xe: {  	[smem:$0x3FB4] =	sst s6  }
0xf: {  	[smem:$0x3FB5] =	sst s7  }
0x10: {  	[smem:$0x3FB6] =	sst s8  }
0x11: {  	[smem:$0x3FB7] =	sst s9;
	s0 =	simm.s32 @!p0 $0x0  }
0x12: {  	s1 =	sld [smem:$0x3F9D];
	s0 =	simm.s32 @p0 $0x1  }
0x13: {  	[smem:$0x3FB8] =	sst s0;
	s0 =	simm.s32 @!p1 $0x0  }
0x14: {  	s2 =	sld [smem:$0x3F9C];
	s0 =	simm.s32 @p1 $0x1  }
0x15: {  	[smem:$0x3FB9] =	sst s0;
	s0 =	simm.s32 @!p2 $0x0  }
0x16: {  	s3 =	sld [smem:$0x3FDB];
	s0 =	simm.s32 @p2 $0x1  }
0x17: {  	s4 =	simm.s32 $0x1BF5;
	[smem:$0x3FBB] =	sst s0  }
0x18: {  	s0 =	sld [smem:$0x3F9E];
	_ =	swait.ge [sflag:s4], $0x0  }
0x19: {  	s7 =	sld [smem:$0x3F9F]  }
0x1a: {  	s8 =	sadd.s32 $0xFFFFE003, lr  }
0x1b: {  	s9 =	sadd.s32 $0xFFFFFEF7, lr;
	s5 =	simm.s32 $0xFFFFFFFF;
	p2 =	slt.u32 s8, $0xFFFFF086  }
0x1c: {  	p1 =	slt.u32 s9, $0xF7A;
	s5 =	simm.s32 @!p2 $0x0  }
0x1d: {  	s5 =	simm.s32 @p1 $0x1;
	p0 =	seq.s32 s7, s2  }
0x1e: {  	s7 =	smul.u32 @!p0 $0xF7A, s2;
	p2 =	seq.s32 @!p0 s5, $0x0  }
0x1f: {  	s9 =	smul.u32 $0xF7A, s1;
	s8 =	simm.s32 @!p0 $0x1BF5;
	p2 =	por !p2, p0  }
0x20: {  	[sflag:s8] =	ssyncset.s32 @!p0 $0xFFFFF086;
	s6 =	sadd.s32 @!p0 s3, s7;
	s7 =	simm.s32 @!p0 $0x108  }
0x21: {  	s3 =	sadd.s32 s3, s9;
	s6 =	sadd.s32 @!p0 $0x88, s6;
	s7 =	simm.s32 @p2 $0x1082  }
0x22: {  	[simem:s7], [sflag:s8] =	dma.local @!p0 [hbm:s6], $0xF7A  }
0x23: {  	s9 =	sor.u32 $0xD0000000, s2;
	s6 =	simm.s32 $0x108;
	_ =	swait.ge @!p0 [sflag:s8], $0x0  }
0x24: {  	s3 =	sadd.s32 $0x88, s3;
	s6 =	simm.s32 @!p1 $0x1082;
	[sflag:s4] =	ssyncset.s32 $0xFFFFF086  }
0x25: {  	[simem:s6], [sflag:s4] =	dma.local [hbm:s3], $0xF7A  }
0x26: {  	[smem:$0x3F9F] =	sst s1;
	(tag) =	ssettag s2;
	_ =	strace s9  }
0x27: {  	s1 =	sld [smem:$0x3FAF]  }
0x28: {  	s2 =	sld [smem:$0x3FB0]  }
0x29: {  	s4 =	sld [smem:$0x3FB2]  }
0x2a: {  	p0 =	seq.s32 s5, $0x0;
	s5 =	sld [smem:$0x3FB3]  }
0x2b: {  	s6 =	sld [smem:$0x3FB4]  }
0x2c: {  	s7 =	sld [smem:$0x3FB5]  }
0x2d: {  	s3 =	simm.s32 $0x108;
	s8 =	sld [smem:$0x3FB6]  }
0x2e: {  	s3 =	simm.s32 @!p0 $0x1082;
	s9 =	sld [smem:$0x3FB7]  }
0x2f: {  	lr =	sadd.s32 s0, s3;
	s0 =	sld [smem:$0x3FAE]  }
0x30: {  	s3 =	sld [smem:$0x3FB1]  }
0x31: {  	[smem:$0x3FBA] =	sst s10  }
0x32: {  	s10 =	sld [smem:$0x3FB8];
	_ =	sdelay $0x3  }
0x33: {  	p0 =	seq.s32 s10, $0x1;
	s10 =	sld [smem:$0x3FBA];
	_ =	sdelay $0x3  }
0x34: {  	[smem:$0x3FBA] =	sst s10  }
0x35: {  	s10 =	sld [smem:$0x3FB9];
	_ =	sdelay $0x3  }
0x36: {  	p1 =	seq.s32 s10, $0x1;
	s10 =	sld [smem:$0x3FBA];
	_ =	sdelay $0x3  }
0x37: {  	[smem:$0x3FBA] =	sst s10  }
0x38: {  	s10 =	sld [smem:$0x3FBB]  }
0x39: {  	_ = 	snop;
	(pc) =	sbr.ind lr, $3  }
0x3a: {  	_ = 	snop  }
0x3b: {  	_ = 	snop  }
0x3c: {  	p2 =	seq.s32 s10, $0x1;
	s10 =	sld [smem:$0x3FBA]  }
0x3d: {  	_ =	shalt  }
0x3e: {  	_ =	shalt  }
0x3f: {  	_ =	shalt  }
0x40: {  	_ =	shalt  }
0x41: {  	_ =	shalt  }
0x42: {  	_ =	shalt  }
0x43: {  	_ =	shalt  }
0x44: {  	_ =	shalt  }
0x45: {  	_ =	shalt  }
0x46: {  	_ =	shalt  }
0x47: {  	_ =	shalt  }
0x48: {  	_ =	shalt  }
0x49: {  	_ =	shalt  }
0x4a: {  	_ =	shalt  }
0x4b: {  	_ =	shalt  }
0x4c: {  	_ =	shalt  }
0x4d: {  	_ =	shalt  }
0x4e: {  	_ =	shalt  }
0x4f: {  	_ =	shalt  }
0x50: {  	_ =	shalt  }
0x51: {  	_ =	shalt  }
0x52: {  	_ =	shalt  }
0x53: {  	_ =	shalt  }
0x54: {  	_ =	shalt  }
0x55: {  	_ =	shalt  }
0x56: {  	_ =	shalt  }
0x57: {  	_ =	shalt  }
0x58: {  	_ =	shalt  }
0x59: {  	_ =	shalt  }
0x5a: {  	_ =	shalt  }
0x5b: {  	_ =	shalt  }
0x5c: {  	_ =	shalt  }
0x5d: {  	_ =	shalt  }
0x5e: {  	_ =	shalt  }
0x5f: {  	_ =	shalt  }
0x60: {  	_ =	shalt  }
0x61: {  	_ =	shalt  }
0x62: {  	_ =	shalt  }
0x63: {  	_ =	shalt  }
0x64: {  	_ =	shalt  }
0x65: {  	_ =	shalt  }
0x66: {  	_ =	shalt  }
0x67: {  	_ =	shalt  }
0x68: {  	_ =	shalt  }
0x69: {  	_ =	shalt  }
0x6a: {  	_ =	shalt  }
0x6b: {  	_ =	shalt  }
0x6c: {  	_ =	shalt  }
0x6d: {  	_ =	shalt  }
0x6e: {  	_ =	shalt  }
0x6f: {  	_ =	shalt  }
0x70: {  	_ =	shalt  }
0x71: {  	_ =	shalt  }
0x72: {  	_ =	shalt  }
0x73: {  	_ =	shalt  }
0x74: {  	_ =	shalt  }
0x75: {  	_ =	shalt  }
0x76: {  	_ =	shalt  }
0x77: {  	_ =	shalt  }
0x78: {  	_ =	shalt  }
0x79: {  	_ =	shalt  }
0x7a: {  	_ =	shalt  }
0x7b: {  	_ =	shalt  }
0x7c: {  	_ =	shalt  }
0x7d: {  	_ =	shalt  }
0x7e: {  	_ =	shalt  }
0x7f: {  	_ =	shalt  }
0x80: {  	_ =	shalt  }
0x81: {  	_ =	shalt  }
0x82: {  	_ =	shalt  }
0x83: {  	_ =	shalt  }
0x84: {  	_ =	shalt  }
0x85: {  	_ =	shalt  }
0x86: {  	_ =	shalt  }
0x87: {  	_ =	shalt  }
.Lfunc_end0:
.L_simem_size_0:
called_computation_lowered:
.L_overlay_start_0:
0x88: {  	s2 =	sld [smem:$0x3FD9]  }
0x89: {  	s3 =	sld [smem:$0x3FFE];
	_ =	sdelay $0x1  }
0x8a: {  	s1 =	srdreg.scid  }
0x8b: {  	s0 =	sand.u32 $0x1, s1  }
0x8c: {  	s14 =	sshll.u32 s0, $0xA;
	s2 =	sadd.s32 s3, s2  }
0x8d: {  	s2 =	sadd.s32 s2, s14  }
0x8e: {  	[smem:$0x3FC6] =	sst s2  }
0x8f: {  	_ = 	snop  }
0x90: {  	s2 =	sld [smem:$0x3FD0];
	_ =	sdelay $0x2  }
0x91: {  	s15 =	simm.s32 $0xA;
	s4 =	simm.s32 $0x10  }
0x92: {  	[smem:s4], [sflag:s15] =	dma.local [hbm:s2], $0x1  }
0x93: {  	_ =	swait.eq [sflag:s15], $0x1  }
0x94: {  	[sflag:s15] =	ssyncset.done $0x0  }
0x95: {  	[sflag:s15] =	ssyncadd.s32 $0xFFFFFFFF  }
0x96: {  	s16 =	sld [smem:$0x12];
	(tm) =	ssettm $0x1  }
0x97: {  	s17 =	sld [smem:$0x3FFB];
	_ =	sdelay $0x3  }
0x98: {  	_ =	strace s17  }
0x99: {  	s3 =	sld [smem:$0x3FFC];
	_ =	sdelay $0x3  }
0x9a: {  	_ =	strace s3  }
0x9b: {  	s3 =	sld [smem:$0x3FFD];
	_ =	sdelay $0x3  }
0x9c: {  	_ =	strace s3  }
0x9d: {  	_ =	strace $0x8FFFFFFF  }
0x9e: {  	s18 =	sld [smem:$0x3FDB];
	_ =	sdelay $0x1  }
0x9f: {  	s19 =	simm.s32 $_scs_section_size  }
0xa0: {  	s5 =	simm.s32 $_size__tile_overlayer_lowered;
	s6 =	simm.s32 $_tile_overlayer_lowered  }
0xa1: {  	s22 =	simm.s32 $0x1BFF;
	s21 =	sshll.u32 s6, $0x1;
	s3 =	sadd.s32 s19, s18  }
0xa2: {  	s7 =	simm.s32 $0x0;
	s20 =	sshll.u32 s5, $0x1;
	s5 =	sadd.s32 s21, s3  }
0xa3: {  	[timem:s7], [sflag:s22] =	dma.local [hbm:s5], s20  }
0xa4: {  	_ =	swait.ge [sflag:s22], s20  }
0xa5: {  	s4 =	ssub.s32 $0x0, s20;
	[sflag:s22] =	ssyncset.done $0x0  }
0xa6: {  	[sflag:s22] =	ssyncadd.s32 s4;
	_ =	sdelay $0x1  }
0xa7: {  	s23 =	simm.s32 $0x1B8B  }
0xa8: {  	_ =	swait.ge [sflag:s23], $0x1  }
0xa9: {  	[sflag:s23] =	ssyncset.done $0x0  }
0xaa: {  	s25 =	simm.s32 $0x1B8E;
	s24 =	sld [smem:$0x3FFE];
	[sflag:s23] =	ssyncadd.s32 $0xFFFFFFFF  }
0xab: {  	s26 =	simm.s32 $execute0_lowered;
	[smem:$0x3FD2] =	sst s25  }
0xac: {  	s5 =	sshll.u32 s26, $0x1;
	_ =	strace $0x80000046;
	[dreg:$0x1] =	wrdreg $0xFFFFFFFF  }
0xad: {  	s28 =	simm.s32 $_size_execute0_lowered;
	s3 =	sadd.s32 s3, s5;
	[dreg:$0x0] =	wrdreg $0x0  }
0xae: {  	s5 =	sshll.u32 s28, $0x1;
	[dreg:$0x2] =	wrdreg s3  }
0xaf: {  	[dreg:$0x3] =	wrdreg s5  }
0xb0: {  	[dreg:$0x4] =	wrdreg $0xC0  }
0xb1: {  	_ =	task [dreg:s7], $0x5FFFF  }
0xb2: {  	[dreg:$0x1] =	wrdreg $0xFFFFFFFF  }
0xb3: {  	[dreg:$0x0] =	wrdreg $0x60  }
0xb4: {  	[dreg:$0x2] =	wrdreg s24  }
0xb5: {  	[dreg:$0x3] =	wrdreg s16  }
0xb6: {  	[dreg:$0x4] =	wrdreg $0x9  }
0xb7: {  	_ =	task.clear_ibuf [dreg:s7], $0x5FFFF;
	_ =	strace $0x90000046  }
0xb8: {  	s29 =	simm.s32 $0x9;
	_ =	strace $0x80000048  }
0xb9: {  	_ =	swait.ge [sflag:s29], $0x1  }
0xba: {  	[sflag:s29] =	ssyncadd.s32 $0xFFFFFFFF  }
0xbb: {  	_ =	strace $0x90000048  }
0xbc: {  	_ =	sfence  }
0xbd: {  	s30 =	sld [smem:$0x0];
	_ =	sdelay $0x2  }
0xbe: {  	s31 =	sshll.u32 s1, $0xD;
	s1 =	sshrl.u32 s1, $0x2  }
0xbf: {  	s3 =	sand.u32 $0x4000, s31;
	s1 =	sadd.s32 s1, s30  }
0xc0: {  	s0 =	sor.u32 s3, s0;
	s1 =	sshll.u32 s1, $0x11  }
0xc1: {  	s0 =	sor.u32 s1, s0  }
0xc2: {  	s0 =	sadd.s32 $0x8F2B, s0  }
0xc3: {  	[sflag:s0] =	ssyncadd.remote.s32 $0x1  }
0xc4: {  	_ =	sfence.sel $0xFFFF  }
0xc5: {  	[dreg:$0x0] =	wrdreg $0xFFFFFFFF;
	(pc) =	sbr.abs _section_cstart, $3  }
0xc6: {  	[dreg:$0x1] =	wrdreg $0xFFFFFFFF  }
0xc7: {  	_ =	task.clear_ibuf [dreg:s7], $0x2FFFF;
	_ =	strace $0x9FFFFFFF  }
0xc8: {  	(tm) =	ssettm $0x7FFFFFFF  }
0xc9: {  	_ =	shalt  }
tec
execute0_lowered:
.L_overlay_start_1:
0x0: {  	(tag) =	ssettag $0x1  }
0x1: {  	s3 =	rddreg [dreg:$0x0]  }
0x2: {  	s4 =	rddreg [dreg:$0x1]  }
0x3: {  	s0 =	rddreg [dreg:$0x2]  }
0x4: {  	s5 =	srdreg.scid;
	s1 =	stileid.u32  }
0x5: {  	s2 =	simm.s32 $0x0;
	s5 =	sand.u32 $0x1, s5;
	s6 =	sshll.u32 s1, $0x1  }
0x6: {  	s10 =	simm.s32 $0x0;
	[smem:$0x7FF] =	sst s2;
	s6 =	sor.u32 s5, s6  }
0x7: {  	_ =	strace $0x80000047;
	s5 =	ssub.s32 $0x2, s5;
	s7 =	sshll.u32 s6, $0xC  }
0x8: {  	s6 =	sshll.u32 s6, $0x9;
	s31 =	sshrl.u32 s5, $0x1;
	s7 =	sadd.s32 s7, s3  }
0x9: {  	s8 =	sadd.s32 s6, s3;
	s9 =	ssub.s32 s5, s31;
	s4 =	sadd.s32 s4, s6  }
0xa: {  	s3 =	sadd.s32 $0xC00, s7;
	s5 =	sadd.s32 $0x20C00, s8;
	s6 =	smax.u32 s9, $0x1  }
0xb: {  	v0 =	vlaneseq.u32;
	s7 =	simm.s32 $0x1;
	s8 =	simm.s32 $0x8000;
	s9 =	simm.s32 $0x9000  }
.LBB2_1:
0xc: {  	[tilespmem:s2], [sflag:$0x1] =	stream.linear.gather [hbm4b:s3+s2], $0x8000, $0x38;
	[tilespmem:$0xA000] =	vst v63  }
0xd: {  	_ =	swait.ge [sflag:s7], $0x8000  }
0xe: {  	[sflag:s7] =	ssyncset.done $0x0  }
0xf: {  	s11 =	simm.s32 $0x0;
	[sflag:s7] =	ssyncadd.s32 $0xFFFF8000  }
.LBB2_2:
0x10: {  	v1 =	vor.u32 s11, v0  }
0x11: {  	v2 =	vshll.u32 v1, $0x6  }
0x12: {  	v3 =	vor.u32 $0x1, v2  }
0x13: {  	v4 =	vor.u32 $0x2, v2  }
0x14: {  	v6 =	vor.u32 $0x3, v2  }
0x15: {  	v7 =	vor.u32 $0x4, v2  }
0x16: {  	v10 =	vor.u32 $0x5, v2;
	v5 =	vld.idx.msk [tilespmem:v2+s2+$0x0], $0xffff  }
0x17: {  	v11 =	vor.u32 $0x6, v2;
	v3 =	vld.idx.msk [tilespmem:v3+s2+$0x0], $0xffff  }
0x18: {  	v14 =	vor.u32 $0x8, v2;
	v4 =	vld.idx.msk [tilespmem:v4+s2+$0x0], $0xffff  }
0x19: {  	v6 =	vld.idx.msk [tilespmem:v6+s2+$0x0], $0xffff  }
0x1a: {  	v7 =	vld.idx.msk [tilespmem:v7+s2+$0x0], $0xffff  }
0x1b: {  	v10 =	vld.idx.msk [tilespmem:v10+s2+$0x0], $0xffff  }
0x1c: {  	v11 =	vld.idx.msk [tilespmem:v11+s2+$0x0], $0xffff  }
0x1d: {  	v35 =	vld.idx.msk [tilespmem:v14+s2+$0x0], $0xffff  }
0x1e: {  	v24 =	vor.u32 $0x7, v2  }
0x1f: {  	v53 =	vor.u32 $0xB, v2;
	v60 =	vor.u32 $0xC, v2;
	v5 =	vor.u32 $0x3F, v5  }
0x20: {  	v3 =	vand.u32 $0xFFFFFFC0, v3;
	v8 =	vmax.f32 v5, $-1.000000000e+00;
	v5 =	vmin.f32 v5, $-1.000000000e+00  }
0x21: {  	v4 =	vand.u32 $0xFFFFFFC0, v4;
	v6 =	vand.u32 $0xFFFFFFC0, v6;
	v7 =	vand.u32 $0xFFFFFFC0, v7  }
0x22: {  	v10 =	vand.u32 $0xFFFFFFC0, v10;
	v28 =	vand.u32 $0xFFFFFFC0, v11;
	v41 =	vand.u32 $0xFFFFFFC0, v35  }
0x23: {  	v3 =	vor.u32 $0x3E, v3;
	v5 =	vmax.f32 v5, $-1.000000000e+00;
	v4 =	vor.u32 $0x3D, v4  }
0x24: {  	v6 =	vor.u32 $0x3C, v6;
	v7 =	vor.u32 $0x3B, v7;
	v9 =	vmin.f32 v8, v3  }
0x25: {  	v23 =	vor.u32 $0x3A, v10;
	v3 =	vmax.f32 v8, v3;
	v15 =	vmax.f32 v5, v9  }
0x26: {  	v9 =	vmin.f32 v5, v9;
	v16 =	vmax.f32 v3, v4;
	v3 =	vmin.f32 v3, v4  }
0x27: {  	v10 =	vld.idx.msk [tilespmem:v24+s2+$0x0], $0xffff;
	v24 =	vor.u32 $0xD, v2;
	v5 =	vmax.f32 v5, v9;
	v4 =	vmax.f32 v15, v3  }
0x28: {  	v3 =	vmin.f32 v15, v3;
	v17 =	vmax.f32 v16, v6;
	v6 =	vmin.f32 v16, v6  }
0x29: {  	v15 =	vor.u32 $0x9, v2;
	v16 =	vor.u32 $0xA, v2;
	v8 =	vmax.f32 v5, v3  }
0x2a: {  	v3 =	vmin.f32 v5, v3;
	v9 =	vmin.f32 v4, v6;
	v4 =	vmax.f32 v4, v6  }
0x2b: {  	v12 =	vmin.f32 v17, v7;
	v3 =	vmax.f32 v5, v3;
	v18 =	vmin.f32 v8, v9  }
0x2c: {  	v8 =	vmax.f32 v8, v9;
	v20 =	vmin.f32 v4, v12;
	v5 =	vmax.f32 v17, v7  }
0x2d: {  	v57 =	vld.idx.msk [tilespmem:v53+s2+$0x0], $0xffff;
	v4 =	vmax.f32 v4, v12;
	v9 =	vor.u32 $0x39, v28;
	v10 =	vand.u32 $0xFFFFFFC0, v10  }
0x2e: {  	v19 =	vmin.f32 v3, v18;
	v6 =	vmax.f32 v3, v18;
	v21 =	vmin.f32 v8, v20  }
0x2f: {  	v8 =	vmax.f32 v8, v20;
	v13 =	vmin.f32 v5, v23;
	v5 =	vmax.f32 v5, v23  }
0x30: {  	v34 =	vor.u32 $0x38, v10;
	v3 =	vmax.f32 v3, v19;
	v22 =	vmax.f32 v6, v21  }
0x31: {  	v6 =	vmin.f32 v6, v21;
	v26 =	vmin.f32 v4, v13;
	v4 =	vmax.f32 v4, v13  }
0x32: {  	v30 =	vmin.f32 v5, v9;
	v5 =	vmax.f32 v5, v9;
	v19 =	vand.u32 $0xFFFFFFC0, v57  }
0x33: {  	v21 =	vld.idx.msk [tilespmem:v60+s2+$0x0], $0xffff;
	v60 =	vor.u32 $0x11, v2;
	v25 =	vmax.f32 v3, v6;
	v6 =	vmin.f32 v3, v6  }
0x34: {  	v27 =	vmax.f32 v8, v26;
	v31 =	vmin.f32 v4, v30;
	v4 =	vmax.f32 v4, v30  }
0x35: {  	v37 =	vmin.f32 v5, v34;
	v5 =	vmax.f32 v5, v34;
	v30 =	vld.idx.msk [tilespmem:v24+s2+$0x0], $0xffff;
	v24 =	vor.u32 $0x12, v2  }
0x36: {  	v3 =	vmax.f32 v3, v6;
	v6 =	vmin.f32 v8, v26;
	v32 =	vmin.f32 v27, v31  }
0x37: {  	v7 =	vmax.f32 v27, v31;
	v38 =	vmin.f32 v4, v37;
	v4 =	vmax.f32 v4, v37  }
0x38: {  	v8 =	vmax.f32 v22, v6;
	v6 =	vmin.f32 v22, v6;
	v39 =	vmin.f32 v7, v38  }
0x39: {  	v7 =	vmax.f32 v7, v38;
	v29 =	vmax.f32 v25, v6;
	v6 =	vmin.f32 v25, v6  }
0x3a: {  	v33 =	vmax.f32 v8, v32;
	v8 =	vmin.f32 v8, v32;
	v12 =	vmin.f32 v3, v6  }
0x3b: {  	v6 =	vmax.f32 v3, v6;
	v9 =	vmax.f32 v29, v8;
	v8 =	vmin.f32 v29, v8  }
0x3c: {  	v40 =	vmax.f32 v33, v39;
	v28 =	vand.u32 $0xFFFFFFC0, v21;
	v21 =	vld.idx.msk [tilespmem:v60+s2+$0x0], $0xffff;
	v60 =	vor.u32 $0x16, v2  }
0x3d: {  	v43 =	vld.idx.msk [tilespmem:v15+s2+$0x0], $0xffff;
	v3 =	vmax.f32 v3, v12;
	v11 =	vmax.f32 v6, v8;
	v6 =	vmin.f32 v6, v8  }
0x3e: {  	v50 =	vld.idx.msk [tilespmem:v16+s2+$0x0], $0xffff;
	v8 =	vmin.f32 v33, v39;
	v33 =	vor.u32 $0xE, v2;
	v37 =	vand.u32 $0xFFFFFFC0, v30  }
0x3f: {  	v30 =	vld.idx.msk [tilespmem:v24+s2+$0x0], $0xffff;
	v24 =	vor.u32 $0x17, v2;
	v36 =	vmin.f32 v3, v6;
	v6 =	vmax.f32 v3, v6  }
0x40: {  	v12 =	vmax.f32 v9, v8;
	v8 =	vmin.f32 v9, v8;
	v9 =	vor.u32 $0x37, v41  }
0x41: {  	v3 =	vmax.f32 v3, v36;
	v42 =	vmax.f32 v11, v8;
	v8 =	vmin.f32 v11, v8  }
0x42: {  	v45 =	vmin.f32 v5, v9;
	v5 =	vmax.f32 v5, v9;
	v11 =	vand.u32 $0xFFFFFFC0, v43  }
0x43: {  	v44 =	vmin.f32 v6, v8;
	v6 =	vmax.f32 v6, v8;
	v46 =	vmin.f32 v4, v45  }
0x44: {  	v4 =	vmax.f32 v4, v45;
	v49 =	vor.u32 $0x36, v11;
	v11 =	vand.u32 $0xFFFFFFC0, v50  }
0x45: {  	v3 =	vmax.f32 v3, v44;
	v47 =	vmin.f32 v7, v46;
	v7 =	vmax.f32 v7, v46  }
0x46: {  	v52 =	vmin.f32 v5, v49;
	v5 =	vmax.f32 v5, v49;
	v11 =	vor.u32 $0x35, v11  }
0x47: {  	v48 =	vmax.f32 v40, v47;
	v9 =	vmin.f32 v40, v47;
	v54 =	vmin.f32 v4, v52  }
0x48: {  	v4 =	vmax.f32 v4, v52;
	v59 =	vmin.f32 v5, v11;
	v5 =	vmax.f32 v5, v11  }
0x49: {  	v39 =	vld.idx.msk [tilespmem:v33+s2+$0x0], $0xffff;
	v33 =	vor.u32 $0x13, v2;
	v13 =	vmax.f32 v12, v9;
	v9 =	vmin.f32 v12, v9  }
0x4a: {  	v55 =	vmin.f32 v7, v54;
	v7 =	vmax.f32 v7, v54;
	v61 =	vmin.f32 v4, v59  }
0x4b: {  	v4 =	vmax.f32 v4, v59;
	v12 =	vmax.f32 v42, v9;
	v9 =	vmin.f32 v42, v9  }
0x4c: {  	v56 =	vmax.f32 v48, v55;
	v8 =	vmin.f32 v48, v55;
	v62 =	vmin.f32 v7, v61  }
0x4d: {  	v7 =	vmax.f32 v7, v61;
	v42 =	vor.u32 $0xF, v2;
	v51 =	vmin.f32 v6, v9  }
0x4e: {  	v6 =	vmax.f32 v6, v9;
	v10 =	vmax.f32 v13, v8;
	v8 =	vmin.f32 v13, v8  }
0x4f: {  	v63 =	vmax.f32 v56, v62;
	v9 =	vmin.f32 v56, v62;
	v3 =	vmax.f32 v3, v51  }
0x50: {  	v13 =	vmax.f32 v12, v8;
	v8 =	vmin.f32 v12, v8;
	v11 =	vmax.f32 v10, v9  }
0x51: {  	v9 =	vmin.f32 v10, v9;
	v10 =	vor.u32 $0x34, v19;
	v51 =	vor.u32 $0x10, v2  }
0x52: {  	v58 =	vmin.f32 v6, v8;
	v6 =	vmax.f32 v6, v8;
	v20 =	vmax.f32 v13, v9  }
0x53: {  	v9 =	vmin.f32 v13, v9;
	v23 =	vmin.f32 v5, v10;
	v5 =	vmax.f32 v5, v10  }
0x54: {  	v46 =	vand.u32 $0xFFFFFFC0, v39;
	v39 =	vld.idx.msk [tilespmem:v33+s2+$0x0], $0xffff;
	v33 =	vor.u32 $0x18, v2;
	v3 =	vmax.f32 v3, v58  }
0x55: {  	v22 =	vmin.f32 v6, v9;
	v6 =	vmax.f32 v6, v9;
	v25 =	vmin.f32 v4, v23  }
0x56: {  	v4 =	vmax.f32 v4, v23;
	v3 =	vmax.f32 v3, v22;
	v26 =	vmin.f32 v7, v25  }
0x57: {  	v7 =	vmax.f32 v7, v25;
	v48 =	vld.idx.msk [tilespmem:v42+s2+$0x0], $0xffff;
	v42 =	vor.u32 $0x14, v2;
	v8 =	vmin.f32 v63, v26  }
0x58: {  	v27 =	vmax.f32 v63, v26;
	v10 =	vmax.f32 v11, v8;
	v8 =	vmin.f32 v11, v8  }
0x59: {  	v11 =	vor.u32 $0x33, v28;
	v57 =	vld.idx.msk [tilespmem:v51+s2+$0x0], $0xffff;
	v28 =	vand.u32 $0xFFFFFFC0, v21;
	v51 =	vor.u32 $0x15, v2  }
0x5a: {  	v21 =	vld.idx.msk [tilespmem:v60+s2+$0x0], $0xffff;
	v60 =	vor.u32 $0x1B, v2;
	v29 =	vmax.f32 v20, v8;
	v8 =	vmin.f32 v20, v8  }
0x5b: {  	v32 =	vmin.f32 v5, v11;
	v5 =	vmax.f32 v5, v11;
	v31 =	vmin.f32 v6, v8  }
0x5c: {  	v6 =	vmax.f32 v6, v8;
	v34 =	vmin.f32 v4, v32;
	v4 =	vmax.f32 v4, v32  }
0x5d: {  	v3 =	vmax.f32 v3, v31;
	v35 =	vmin.f32 v7, v34;
	v7 =	vmax.f32 v7, v34  }
0x5e: {  	v55 =	vand.u32 $0xFFFFFFC0, v48;
	v48 =	vld.idx.msk [tilespmem:v42+s2+$0x0], $0xffff;
	v42 =	vor.u32 $0x19, v2;
	v9 =	vmin.f32 v27, v35  }
0x5f: {  	v36 =	vmax.f32 v27, v35;
	v11 =	vmax.f32 v10, v9;
	v9 =	vmin.f32 v10, v9  }
0x60: {  	v10 =	vor.u32 $0x32, v37;
	v19 =	vand.u32 $0xFFFFFFC0, v57;
	v37 =	vand.u32 $0xFFFFFFC0, v30;
	v57 =	vld.idx.msk [tilespmem:v51+s2+$0x0], $0xffff  }
0x61: {  	v30 =	vld.idx.msk [tilespmem:v24+s2+$0x0], $0xffff;
	v51 =	vor.u32 $0x1A, v2;
	v24 =	vor.u32 $0x1C, v2;
	v38 =	vmax.f32 v29, v9  }
0x62: {  	v9 =	vmin.f32 v29, v9;
	v41 =	vmin.f32 v5, v10;
	v5 =	vmax.f32 v5, v10  }
0x63: {  	v40 =	vmin.f32 v6, v9;
	v6 =	vmax.f32 v6, v9;
	v43 =	vmin.f32 v4, v41  }
0x64: {  	v4 =	vmax.f32 v4, v41;
	v3 =	vmax.f32 v3, v40;
	v44 =	vmin.f32 v7, v43  }
0x65: {  	v7 =	vmax.f32 v7, v43;
	v45 =	vmax.f32 v36, v44;
	v8 =	vmin.f32 v36, v44  }
0x66: {  	v10 =	vmax.f32 v11, v8;
	v8 =	vmin.f32 v11, v8;
	v11 =	vor.u32 $0x31, v46  }
0x67: {  	v46 =	vand.u32 $0xFFFFFFC0, v39;
	v39 =	vld.idx.msk [tilespmem:v33+s2+$0x0], $0xffff;
	v33 =	vor.u32 $0x1D, v2;
	v47 =	vmax.f32 v38, v8  }
0x68: {  	v8 =	vmin.f32 v38, v8;
	v50 =	vmin.f32 v5, v11;
	v5 =	vmax.f32 v5, v11  }
0x69: {  	v49 =	vmin.f32 v6, v8;
	v6 =	vmax.f32 v6, v8;
	v52 =	vmin.f32 v4, v50  }
0x6a: {  	v4 =	vmax.f32 v4, v50;
	v3 =	vmax.f32 v3, v49;
	v53 =	vmin.f32 v7, v52  }
0x6b: {  	v7 =	vmax.f32 v7, v52;
	v54 =	vmax.f32 v45, v53;
	v9 =	vmin.f32 v45, v53  }
0x6c: {  	v11 =	vmax.f32 v10, v9;
	v9 =	vmin.f32 v10, v9;
	v10 =	vor.u32 $0x30, v55  }
0x6d: {  	v55 =	vand.u32 $0xFFFFFFC0, v48;
	v48 =	vld.idx.msk [tilespmem:v42+s2+$0x0], $0xffff;
	v42 =	vor.u32 $0x1E, v2;
	v56 =	vmax.f32 v47, v9  }
0x6e: {  	v9 =	vmin.f32 v47, v9;
	v59 =	vmin.f32 v5, v10;
	v5 =	vmax.f32 v5, v10  }
0x6f: {  	v58 =	vmin.f32 v6, v9;
	v6 =	vmax.f32 v6, v9;
	v61 =	vmin.f32 v4, v59  }
0x70: {  	v4 =	vmax.f32 v4, v59;
	v3 =	vmax.f32 v3, v58;
	v62 =	vmin.f32 v7, v61  }
0x71: {  	v7 =	vmax.f32 v7, v61;
	v63 =	vmax.f32 v54, v62;
	v8 =	vmin.f32 v54, v62  }
0x72: {  	v10 =	vmax.f32 v11, v8;
	v8 =	vmin.f32 v11, v8;
	v11 =	vor.u32 $0x2F, v19  }
0x73: {  	v19 =	vand.u32 $0xFFFFFFC0, v57;
	v57 =	vld.idx.msk [tilespmem:v51+s2+$0x0], $0xffff;
	v51 =	vor.u32 $0x1F, v2;
	v20 =	vmax.f32 v56, v8  }
0x74: {  	v8 =	vmin.f32 v56, v8;
	v23 =	vmin.f32 v5, v11;
	v5 =	vmax.f32 v5, v11  }
0x75: {  	v22 =	vmin.f32 v6, v8;
	v6 =	vmax.f32 v6, v8;
	v25 =	vmin.f32 v4, v23  }
0x76: {  	v4 =	vmax.f32 v4, v23;
	v3 =	vmax.f32 v3, v22;
	v26 =	vmin.f32 v7, v25  }
0x77: {  	v7 =	vmax.f32 v7, v25;
	v27 =	vmax.f32 v63, v26;
	v9 =	vmin.f32 v63, v26  }
0x78: {  	v11 =	vmax.f32 v10, v9;
	v9 =	vmin.f32 v10, v9;
	v10 =	vor.u32 $0x2E, v28  }
0x79: {  	v28 =	vand.u32 $0xFFFFFFC0, v21;
	v21 =	vld.idx.msk [tilespmem:v60+s2+$0x0], $0xffff;
	v60 =	vor.u32 $0x20, v2;
	v29 =	vmax.f32 v20, v9  }
0x7a: {  	v9 =	vmin.f32 v20, v9;
	v32 =	vmin.f32 v5, v10;
	v5 =	vmax.f32 v5, v10  }
0x7b: {  	v31 =	vmin.f32 v6, v9;
	v6 =	vmax.f32 v6, v9;
	v34 =	vmin.f32 v4, v32  }
0x7c: {  	v4 =	vmax.f32 v4, v32;
	v3 =	vmax.f32 v3, v31;
	v35 =	vmin.f32 v7, v34  }
0x7d: {  	v7 =	vmax.f32 v7, v34;
	v36 =	vmax.f32 v27, v35;
	v8 =	vmin.f32 v27, v35  }
0x7e: {  	v10 =	vmax.f32 v11, v8;
	v8 =	vmin.f32 v11, v8;
	v11 =	vor.u32 $0x2D, v37  }
0x7f: {  	v37 =	vand.u32 $0xFFFFFFC0, v30;
	v30 =	vld.idx.msk [tilespmem:v24+s2+$0x0], $0xffff;
	v24 =	vor.u32 $0x21, v2;
	v38 =	vmax.f32 v29, v8  }
0x80: {  	v8 =	vmin.f32 v29, v8;
	v41 =	vmin.f32 v5, v11;
	v5 =	vmax.f32 v5, v11  }
0x81: {  	v40 =	vmin.f32 v6, v8;
	v6 =	vmax.f32 v6, v8;
	v43 =	vmin.f32 v4, v41  }
0x82: {  	v4 =	vmax.f32 v4, v41;
	v3 =	vmax.f32 v3, v40;
	v44 =	vmin.f32 v7, v43  }
0x83: {  	v7 =	vmax.f32 v7, v43;
	v45 =	vmax.f32 v36, v44;
	v9 =	vmin.f32 v36, v44  }
0x84: {  	v11 =	vmax.f32 v10, v9;
	v9 =	vmin.f32 v10, v9;
	v10 =	vor.u32 $0x2C, v46  }
0x85: {  	v46 =	vand.u32 $0xFFFFFFC0, v39;
	v39 =	vld.idx.msk [tilespmem:v33+s2+$0x0], $0xffff;
	v33 =	vor.u32 $0x22, v2;
	v47 =	vmax.f32 v38, v9  }
0x86: {  	v9 =	vmin.f32 v38, v9;
	v50 =	vmin.f32 v5, v10;
	v5 =	vmax.f32 v5, v10  }
0x87: {  	v49 =	vmin.f32 v6, v9;
	v6 =	vmax.f32 v6, v9;
	v52 =	vmin.f32 v4, v50  }
0x88: {  	v4 =	vmax.f32 v4, v50;
	v3 =	vmax.f32 v3, v49;
	v53 =	vmin.f32 v7, v52  }
0x89: {  	v7 =	vmax.f32 v7, v52;
	v54 =	vmax.f32 v45, v53;
	v8 =	vmin.f32 v45, v53  }
0x8a: {  	v10 =	vmax.f32 v11, v8;
	v8 =	vmin.f32 v11, v8;
	v11 =	vor.u32 $0x2B, v55  }
0x8b: {  	v55 =	vand.u32 $0xFFFFFFC0, v48;
	v48 =	vld.idx.msk [tilespmem:v42+s2+$0x0], $0xffff;
	v42 =	vor.u32 $0x23, v2;
	v56 =	vmax.f32 v47, v8  }
0x8c: {  	v8 =	vmin.f32 v47, v8;
	v59 =	vmin.f32 v5, v11;
	v5 =	vmax.f32 v5, v11  }
0x8d: {  	v58 =	vmin.f32 v6, v8;
	v6 =	vmax.f32 v6, v8;
	v61 =	vmin.f32 v4, v59  }
0x8e: {  	v4 =	vmax.f32 v4, v59;
	v3 =	vmax.f32 v3, v58;
	v62 =	vmin.f32 v7, v61  }
0x8f: {  	v7 =	vmax.f32 v7, v61;
	v63 =	vmax.f32 v54, v62;
	v9 =	vmin.f32 v54, v62  }
0x90: {  	v11 =	vmax.f32 v10, v9;
	v9 =	vmin.f32 v10, v9;
	v10 =	vor.u32 $0x2A, v19  }
0x91: {  	v19 =	vand.u32 $0xFFFFFFC0, v57;
	v57 =	vld.idx.msk [tilespmem:v51+s2+$0x0], $0xffff;
	v51 =	vor.u32 $0x24, v2;
	v20 =	vmax.f32 v56, v9  }
0x92: {  	v9 =	vmin.f32 v56, v9;
	v23 =	vmin.f32 v5, v10;
	v5 =	vmax.f32 v5, v10  }
0x93: {  	v22 =	vmin.f32 v6, v9;
	v6 =	vmax.f32 v6, v9;
	v25 =	vmin.f32 v4, v23  }
0x94: {  	v4 =	vmax.f32 v4, v23;
	v3 =	vmax.f32 v3, v22;
	v26 =	vmin.f32 v7, v25  }
0x95: {  	v7 =	vmax.f32 v7, v25;
	v27 =	vmax.f32 v63, v26;
	v8 =	vmin.f32 v63, v26  }
0x96: {  	v10 =	vmax.f32 v11, v8;
	v8 =	vmin.f32 v11, v8;
	v11 =	vor.u32 $0x29, v28  }
0x97: {  	v28 =	vand.u32 $0xFFFFFFC0, v21;
	v21 =	vld.idx.msk [tilespmem:v60+s2+$0x0], $0xffff;
	v60 =	vor.u32 $0x25, v2;
	v29 =	vmax.f32 v20, v8  }
0x98: {  	v8 =	vmin.f32 v20, v8;
	v32 =	vmin.f32 v5, v11;
	v5 =	vmax.f32 v5, v11  }
0x99: {  	v31 =	vmin.f32 v6, v8;
	v6 =	vmax.f32 v6, v8;
	v34 =	vmin.f32 v4, v32  }
0x9a: {  	v4 =	vmax.f32 v4, v32;
	v3 =	vmax.f32 v3, v31;
	v35 =	vmin.f32 v7, v34  }
0x9b: {  	v7 =	vmax.f32 v7, v34;
	v36 =	vmax.f32 v27, v35;
	v9 =	vmin.f32 v27, v35  }
0x9c: {  	v11 =	vmax.f32 v10, v9;
	v9 =	vmin.f32 v10, v9;
	v10 =	vor.u32 $0x28, v37  }
0x9d: {  	v37 =	vand.u32 $0xFFFFFFC0, v30;
	v30 =	vld.idx.msk [tilespmem:v24+s2+$0x0], $0xffff;
	v24 =	vor.u32 $0x26, v2;
	v38 =	vmax.f32 v29, v9  }
0x9e: {  	v9 =	vmin.f32 v29, v9;
	v41 =	vmin.f32 v5, v10;
	v5 =	vmax.f32 v5, v10  }
0x9f: {  	v40 =	vmin.f32 v6, v9;
	v6 =	vmax.f32 v6, v9;
	v43 =	vmin.f32 v4, v41  }
0xa0: {  	v4 =	vmax.f32 v4, v41;
	v3 =	vmax.f32 v3, v40;
	v44 =	vmin.f32 v7, v43  }
0xa1: {  	v7 =	vmax.f32 v7, v43;
	v45 =	vmax.f32 v36, v44;
	v8 =	vmin.f32 v36, v44  }
0xa2: {  	v10 =	vmax.f32 v11, v8;
	v8 =	vmin.f32 v11, v8;
	v11 =	vor.u32 $0x27, v46  }
0xa3: {  	v46 =	vand.u32 $0xFFFFFFC0, v39;
	v39 =	vld.idx.msk [tilespmem:v33+s2+$0x0], $0xffff;
	v33 =	vor.u32 $0x27, v2;
	v47 =	vmax.f32 v38, v8  }
0xa4: {  	v8 =	vmin.f32 v38, v8;
	v50 =	vmin.f32 v5, v11;
	v5 =	vmax.f32 v5, v11  }
0xa5: {  	v49 =	vmin.f32 v6, v8;
	v6 =	vmax.f32 v6, v8;
	v52 =	vmin.f32 v4, v50  }
0xa6: {  	v4 =	vmax.f32 v4, v50;
	v3 =	vmax.f32 v3, v49;
	v53 =	vmin.f32 v7, v52  }
0xa7: {  	v7 =	vmax.f32 v7, v52;
	v54 =	vmax.f32 v45, v53;
	v9 =	vmin.f32 v45, v53  }
0xa8: {  	v11 =	vmax.f32 v10, v9;
	v9 =	vmin.f32 v10, v9;
	v10 =	vor.u32 $0x26, v55  }
0xa9: {  	v55 =	vand.u32 $0xFFFFFFC0, v48;
	v48 =	vld.idx.msk [tilespmem:v42+s2+$0x0], $0xffff;
	v42 =	vor.u32 $0x28, v2;
	v56 =	vmax.f32 v47, v9  }
0xaa: {  	v9 =	vmin.f32 v47, v9;
	v59 =	vmin.f32 v5, v10;
	v5 =	vmax.f32 v5, v10  }
0xab: {  	v58 =	vmin.f32 v6, v9;
	v6 =	vmax.f32 v6, v9;
	v61 =	vmin.f32 v4, v59  }
0xac: {  	v4 =	vmax.f32 v4, v59;
	v3 =	vmax.f32 v3, v58;
	v62 =	vmin.f32 v7, v61  }
0xad: {  	v7 =	vmax.f32 v7, v61;
	v63 =	vmax.f32 v54, v62;
	v8 =	vmin.f32 v54, v62  }
0xae: {  	v10 =	vmax.f32 v11, v8;
	v8 =	vmin.f32 v11, v8;
	v11 =	vor.u32 $0x25, v19  }
0xaf: {  	v19 =	vand.u32 $0xFFFFFFC0, v57;
	v57 =	vld.idx.msk [tilespmem:v51+s2+$0x0], $0xffff;
	v51 =	vor.u32 $0x29, v2;
	v20 =	vmax.f32 v56, v8  }
0xb0: {  	v8 =	vmin.f32 v56, v8;
	v23 =	vmin.f32 v5, v11;
	v5 =	vmax.f32 v5, v11  }
0xb1: {  	v22 =	vmin.f32 v6, v8;
	v6 =	vmax.f32 v6, v8;
	v25 =	vmin.f32 v4, v23  }
0xb2: {  	v4 =	vmax.f32 v4, v23;
	v3 =	vmax.f32 v3, v22;
	v26 =	vmin.f32 v7, v25  }
0xb3: {  	v7 =	vmax.f32 v7, v25;
	v27 =	vmax.f32 v63, v26;
	v9 =	vmin.f32 v63, v26  }
0xb4: {  	v11 =	vmax.f32 v10, v9;
	v9 =	vmin.f32 v10, v9;
	v10 =	vor.u32 $0x24, v28  }
0xb5: {  	v28 =	vand.u32 $0xFFFFFFC0, v21;
	v21 =	vld.idx.msk [tilespmem:v60+s2+$0x0], $0xffff;
	v60 =	vor.u32 $0x2A, v2;
	v29 =	vmax.f32 v20, v9  }
0xb6: {  	v9 =	vmin.f32 v20, v9;
	v32 =	vmin.f32 v5, v10;
	v5 =	vmax.f32 v5, v10  }
0xb7: {  	v31 =	vmin.f32 v6, v9;
	v6 =	vmax.f32 v6, v9;
	v34 =	vmin.f32 v4, v32  }
0xb8: {  	v4 =	vmax.f32 v4, v32;
	v3 =	vmax.f32 v3, v31;
	v35 =	vmin.f32 v7, v34  }
0xb9: {  	v7 =	vmax.f32 v7, v34;
	v36 =	vmax.f32 v27, v35;
	v8 =	vmin.f32 v27, v35  }
0xba: {  	v10 =	vmax.f32 v11, v8;
	v8 =	vmin.f32 v11, v8;
	v11 =	vor.u32 $0x23, v37  }
0xbb: {  	v37 =	vand.u32 $0xFFFFFFC0, v30;
	v30 =	vld.idx.msk [tilespmem:v24+s2+$0x0], $0xffff;
	v24 =	vor.u32 $0x2B, v2;
	v38 =	vmax.f32 v29, v8  }
0xbc: {  	v8 =	vmin.f32 v29, v8;
	v41 =	vmin.f32 v5, v11;
	v5 =	vmax.f32 v5, v11  }
0xbd: {  	v40 =	vmin.f32 v6, v8;
	v6 =	vmax.f32 v6, v8;
	v43 =	vmin.f32 v4, v41  }
0xbe: {  	v4 =	vmax.f32 v4, v41;
	v3 =	vmax.f32 v3, v40;
	v44 =	vmin.f32 v7, v43  }
0xbf: {  	v7 =	vmax.f32 v7, v43;
	v45 =	vmax.f32 v36, v44;
	v9 =	vmin.f32 v36, v44  }
0xc0: {  	v11 =	vmax.f32 v10, v9;
	v9 =	vmin.f32 v10, v9;
	v10 =	vor.u32 $0x22, v46  }
0xc1: {  	v46 =	vand.u32 $0xFFFFFFC0, v39;
	v39 =	vld.idx.msk [tilespmem:v33+s2+$0x0], $0xffff;
	v33 =	vor.u32 $0x2C, v2;
	v47 =	vmax.f32 v38, v9  }
0xc2: {  	v9 =	vmin.f32 v38, v9;
	v50 =	vmin.f32 v5, v10;
	v5 =	vmax.f32 v5, v10  }
0xc3: {  	v49 =	vmin.f32 v6, v9;
	v6 =	vmax.f32 v6, v9;
	v52 =	vmin.f32 v4, v50  }
0xc4: {  	v4 =	vmax.f32 v4, v50;
	v3 =	vmax.f32 v3, v49;
	v53 =	vmin.f32 v7, v52  }
0xc5: {  	v7 =	vmax.f32 v7, v52;
	v54 =	vmax.f32 v45, v53;
	v8 =	vmin.f32 v45, v53  }
0xc6: {  	v10 =	vmax.f32 v11, v8;
	v8 =	vmin.f32 v11, v8;
	v11 =	vor.u32 $0x21, v55  }
0xc7: {  	v55 =	vand.u32 $0xFFFFFFC0, v48;
	v48 =	vld.idx.msk [tilespmem:v42+s2+$0x0], $0xffff;
	v42 =	vor.u32 $0x2D, v2;
	v56 =	vmax.f32 v47, v8  }
0xc8: {  	v8 =	vmin.f32 v47, v8;
	v59 =	vmin.f32 v5, v11;
	v5 =	vmax.f32 v5, v11  }
0xc9: {  	v58 =	vmin.f32 v6, v8;
	v6 =	vmax.f32 v6, v8;
	v61 =	vmin.f32 v4, v59  }
0xca: {  	v4 =	vmax.f32 v4, v59;
	v3 =	vmax.f32 v3, v58;
	v62 =	vmin.f32 v7, v61  }
0xcb: {  	v7 =	vmax.f32 v7, v61;
	v63 =	vmax.f32 v54, v62;
	v9 =	vmin.f32 v54, v62  }
0xcc: {  	v11 =	vmax.f32 v10, v9;
	v9 =	vmin.f32 v10, v9;
	v10 =	vor.u32 $0x20, v19  }
0xcd: {  	v19 =	vand.u32 $0xFFFFFFC0, v57;
	v57 =	vld.idx.msk [tilespmem:v51+s2+$0x0], $0xffff;
	v51 =	vor.u32 $0x2E, v2;
	v20 =	vmax.f32 v56, v9  }
0xce: {  	v9 =	vmin.f32 v56, v9;
	v23 =	vmin.f32 v5, v10;
	v5 =	vmax.f32 v5, v10  }
0xcf: {  	v22 =	vmin.f32 v6, v9;
	v6 =	vmax.f32 v6, v9;
	v25 =	vmin.f32 v4, v23  }
0xd0: {  	v4 =	vmax.f32 v4, v23;
	v3 =	vmax.f32 v3, v22;
	v26 =	vmin.f32 v7, v25  }
0xd1: {  	v7 =	vmax.f32 v7, v25;
	v27 =	vmax.f32 v63, v26;
	v8 =	vmin.f32 v63, v26  }
0xd2: {  	v10 =	vmax.f32 v11, v8;
	v8 =	vmin.f32 v11, v8;
	v11 =	vor.u32 $0x1F, v28  }
0xd3: {  	v28 =	vand.u32 $0xFFFFFFC0, v21;
	v21 =	vld.idx.msk [tilespmem:v60+s2+$0x0], $0xffff;
	v60 =	vor.u32 $0x2F, v2;
	v29 =	vmax.f32 v20, v8  }
0xd4: {  	v8 =	vmin.f32 v20, v8;
	v32 =	vmin.f32 v5, v11;
	v5 =	vmax.f32 v5, v11  }
0xd5: {  	v31 =	vmin.f32 v6, v8;
	v6 =	vmax.f32 v6, v8;
	v34 =	vmin.f32 v4, v32  }
0xd6: {  	v4 =	vmax.f32 v4, v32;
	v3 =	vmax.f32 v3, v31;
	v35 =	vmin.f32 v7, v34  }
0xd7: {  	v7 =	vmax.f32 v7, v34;
	v36 =	vmax.f32 v27, v35;
	v9 =	vmin.f32 v27, v35  }
0xd8: {  	v11 =	vmax.f32 v10, v9;
	v9 =	vmin.f32 v10, v9;
	v10 =	vor.u32 $0x1E, v37  }
0xd9: {  	v37 =	vand.u32 $0xFFFFFFC0, v30;
	v30 =	vld.idx.msk [tilespmem:v24+s2+$0x0], $0xffff;
	v24 =	vor.u32 $0x30, v2;
	v38 =	vmax.f32 v29, v9  }
0xda: {  	v9 =	vmin.f32 v29, v9;
	v41 =	vmin.f32 v5, v10;
	v5 =	vmax.f32 v5, v10  }
0xdb: {  	v40 =	vmin.f32 v6, v9;
	v6 =	vmax.f32 v6, v9;
	v43 =	vmin.f32 v4, v41  }
0xdc: {  	v4 =	vmax.f32 v4, v41;
	v3 =	vmax.f32 v3, v40;
	v44 =	vmin.f32 v7, v43  }
0xdd: {  	v7 =	vmax.f32 v7, v43;
	v45 =	vmax.f32 v36, v44;
	v8 =	vmin.f32 v36, v44  }
0xde: {  	v10 =	vmax.f32 v11, v8;
	v8 =	vmin.f32 v11, v8;
	v11 =	vor.u32 $0x1D, v46  }
0xdf: {  	v46 =	vand.u32 $0xFFFFFFC0, v39;
	v39 =	vld.idx.msk [tilespmem:v33+s2+$0x0], $0xffff;
	v33 =	vor.u32 $0x31, v2;
	v47 =	vmax.f32 v38, v8  }
0xe0: {  	v8 =	vmin.f32 v38, v8;
	v50 =	vmin.f32 v5, v11;
	v5 =	vmax.f32 v5, v11  }
0xe1: {  	v49 =	vmin.f32 v6, v8;
	v6 =	vmax.f32 v6, v8;
	v52 =	vmin.f32 v4, v50  }
0xe2: {  	v4 =	vmax.f32 v4, v50;
	v3 =	vmax.f32 v3, v49;
	v53 =	vmin.f32 v7, v52  }
0xe3: {  	v7 =	vmax.f32 v7, v52;
	v54 =	vmax.f32 v45, v53;
	v9 =	vmin.f32 v45, v53  }
0xe4: {  	v11 =	vmax.f32 v10, v9;
	v9 =	vmin.f32 v10, v9;
	v10 =	vor.u32 $0x1C, v55  }
0xe5: {  	v55 =	vand.u32 $0xFFFFFFC0, v48;
	v48 =	vld.idx.msk [tilespmem:v42+s2+$0x0], $0xffff;
	v42 =	vor.u32 $0x32, v2;
	v56 =	vmax.f32 v47, v9  }
0xe6: {  	v9 =	vmin.f32 v47, v9;
	v59 =	vmin.f32 v5, v10;
	v5 =	vmax.f32 v5, v10  }
0xe7: {  	v58 =	vmin.f32 v6, v9;
	v6 =	vmax.f32 v6, v9;
	v61 =	vmin.f32 v4, v59  }
0xe8: {  	v4 =	vmax.f32 v4, v59;
	v3 =	vmax.f32 v3, v58;
	v62 =	vmin.f32 v7, v61  }
0xe9: {  	v7 =	vmax.f32 v7, v61;
	v63 =	vmax.f32 v54, v62;
	v8 =	vmin.f32 v54, v62  }
0xea: {  	v10 =	vmax.f32 v11, v8;
	v8 =	vmin.f32 v11, v8;
	v11 =	vor.u32 $0x1B, v19  }
0xeb: {  	v19 =	vand.u32 $0xFFFFFFC0, v57;
	v57 =	vld.idx.msk [tilespmem:v51+s2+$0x0], $0xffff;
	v51 =	vor.u32 $0x33, v2;
	v20 =	vmax.f32 v56, v8  }
0xec: {  	v8 =	vmin.f32 v56, v8;
	v23 =	vmin.f32 v5, v11;
	v5 =	vmax.f32 v5, v11  }
0xed: {  	v22 =	vmin.f32 v6, v8;
	v6 =	vmax.f32 v6, v8;
	v25 =	vmin.f32 v4, v23  }
0xee: {  	v4 =	vmax.f32 v4, v23;
	v3 =	vmax.f32 v3, v22;
	v26 =	vmin.f32 v7, v25  }
0xef: {  	v7 =	vmax.f32 v7, v25;
	v27 =	vmax.f32 v63, v26;
	v9 =	vmin.f32 v63, v26  }
0xf0: {  	v11 =	vmax.f32 v10, v9;
	v9 =	vmin.f32 v10, v9;
	v10 =	vor.u32 $0x1A, v28  }
0xf1: {  	v28 =	vand.u32 $0xFFFFFFC0, v21;
	v21 =	vld.idx.msk [tilespmem:v60+s2+$0x0], $0xffff;
	v60 =	vor.u32 $0x34, v2;
	v29 =	vmax.f32 v20, v9  }
0xf2: {  	v9 =	vmin.f32 v20, v9;
	v32 =	vmin.f32 v5, v10;
	v5 =	vmax.f32 v5, v10  }
0xf3: {  	v31 =	vmin.f32 v6, v9;
	v6 =	vmax.f32 v6, v9;
	v34 =	vmin.f32 v4, v32  }
0xf4: {  	v4 =	vmax.f32 v4, v32;
	v3 =	vmax.f32 v3, v31;
	v35 =	vmin.f32 v7, v34  }
0xf5: {  	v7 =	vmax.f32 v7, v34;
	v36 =	vmax.f32 v27, v35;
	v8 =	vmin.f32 v27, v35  }
0xf6: {  	v10 =	vmax.f32 v11, v8;
	v8 =	vmin.f32 v11, v8;
	v11 =	vor.u32 $0x19, v37  }
0xf7: {  	v37 =	vand.u32 $0xFFFFFFC0, v30;
	v30 =	vld.idx.msk [tilespmem:v24+s2+$0x0], $0xffff;
	v24 =	vor.u32 $0x35, v2;
	v38 =	vmax.f32 v29, v8  }
0xf8: {  	v8 =	vmin.f32 v29, v8;
	v41 =	vmin.f32 v5, v11;
	v5 =	vmax.f32 v5, v11  }
0xf9: {  	v40 =	vmin.f32 v6, v8;
	v6 =	vmax.f32 v6, v8;
	v43 =	vmin.f32 v4, v41  }
0xfa: {  	v4 =	vmax.f32 v4, v41;
	v3 =	vmax.f32 v3, v40;
	v44 =	vmin.f32 v7, v43  }
0xfb: {  	v7 =	vmax.f32 v7, v43;
	v45 =	vmax.f32 v36, v44;
	v9 =	vmin.f32 v36, v44  }
0xfc: {  	v11 =	vmax.f32 v10, v9;
	v9 =	vmin.f32 v10, v9;
	v10 =	vor.u32 $0x18, v46  }
0xfd: {  	v46 =	vand.u32 $0xFFFFFFC0, v39;
	v39 =	vld.idx.msk [tilespmem:v33+s2+$0x0], $0xffff;
	v33 =	vor.u32 $0x36, v2;
	v47 =	vmax.f32 v38, v9  }
0xfe: {  	v9 =	vmin.f32 v38, v9;
	v50 =	vmin.f32 v5, v10;
	v5 =	vmax.f32 v5, v10  }
0xff: {  	v49 =	vmin.f32 v6, v9;
	v6 =	vmax.f32 v6, v9;
	v52 =	vmin.f32 v4, v50  }
0x100: {  	v4 =	vmax.f32 v4, v50;
	v3 =	vmax.f32 v3, v49;
	v53 =	vmin.f32 v7, v52  }
0x101: {  	v7 =	vmax.f32 v7, v52;
	v54 =	vmax.f32 v45, v53;
	v8 =	vmin.f32 v45, v53  }
0x102: {  	v10 =	vmax.f32 v11, v8;
	v8 =	vmin.f32 v11, v8;
	v11 =	vor.u32 $0x17, v55  }
0x103: {  	v55 =	vand.u32 $0xFFFFFFC0, v48;
	v48 =	vld.idx.msk [tilespmem:v42+s2+$0x0], $0xffff;
	v42 =	vor.u32 $0x37, v2;
	v56 =	vmax.f32 v47, v8  }
0x104: {  	v8 =	vmin.f32 v47, v8;
	v59 =	vmin.f32 v5, v11;
	v5 =	vmax.f32 v5, v11  }
0x105: {  	v58 =	vmin.f32 v6, v8;
	v6 =	vmax.f32 v6, v8;
	v61 =	vmin.f32 v4, v59  }
0x106: {  	v4 =	vmax.f32 v4, v59;
	v3 =	vmax.f32 v3, v58;
	v62 =	vmin.f32 v7, v61  }
0x107: {  	v7 =	vmax.f32 v7, v61;
	v63 =	vmax.f32 v54, v62;
	v9 =	vmin.f32 v54, v62  }
0x108: {  	v11 =	vmax.f32 v10, v9;
	v9 =	vmin.f32 v10, v9;
	v10 =	vor.u32 $0x16, v19  }
0x109: {  	v19 =	vand.u32 $0xFFFFFFC0, v57;
	v57 =	vld.idx.msk [tilespmem:v51+s2+$0x0], $0xffff;
	v51 =	vor.u32 $0x38, v2;
	v20 =	vmax.f32 v56, v9  }
0x10a: {  	v9 =	vmin.f32 v56, v9;
	v23 =	vmin.f32 v5, v10;
	v5 =	vmax.f32 v5, v10  }
0x10b: {  	v22 =	vmin.f32 v6, v9;
	v6 =	vmax.f32 v6, v9;
	v25 =	vmin.f32 v4, v23  }
0x10c: {  	v4 =	vmax.f32 v4, v23;
	v3 =	vmax.f32 v3, v22;
	v26 =	vmin.f32 v7, v25  }
0x10d: {  	v7 =	vmax.f32 v7, v25;
	v27 =	vmax.f32 v63, v26;
	v8 =	vmin.f32 v63, v26  }
0x10e: {  	v10 =	vmax.f32 v11, v8;
	v8 =	vmin.f32 v11, v8;
	v11 =	vor.u32 $0x15, v28  }
0x10f: {  	v28 =	vand.u32 $0xFFFFFFC0, v21;
	v21 =	vld.idx.msk [tilespmem:v60+s2+$0x0], $0xffff;
	v60 =	vor.u32 $0x39, v2;
	v29 =	vmax.f32 v20, v8  }
0x110: {  	v8 =	vmin.f32 v20, v8;
	v32 =	vmin.f32 v5, v11;
	v5 =	vmax.f32 v5, v11  }
0x111: {  	v31 =	vmin.f32 v6, v8;
	v6 =	vmax.f32 v6, v8;
	v34 =	vmin.f32 v4, v32  }
0x112: {  	v4 =	vmax.f32 v4, v32;
	v3 =	vmax.f32 v3, v31;
	v35 =	vmin.f32 v7, v34  }
0x113: {  	v7 =	vmax.f32 v7, v34;
	v36 =	vmax.f32 v27, v35;
	v9 =	vmin.f32 v27, v35  }
0x114: {  	v11 =	vmax.f32 v10, v9;
	v9 =	vmin.f32 v10, v9;
	v10 =	vor.u32 $0x14, v37  }
0x115: {  	v37 =	vand.u32 $0xFFFFFFC0, v30;
	v30 =	vld.idx.msk [tilespmem:v24+s2+$0x0], $0xffff;
	v24 =	vor.u32 $0x3A, v2;
	v38 =	vmax.f32 v29, v9  }
0x116: {  	v9 =	vmin.f32 v29, v9;
	v41 =	vmin.f32 v5, v10;
	v5 =	vmax.f32 v5, v10  }
0x117: {  	v40 =	vmin.f32 v6, v9;
	v6 =	vmax.f32 v6, v9;
	v43 =	vmin.f32 v4, v41  }
0x118: {  	v4 =	vmax.f32 v4, v41;
	v3 =	vmax.f32 v3, v40;
	v44 =	vmin.f32 v7, v43  }
0x119: {  	v7 =	vmax.f32 v7, v43;
	v45 =	vmax.f32 v36, v44;
	v8 =	vmin.f32 v36, v44  }
0x11a: {  	v10 =	vmax.f32 v11, v8;
	v8 =	vmin.f32 v11, v8;
	v11 =	vor.u32 $0x13, v46  }
0x11b: {  	v46 =	vand.u32 $0xFFFFFFC0, v39;
	v39 =	vld.idx.msk [tilespmem:v33+s2+$0x0], $0xffff;
	v33 =	vor.u32 $0x3B, v2;
	v47 =	vmax.f32 v38, v8  }
0x11c: {  	v8 =	vmin.f32 v38, v8;
	v50 =	vmin.f32 v5, v11;
	v5 =	vmax.f32 v5, v11  }
0x11d: {  	v49 =	vmin.f32 v6, v8;
	v6 =	vmax.f32 v6, v8;
	v52 =	vmin.f32 v4, v50  }
0x11e: {  	v4 =	vmax.f32 v4, v50;
	v3 =	vmax.f32 v3, v49;
	v53 =	vmin.f32 v7, v52  }
0x11f: {  	v7 =	vmax.f32 v7, v52;
	v54 =	vmax.f32 v45, v53;
	v9 =	vmin.f32 v45, v53  }
0x120: {  	v11 =	vmax.f32 v10, v9;
	v9 =	vmin.f32 v10, v9;
	v10 =	vor.u32 $0x12, v55  }
0x121: {  	v55 =	vand.u32 $0xFFFFFFC0, v48;
	v48 =	vld.idx.msk [tilespmem:v42+s2+$0x0], $0xffff;
	v42 =	vor.u32 $0x3C, v2;
	v56 =	vmax.f32 v47, v9  }
0x122: {  	v9 =	vmin.f32 v47, v9;
	v59 =	vmin.f32 v5, v10;
	v5 =	vmax.f32 v5, v10  }
0x123: {  	v58 =	vmin.f32 v6, v9;
	v6 =	vmax.f32 v6, v9;
	v61 =	vmin.f32 v4, v59  }
0x124: {  	v4 =	vmax.f32 v4, v59;
	v3 =	vmax.f32 v3, v58;
	v62 =	vmin.f32 v7, v61  }
0x125: {  	v7 =	vmax.f32 v7, v61;
	v63 =	vmax.f32 v54, v62;
	v8 =	vmin.f32 v54, v62  }
0x126: {  	v10 =	vmax.f32 v11, v8;
	v8 =	vmin.f32 v11, v8;
	v11 =	vor.u32 $0x11, v19  }
0x127: {  	v19 =	vand.u32 $0xFFFFFFC0, v57;
	v20 =	vmax.f32 v56, v8;
	v23 =	vmin.f32 v5, v11  }
0x128: {  	v8 =	vmin.f32 v56, v8;
	v5 =	vmax.f32 v5, v11;
	v25 =	vmin.f32 v4, v23  }
0x129: {  	v22 =	vmin.f32 v6, v8;
	v6 =	vmax.f32 v6, v8;
	v26 =	vmin.f32 v7, v25  }
0x12a: {  	v4 =	vmax.f32 v4, v23;
	v3 =	vmax.f32 v3, v22;
	v9 =	vmin.f32 v63, v26  }
0x12b: {  	v7 =	vmax.f32 v7, v25;
	v27 =	vmax.f32 v63, v26;
	v11 =	vmax.f32 v10, v9  }
0x12c: {  	v9 =	vmin.f32 v10, v9;
	v10 =	vor.u32 $0x10, v28;
	v28 =	vand.u32 $0xFFFFFFC0, v21  }
0x12d: {  	v29 =	vmax.f32 v20, v9;
	v9 =	vmin.f32 v20, v9;
	v32 =	vmin.f32 v5, v10  }
0x12e: {  	v5 =	vmax.f32 v5, v10;
	v31 =	vmin.f32 v6, v9;
	v34 =	vmin.f32 v4, v32  }
0x12f: {  	v6 =	vmax.f32 v6, v9;
	v4 =	vmax.f32 v4, v32;
	v35 =	vmin.f32 v7, v34  }
0x130: {  	v3 =	vmax.f32 v3, v31;
	v7 =	vmax.f32 v7, v34;
	v8 =	vmin.f32 v27, v35  }
0x131: {  	v36 =	vmax.f32 v27, v35;
	v10 =	vmax.f32 v11, v8;
	v8 =	vmin.f32 v11, v8  }
0x132: {  	v11 =	vor.u32 $0xF, v37;
	v37 =	vand.u32 $0xFFFFFFC0, v30;
	v38 =	vmax.f32 v29, v8  }
0x133: {  	v8 =	vmin.f32 v29, v8;
	v41 =	vmin.f32 v5, v11;
	v5 =	vmax.f32 v5, v11  }
0x134: {  	v40 =	vmin.f32 v6, v8;
	v6 =	vmax.f32 v6, v8;
	v43 =	vmin.f32 v4, v41  }
0x135: {  	v4 =	vmax.f32 v4, v41;
	v3 =	vmax.f32 v3, v40;
	v44 =	vmin.f32 v7, v43  }
0x136: {  	v7 =	vmax.f32 v7, v43;
	v45 =	vmax.f32 v36, v44;
	v9 =	vmin.f32 v36, v44  }
0x137: {  	v11 =	vmax.f32 v10, v9;
	v9 =	vmin.f32 v10, v9;
	v10 =	vor.u32 $0xE, v46  }
0x138: {  	v46 =	vand.u32 $0xFFFFFFC0, v39;
	v47 =	vmax.f32 v38, v9;
	v50 =	vmin.f32 v5, v10  }
0x139: {  	v9 =	vmin.f32 v38, v9;
	v5 =	vmax.f32 v5, v10;
	v52 =	vmin.f32 v4, v50  }
0x13a: {  	v49 =	vmin.f32 v6, v9;
	v6 =	vmax.f32 v6, v9;
	v53 =	vmin.f32 v7, v52  }
0x13b: {  	v4 =	vmax.f32 v4, v50;
	v3 =	vmax.f32 v3, v49;
	v8 =	vmin.f32 v45, v53  }
0x13c: {  	v7 =	vmax.f32 v7, v52;
	v54 =	vmax.f32 v45, v53;
	v10 =	vmax.f32 v11, v8  }
0x13d: {  	v8 =	vmin.f32 v11, v8;
	v11 =	vor.u32 $0xD, v55;
	v55 =	vand.u32 $0xFFFFFFC0, v48  }
0x13e: {  	v57 =	vld.idx.msk [tilespmem:v51+s2+$0x0], $0xffff;
	v56 =	vmax.f32 v47, v8;
	v8 =	vmin.f32 v47, v8;
	v59 =	vmin.f32 v5, v11  }
0x13f: {  	v5 =	vmax.f32 v5, v11;
	v58 =	vmin.f32 v6, v8;
	v61 =	vmin.f32 v4, v59  }
0x140: {  	v6 =	vmax.f32 v6, v8;
	v4 =	vmax.f32 v4, v59;
	v62 =	vmin.f32 v7, v61  }
0x141: {  	v3 =	vmax.f32 v3, v58;
	v7 =	vmax.f32 v7, v61;
	v9 =	vmin.f32 v54, v62  }
0x142: {  	v63 =	vmax.f32 v54, v62;
	v11 =	vmax.f32 v10, v9;
	v9 =	vmin.f32 v10, v9  }
0x143: {  	v10 =	vor.u32 $0xC, v19;
	v19 =	vand.u32 $0xFFFFFFC0, v57;
	v20 =	vmax.f32 v56, v9  }
0x144: {  	v21 =	vld.idx.msk [tilespmem:v60+s2+$0x0], $0xffff;
	v9 =	vmin.f32 v56, v9;
	v23 =	vmin.f32 v5, v10;
	v5 =	vmax.f32 v5, v10  }
0x145: {  	v22 =	vmin.f32 v6, v9;
	v6 =	vmax.f32 v6, v9;
	v25 =	vmin.f32 v4, v23  }
0x146: {  	v4 =	vmax.f32 v4, v23;
	v3 =	vmax.f32 v3, v22;
	v26 =	vmin.f32 v7, v25  }
0x147: {  	v7 =	vmax.f32 v7, v25;
	v27 =	vmax.f32 v63, v26;
	v8 =	vmin.f32 v63, v26  }
0x148: {  	v10 =	vmax.f32 v11, v8;
	v8 =	vmin.f32 v11, v8;
	v11 =	vor.u32 $0xB, v28  }
0x149: {  	v30 =	vld.idx.msk [tilespmem:v24+s2+$0x0], $0xffff;
	v28 =	vand.u32 $0xFFFFFFC0, v21;
	v29 =	vmax.f32 v20, v8;
	v32 =	vmin.f32 v5, v11  }
0x14a: {  	v8 =	vmin.f32 v20, v8;
	v5 =	vmax.f32 v5, v11;
	v34 =	vmin.f32 v4, v32  }
0x14b: {  	v31 =	vmin.f32 v6, v8;
	v6 =	vmax.f32 v6, v8;
	v35 =	vmin.f32 v7, v34  }
0x14c: {  	v4 =	vmax.f32 v4, v32;
	v3 =	vmax.f32 v3, v31;
	v9 =	vmin.f32 v27, v35  }
0x14d: {  	v7 =	vmax.f32 v7, v34;
	v36 =	vmax.f32 v27, v35;
	v11 =	vmax.f32 v10, v9  }
0x14e: {  	v9 =	vmin.f32 v10, v9;
	v10 =	vor.u32 $0xA, v37;
	v37 =	vand.u32 $0xFFFFFFC0, v30  }
0x14f: {  	v39 =	vld.idx.msk [tilespmem:v33+s2+$0x0], $0xffff;
	v38 =	vmax.f32 v29, v9;
	v9 =	vmin.f32 v29, v9;
	v41 =	vmin.f32 v5, v10  }
0x150: {  	v5 =	vmax.f32 v5, v10;
	v40 =	vmin.f32 v6, v9;
	v43 =	vmin.f32 v4, v41  }
0x151: {  	v6 =	vmax.f32 v6, v9;
	v4 =	vmax.f32 v4, v41;
	v44 =	vmin.f32 v7, v43  }
0x152: {  	v3 =	vmax.f32 v3, v40;
	v7 =	vmax.f32 v7, v43;
	v8 =	vmin.f32 v36, v44  }
0x153: {  	v45 =	vmax.f32 v36, v44;
	v10 =	vmax.f32 v11, v8;
	v8 =	vmin.f32 v11, v8  }
0x154: {  	v11 =	vor.u32 $0x9, v46;
	v46 =	vand.u32 $0xFFFFFFC0, v39;
	v47 =	vmax.f32 v38, v8  }
0x155: {  	v48 =	vld.idx.msk [tilespmem:v42+s2+$0x0], $0xffff;
	v8 =	vmin.f32 v38, v8;
	v50 =	vmin.f32 v5, v11;
	v5 =	vmax.f32 v5, v11  }
0x156: {  	v49 =	vmin.f32 v6, v8;
	v6 =	vmax.f32 v6, v8;
	v52 =	vmin.f32 v4, v50  }
0x157: {  	v4 =	vmax.f32 v4, v50;
	v3 =	vmax.f32 v3, v49;
	v53 =	vmin.f32 v7, v52  }
0x158: {  	v7 =	vmax.f32 v7, v52;
	v49 =	vor.u32 $0x3D, v2;
	v9 =	vmin.f32 v45, v53  }
0x159: {  	v54 =	vmax.f32 v45, v53;
	v11 =	vmax.f32 v10, v9;
	v9 =	vmin.f32 v10, v9  }
0x15a: {  	v10 =	vor.u32 $0x8, v55;
	v55 =	vand.u32 $0xFFFFFFC0, v48;
	v56 =	vmax.f32 v47, v9  }
0x15b: {  	v9 =	vmin.f32 v47, v9;
	v59 =	vmin.f32 v5, v10;
	v5 =	vmax.f32 v5, v10  }
0x15c: {  	v58 =	vmin.f32 v6, v9;
	v6 =	vmax.f32 v6, v9;
	v61 =	vmin.f32 v4, v59  }
0x15d: {  	v4 =	vmax.f32 v4, v59;
	v3 =	vmax.f32 v3, v58;
	v62 =	vmin.f32 v7, v61  }
0x15e: {  	v7 =	vmax.f32 v7, v61;
	v58 =	vor.u32 $0x3, v55;
	v63 =	vmax.f32 v54, v62  }
0x15f: {  	v8 =	vmin.f32 v54, v62;
	v62 =	vor.u32 $0x3E, v2;
	v2 =	vor.u32 $0x3F, v2  }
0x160: {  	v10 =	vmax.f32 v11, v8;
	v8 =	vmin.f32 v11, v8;
	v11 =	vor.u32 $0x7, v19  }
0x161: {  	v20 =	vmax.f32 v56, v8;
	v8 =	vmin.f32 v56, v8;
	v23 =	vmin.f32 v5, v11  }
0x162: {  	v5 =	vmax.f32 v5, v11;
	v56 =	vld.idx.msk [tilespmem:v49+s2+$0x0], $0xffff;
	v22 =	vmin.f32 v6, v8;
	v25 =	vmin.f32 v4, v23  }
0x163: {  	v6 =	vmax.f32 v6, v8;
	v4 =	vmax.f32 v4, v23;
	v26 =	vmin.f32 v7, v25  }
0x164: {  	v3 =	vmax.f32 v3, v22;
	v7 =	vmax.f32 v7, v25;
	v9 =	vmin.f32 v63, v26  }
0x165: {  	v27 =	vmax.f32 v63, v26;
	v15 =	vld.idx.msk [tilespmem:v62+s2+$0x0], $0xffff;
	v11 =	vmax.f32 v10, v9;
	v9 =	vmin.f32 v10, v9  }
0x166: {  	v2 =	vld.idx.msk [tilespmem:v2+s2+$0x0], $0xffff;
	v10 =	vor.u32 $0x6, v28;
	v29 =	vmax.f32 v20, v9;
	v9 =	vmin.f32 v20, v9  }
0x167: {  	v32 =	vmin.f32 v5, v10;
	v5 =	vmax.f32 v5, v10;
	v19 =	vand.u32 $0xFFFFFFC0, v56  }
0x168: {  	v31 =	vmin.f32 v6, v9;
	v6 =	vmax.f32 v6, v9;
	v34 =	vmin.f32 v4, v32  }
0x169: {  	v4 =	vmax.f32 v4, v32;
	v3 =	vmax.f32 v3, v31;
	v35 =	vmin.f32 v7, v34  }
0x16a: {  	v7 =	vmax.f32 v7, v34;
	v36 =	vmax.f32 v27, v35;
	v8 =	vmin.f32 v27, v35  }
0x16b: {  	v31 =	vand.u32 $0xFFFFFFC0, v15;
	v2 =	vand.u32 $0xFFFFFFC0, v2;
	v10 =	vmax.f32 v11, v8  }
0x16c: {  	v8 =	vmin.f32 v11, v8;
	v11 =	vor.u32 $0x5, v37;
	v32 =	vor.u32 $0x1, v31  }
0x16d: {  	v38 =	vmax.f32 v29, v8;
	v8 =	vmin.f32 v29, v8;
	v41 =	vmin.f32 v5, v11  }
0x16e: {  	v5 =	vmax.f32 v5, v11;
	v40 =	vmin.f32 v6, v8;
	v43 =	vmin.f32 v4, v41  }
0x16f: {  	v6 =	vmax.f32 v6, v8;
	v4 =	vmax.f32 v4, v41;
	v44 =	vmin.f32 v7, v43  }
0x170: {  	v3 =	vmax.f32 v3, v40;
	v7 =	vmax.f32 v7, v43;
	v9 =	vmin.f32 v36, v44  }
0x171: {  	v45 =	vmax.f32 v36, v44;
	v11 =	vmax.f32 v10, v9;
	v9 =	vmin.f32 v10, v9  }
0x172: {  	v10 =	vor.u32 $0x4, v46;
	v47 =	vmin.f32 v38, v9;
	v9 =	vmax.f32 v38, v9  }
0x173: {  	v51 =	vmin.f32 v5, v10;
	v5 =	vmax.f32 v5, v10;
	v50 =	vmin.f32 v6, v47  }
0x174: {  	v6 =	vmax.f32 v6, v47;
	v52 =	vmin.f32 v4, v51;
	v4 =	vmax.f32 v4, v51  }
0x175: {  	v60 =	vmin.f32 v5, v58;
	v5 =	vmax.f32 v5, v58;
	v53 =	vmin.f32 v7, v52  }
0x176: {  	v3 =	vmax.f32 v3, v50;
	v7 =	vmax.f32 v7, v52;
	v8 =	vmin.f32 v45, v53  }
0x177: {  	v61 =	vmin.f32 v4, v60;
	v10 =	vmax.f32 v11, v8;
	v8 =	vmin.f32 v11, v8  }
0x178: {  	v4 =	vmax.f32 v4, v60;
	v57 =	vmax.f32 v9, v8;
	v8 =	vmin.f32 v9, v8  }
0x179: {  	v54 =	vmax.f32 v45, v53;
	v59 =	vmax.f32 v6, v8;
	v6 =	vmin.f32 v6, v8  }
0x17a: {  	v63 =	vmax.f32 v7, v61;
	v3 =	vmax.f32 v3, v6;
	v6 =	vmin.f32 v7, v61  }
0x17b: {  	v7 =	vor.u32 $0x2, v19;
	v20 =	vmax.f32 v54, v6;
	v6 =	vmin.f32 v54, v6  }
0x17c: {  	v21 =	vmin.f32 v5, v7;
	v5 =	vmax.f32 v5, v7;
	v12 =	vmax.f32 v10, v6  }
0x17d: {  	v6 =	vmin.f32 v10, v6;
	v23 =	vmin.f32 v4, v21;
	v4 =	vmax.f32 v4, v21  }
0x17e: {  	v22 =	vmax.f32 v57, v6;
	v6 =	vmin.f32 v57, v6;
	v25 =	vmin.f32 v63, v23  }
0x17f: {  	v27 =	vmax.f32 v63, v23;
	v24 =	vmax.f32 v59, v6;
	v6 =	vmin.f32 v59, v6  }
0x180: {  	v26 =	vmin.f32 v20, v25;
	v9 =	vmax.f32 v20, v25;
	v3 =	vmax.f32 v3, v6  }
0x181: {  	v28 =	vmin.f32 v12, v26;
	v6 =	vmax.f32 v12, v26;
	v12 =	vmax.f32 v5, v32  }
0x182: {  	v5 =	vmin.f32 v5, v32;
	v29 =	vmin.f32 v22, v28;
	v8 =	vmax.f32 v22, v28  }
0x183: {  	v11 =	vmax.f32 v4, v5;
	v4 =	vmin.f32 v4, v5;
	v33 =	vmin.f32 v12, v2  }
0x184: {  	v2 =	vmax.f32 v12, v2;
	v30 =	vmin.f32 v24, v29;
	v10 =	vmax.f32 v24, v29  }
0x185: {  	v34 =	vmax.f32 v27, v4;
	v35 =	vmax.f32 v11, v33;
	v5 =	vmin.f32 v11, v33  }
0x186: {  	v36 =	vand.u32 $0xFFFFFFC0, v2;
	v4 =	vmin.f32 v27, v4;
	v37 =	vand.u32 $0xFFFFFFC0, v35  }
0x187: {  	v3 =	vmax.f32 v3, v30;
	v38 =	vmax.f32 v34, v5;
	v39 =	vadd.f32 v37, v36  }
0x188: {  	v40 =	vmax.f32 v9, v4;
	v5 =	vmin.f32 v34, v5;
	v41 =	vand.u32 $0xFFFFFFC0, v38  }
0x189: {  	v4 =	vmin.f32 v9, v4;
	v42 =	vmax.f32 v40, v5;
	v15 =	vadd.f32 v41, v39  }
0x18a: {  	v17 =	vmax.f32 v6, v4;
	v5 =	vmin.f32 v40, v5;
	v43 =	vand.u32 $0xFFFFFFC0, v42  }
0x18b: {  	v4 =	vmin.f32 v6, v4;
	v44 =	vmax.f32 v17, v5;
	v15 =	vadd.f32 v43, v15  }
0x18c: {  	v18 =	vmax.f32 v8, v4;
	v5 =	vmin.f32 v17, v5;
	v45 =	vand.u32 $0xFFFFFFC0, v44  }
0x18d: {  	v4 =	vmin.f32 v8, v4;
	v46 =	vmax.f32 v18, v5;
	v15 =	vadd.f32 v45, v15  }
0x18e: {  	v19 =	vmax.f32 v10, v4;
	v5 =	vmin.f32 v18, v5;
	v47 =	vand.u32 $0xFFFFFFC0, v46  }
0x18f: {  	v4 =	vmin.f32 v10, v4;
	v48 =	vmax.f32 v19, v5;
	v15 =	vadd.f32 v47, v15  }
0x190: {  	v3 =	vmax.f32 v3, v4;
	v49 =	vmin.f32 v19, v5;
	v50 =	vand.u32 $0xFFFFFFC0, v48  }
0x191: {  	v3 =	vmax.f32 v3, v49;
	v51 =	vadd.f32 v50, v15  }
0x192: {  	v52 =	vand.u32 $0xFFFFFFC0, v3  }
0x193: {  	v4 =	vadd.f32 v52, v51;
	_ =	sdelay $0x1  }
0x194: {  	(erf) = vrcp.f32 v4;
	_ =	sdelay $0x6  }
0x195: {  	v1 =	vshll.u32 v1, $0x3;
	_ =	sdelay $0x1  }
0x196: {  	v53 =	vor.u32 $0x1, v1;
	v4 =	vpop (erf)  }
0x197: {  	v11 =	vmul.f32 v36, v4  }
0x198: {  	v20 =	vor.u32 $0x2, v1  }
0x199: {  	v2 =	vandn.u32 $0x3F, v2;
	v54 =	vmul.f32 v37, v4;
	[tilespmem:v1+s8+$0x0] =	vst.idx.msk $0xffff, v11  }
0x19a: {  	[tilespmem:v1+s9+$0x0] =	vst.idx.msk $0xffff, v2;
	v2 =	vor.u32 $0x3, v1  }
0x19b: {  	v55 =	vandn.u32 $0x3F, v35;
	v56 =	vmul.f32 v41, v4;
	[tilespmem:v53+s8+$0x0] =	vst.idx.msk $0xffff, v54  }
0x19c: {  	v57 =	vor.u32 $0x4, v1;
	[tilespmem:v53+s9+$0x0] =	vst.idx.msk $0xffff, v55  }
0x19d: {  	v7 =	vandn.u32 $0x3F, v38;
	v58 =	vmul.f32 v43, v4;
	[tilespmem:v20+s8+$0x0] =	vst.idx.msk $0xffff, v56  }
0x19e: {  	v59 =	vor.u32 $0x5, v1;
	[tilespmem:v20+s9+$0x0] =	vst.idx.msk $0xffff, v7  }
0x19f: {  	v9 =	vandn.u32 $0x3F, v42;
	v60 =	vmul.f32 v45, v4;
	[tilespmem:v2+s8+$0x0] =	vst.idx.msk $0xffff, v58  }
0x1a0: {  	[tilespmem:v2+s9+$0x0] =	vst.idx.msk $0xffff, v9;
	v2 =	vor.u32 $0x6, v1  }
0x1a1: {  	v6 =	vandn.u32 $0x3F, v44;
	v61 =	vmul.f32 v47, v4;
	[tilespmem:v57+s8+$0x0] =	vst.idx.msk $0xffff, v60  }
0x1a2: {  	v1 =	vor.u32 $0x7, v1;
	[tilespmem:v57+s9+$0x0] =	vst.idx.msk $0xffff, v6  }
0x1a3: {  	p0 =	sne.s32 s11, $0x1F0;
	v62 =	vandn.u32 $0x3F, v46;
	v5 =	vmul.f32 v50, v4;
	[tilespmem:v59+s8+$0x0] =	vst.idx.msk $0xffff, v61  }
.Ltmp0:
0x1a4: {  	[tilespmem:v59+s9+$0x0] =	vst.idx.msk $0xffff, v62;
	(pc) =	sbr.rel @p0 .LBB2_2-.Ltmp0, $4  }
0x1a5: {  	v63 =	vandn.u32 $0x3F, v48;
	v4 =	vmul.f32 v52, v4;
	[tilespmem:v2+s8+$0x0] =	vst.idx.msk $0xffff, v5  }
0x1a6: {  	[tilespmem:v2+s9+$0x0] =	vst.idx.msk $0xffff, v63  }
0x1a7: {  	v2 =	vandn.u32 $0x3F, v3;
	[tilespmem:v1+s8+$0x0] =	vst.idx.msk $0xffff, v4  }
0x1a8: {  	s11 =	sadd.s32 $0x10, s11;
	[tilespmem:v1+s9+$0x0] =	vst.idx.msk $0xffff, v2  }
0x1a9: {  	[hbm4b:s4+s2] =	stream.linear.scatter [tilespmem:s8], [sflag:$0x1], $0x1000, $0x38;
	[tilespmem:$0xA000] =	vst v63  }
0x1aa: {  	s10 =	sadd.s32 $0x1, s10;
	_ =	swait.ge [sflag:s7], $0x1000  }
0x1ab: {  	p0 =	sne.s32 s10, s6;
	[sflag:s7] =	ssyncset.done $0x0  }
.Ltmp1:
0x1ac: {  	[sflag:s7] =	ssyncadd.s32 $0xFFFFF000;
	(pc) =	sbr.rel @p0 .LBB2_1-.Ltmp1, $4  }
0x1ad: {  	[hbm4b:s5+s2] =	stream.linear.scatter [tilespmem:s9], [sflag:$0x1], $0x1000, $0x38;
	[tilespmem:$0xA000] =	vst v63  }
0x1ae: {  	_ =	swait.ge [sflag:s7], $0x1000  }
0x1af: {  	[sflag:s7] =	ssyncset.done $0x0  }
0x1b0: {  	[sflag:s7] =	ssyncadd.s32 $0xFFFFF000  }
0x1b1: {  	_ =	sfence.sel $0x180000  }
0x1b2: {  	[bflag:$0x0] =	sbarrier.arrive $0xFFFF  }
0x1b3: {  	p0 =	sne.s32 s1, $0x0;
	_ =	strace $0x90000047  }
0x1b4: {  	s0 =	sadd.s32 @!p0 $0x100000, s0;
	[bflag:$0x2] =	sbarrier.arrive $0xFFFF  }
0x1b5: {  	[sflag:s0] =	ssyncadd.tile.s32 @!p0 $0x1;
	_ =	shalt  }
.Lfunc_end2:
_tile_overlayer_lowered:
.L_overlay_start_2:
0x1b6: {  	(tag) =	ssettag $0x2  }
0x1b7: {  	s0 =	rddreg [dreg:$0x0];
	s2 =	stileid.u32  }
0x1b8: {  	s1 =	rddreg [dreg:$0x1];
	p0 =	sne.s32 s2, $0x0  }
0x1b9: {  	s3 =	rddreg [dreg:$0x2];
	[bflag:$0x3] =	sbarrier.arrive $0xFFFF;
	s2 =	simm.s32 @!p0 $0x1C01  }
0x1ba: {  	[timem:s3], [sflag:s2] =	dma.local @!p0 [hbm:s0], s1  }
0x1bb: {  	s0 =	simm.s32 @!p0 $0x1  }
0x1bc: {  	_ =	swait.ge @!p0 [sflag:s0], s1  }
0x1bd: {  	s1 =	ssub.s32 @!p0 $0x0, s1;
	[sflag:s0] =	ssyncset.done @!p0 $0x0  }
0x1be: {  	[sflag:s0] =	ssyncadd.s32 @!p0 s1  }
0x1bf: {  	[bflag:$0x3] =	sbarrier.arrive $0xFFFF  }
0x1c0: {  	_ =	shalt  }

</sc_bundles>
